<compile_context>
chip_gen: v7x
topology: tpu7x:2x2x1
jax: 0.10.2.dev20260603
libtpu: 0.0.44.dev20260713+nightly
codegen_flags: <defaults>
</compile_context>

<pallas_src>
import jax
import jax.numpy as jnp
from jax import lax
from jax.experimental import pallas as pl
from jax.experimental.pallas import tpu as pltpu
from jax.experimental.pallas import tpu_sc as plsc

_BATCH = 16384
_EMB = 32
_NC = 2
_NS = 16
_NW = _NC * _NS
_BPW = _BATCH // _NW
_C = 16
_NCH = _BPW // _C


def _gmf_body(u_hbm, v_hbm, utt, vtt, out_t, ui, vi, buf, o, sem):
    wid = lax.axis_index("s") * _NC + lax.axis_index("c")
    base = wid * _BPW
    pltpu.sync_copy(u_hbm.at[pl.ds(base, _BPW)], ui)
    pltpu.sync_copy(v_hbm.at[pl.ds(base, _BPW)], vi)
    iota = lax.iota(jnp.int32, 16)
    iota_hi = iota + 16

    def chunk(ci, carry):
        rbase = ci * _C
        iu = ui[pl.ds(rbase, _C)]
        offu = (iu // 128) * 128
        ucopies = [
            pltpu.async_copy(
                utt.at[:, pl.ds(pl.multiple_of(offu[k], 128), 128)],
                buf.at[k], sem)
            for k in range(_C)
        ]
        for cp in ucopies:
            cp.wait()
        lu = iu % 128
        for k in range(_C):
            lane = jnp.full((16,), lu[k], jnp.int32)
            col = jnp.full((16,), rbase + k, jnp.int32)
            a_lo = plsc.load_gather(buf.at[k], [iota, lane])
            a_hi = plsc.load_gather(buf.at[k], [iota_hi, lane])
            plsc.store_scatter(o, [iota, col], a_lo)
            plsc.store_scatter(o, [iota_hi, col], a_hi)
        iv = vi[pl.ds(rbase, _C)]
        offv = (iv // 128) * 128
        vcopies = [
            pltpu.async_copy(
                vtt.at[:, pl.ds(pl.multiple_of(offv[k], 128), 128)],
                buf.at[k], sem)
            for k in range(_C)
        ]
        for cp in vcopies:
            cp.wait()
        lv = iv % 128
        for k in range(_C):
            lane = jnp.full((16,), lv[k], jnp.int32)
            col = jnp.full((16,), rbase + k, jnp.int32)
            b_lo = plsc.load_gather(buf.at[k], [iota, lane])
            b_hi = plsc.load_gather(buf.at[k], [iota_hi, lane])
            a_lo = plsc.load_gather(o, [iota, col])
            a_hi = plsc.load_gather(o, [iota_hi, col])
            plsc.store_scatter(o, [iota, col], a_lo * b_lo)
            plsc.store_scatter(o, [iota_hi, col], a_hi * b_hi)
        return carry

    lax.fori_loop(0, _NCH, chunk, 0)
    pltpu.sync_copy(o, out_t.at[:, pl.ds(base, _BPW)])


@jax.jit
def _gmf(u, v, utt, vtt):
    run = pl.kernel(
        _gmf_body,
        out_type=jax.ShapeDtypeStruct((_EMB, _BATCH), jnp.float32),
        mesh=plsc.VectorSubcoreMesh(core_axis_name="c", subcore_axis_name="s"),
        compiler_params=pltpu.CompilerParams(needs_layout_passes=False),
        scratch_types=[
            pltpu.VMEM((_BPW,), jnp.int32),
            pltpu.VMEM((_BPW,), jnp.int32),
            pltpu.VMEM((_C, _EMB, 128), jnp.float32),
            pltpu.VMEM((_EMB, _BPW), jnp.float32),
            pltpu.SemaphoreType.DMA,
        ],
    )
    return run(u, v, utt, vtt)


def kernel(u, v, u_table, v_table):
    out_t = _gmf(u.astype(jnp.int32), v.astype(jnp.int32),
                 u_table.T, v_table.T)
    return out_t.T

# --- scband reference (transcript-rebuilt; emitter-appended) ---
"""Pipeline reference for scband-gmf-2199023255921 (READ-ONLY COPY).

The authoritative reference and input builder live on the scoring server;
editing this copy changes nothing except your own understanding.
"""

import jax, jax.numpy as jnp
import numpy as np

NUM_USER = 1000000
NUM_ITEM = 1000000
EMB_DIM = 32
BATCH = 16384

def setup_inputs(seed: int = 0) -> dict:
    key = jax.random.key(seed)
    k1, k2, k3, k4 = jax.random.split(key, 4)
    u = jax.random.randint(k1, (BATCH,), 0, NUM_USER, dtype=jnp.int64) if jax.config.jax_enable_x64 else jax.random.randint(k1, (BATCH,), 0, NUM_USER, dtype=jnp.int32)
    v = jax.random.randint(k2, (BATCH,), 0, NUM_ITEM, dtype=jnp.int64) if jax.config.jax_enable_x64 else jax.random.randint(k2, (BATCH,), 0, NUM_ITEM, dtype=jnp.int32)
    u_table = jax.random.normal(k3, (NUM_USER, EMB_DIM), dtype=jnp.float32)
    v_table = jax.random.normal(k4, (NUM_ITEM, EMB_DIM), dtype=jnp.float32)
    return {"u": u, "v": v, "u_table": u_table, "v_table": v_table}

def reference(u, v, u_table, v_table):
    # GMF forward: embedding lookups + elementwise multiply
    u_e = jnp.take(u_table, u, axis=0)
    v_e = jnp.take(v_table, v, axis=0)
    return u_e * v_e

if __name__ == "__main__":
    import jax
    _d = setup_inputs()
    print(jax.jit(kernel)(*tuple(_d.values())))

</pallas_src>

<mosaic_0001>
#map = affine_map<(d0, d1) -> (0)>
#map1 = affine_map<(d0, d1) -> (0, 0)>
module attributes {stable_mosaic.version = 14 : i64} {
  func.func @_gmf_body(%arg0: i32, %arg1: i32, %arg2: memref<16384xi32, #tpu.memory_space<hbm>>, %arg3: memref<16384xi32, #tpu.memory_space<hbm>>, %arg4: memref<32x1000000xf32, #tpu.memory_space<hbm>>, %arg5: memref<32x1000000xf32, #tpu.memory_space<hbm>>, %arg6: memref<32x16384xf32, #tpu.memory_space<hbm>>, %arg7: memref<512xi32, #tpu.memory_space<vmem>>, %arg8: memref<512xi32, #tpu.memory_space<vmem>>, %arg9: memref<16x32x128xf32, #tpu.memory_space<vmem>>, %arg10: memref<32x512xf32, #tpu.memory_space<vmem>>, %arg11: memref<!tpu.dma_semaphore, #tpu.memory_space<semaphore_mem>>) attributes {dimension_semantics = [#tpu.dimension_semantics<core_parallel>, #tpu.dimension_semantics<subcore_parallel>], iteration_bounds = array<i64: 2, 16>, scalar_prefetch = 0 : i64, scratch_operands = 5 : i64, tpu.core_type = #tpu.core_type<sc_vector_subcore>, window_params = [{transform_indices = #map}, {transform_indices = #map}, {transform_indices = #map1}, {transform_indices = #map1}, {transform_indices = #map1}]} {
    %mul3A = arith.constant 2 : i32
    %mul3A_0 = arith.muli %arg1, %mul3A : i32
    %add3A = arith.addi %mul3A_0, %arg0 : i32
    %mul3A_1 = arith.constant 512 : i32
    %mul3A_2 = arith.muli %add3A, %mul3A_1 : i32
    "tpu.region"() ({
      %run_scoped3A = tpu.sem_alloc : memref<!tpu.dma_semaphore, #tpu.memory_space<semaphore_mem>>
      %dma_start3A = tpu.memref_slice %arg2[%mul3A_2] : memref<16384xi32, #tpu.memory_space<hbm>> -> memref<512xi32, #tpu.memory_space<hbm>>
      %dma_start3A_11 = tpu.memref_slice %arg2[%mul3A_2] : memref<16384xi32, #tpu.memory_space<hbm>> -> memref<512xi32, #tpu.memory_space<hbm>>
      tpu.enqueue_dma source(%dma_start3A_11 : memref<512xi32, #tpu.memory_space<hbm>>) target(%arg7 : memref<512xi32, #tpu.memory_space<vmem>>) target_semaphore(%run_scoped3A : memref<!tpu.dma_semaphore, #tpu.memory_space<semaphore_mem>>)
      %dma_wait3A = tpu.memref_slice %arg2[%mul3A_2] : memref<16384xi32, #tpu.memory_space<hbm>> -> memref<512xi32, #tpu.memory_space<hbm>>
      %dma_wait3A_12 = tpu.memref_slice %arg2[%mul3A_2] : memref<16384xi32, #tpu.memory_space<hbm>> -> memref<512xi32, #tpu.memory_space<hbm>>
      tpu.wait_dma2 semaphore(%run_scoped3A : memref<!tpu.dma_semaphore, #tpu.memory_space<semaphore_mem>>) src(%dma_wait3A_12 : memref<512xi32, #tpu.memory_space<hbm>>) dst(%arg7 : memref<512xi32, #tpu.memory_space<vmem>>)
      tpu.yield
    }) : () -> ()
    "tpu.region"() ({
      %run_scoped3A = tpu.sem_alloc : memref<!tpu.dma_semaphore, #tpu.memory_space<semaphore_mem>>
      %dma_start3A = tpu.memref_slice %arg3[%mul3A_2] : memref<16384xi32, #tpu.memory_space<hbm>> -> memref<512xi32, #tpu.memory_space<hbm>>
      %dma_start3A_11 = tpu.memref_slice %arg3[%mul3A_2] : memref<16384xi32, #tpu.memory_space<hbm>> -> memref<512xi32, #tpu.memory_space<hbm>>
      tpu.enqueue_dma source(%dma_start3A_11 : memref<512xi32, #tpu.memory_space<hbm>>) target(%arg8 : memref<512xi32, #tpu.memory_space<vmem>>) target_semaphore(%run_scoped3A : memref<!tpu.dma_semaphore, #tpu.memory_space<semaphore_mem>>)
      %dma_wait3A = tpu.memref_slice %arg3[%mul3A_2] : memref<16384xi32, #tpu.memory_space<hbm>> -> memref<512xi32, #tpu.memory_space<hbm>>
      %dma_wait3A_12 = tpu.memref_slice %arg3[%mul3A_2] : memref<16384xi32, #tpu.memory_space<hbm>> -> memref<512xi32, #tpu.memory_space<hbm>>
      tpu.wait_dma2 semaphore(%run_scoped3A : memref<!tpu.dma_semaphore, #tpu.memory_space<semaphore_mem>>) src(%dma_wait3A_12 : memref<512xi32, #tpu.memory_space<hbm>>) dst(%arg8 : memref<512xi32, #tpu.memory_space<vmem>>)
      tpu.yield
    }) : () -> ()
    %iota3A = tpu.iota {dimensions = array<i32: 0>} : vector<16xi32>
    %add3A_3 = arith.constant 16 : i32
    %add3A_4 = vector.broadcast %add3A_3 : i32 to vector<16xi32>
    %add3A_5 = arith.addi %iota3A, %add3A_4 : vector<16xi32>
    %scan3A = arith.constant 0 : i32
    %scan3A_6 = arith.constant 0 : i32
    %scan3A_7 = arith.constant 32 : i32
    %scan3A_8 = arith.addi %scan3A_6, %scan3A_7 : i32
    %scan3A_9 = arith.constant 1 : i32
    scf.for %scan3A_11 = %scan3A_6 to %scan3A_8 step %scan3A_9  : i32 {
      %mul3A_12 = arith.constant 16 : i32
      %mul3A_13 = arith.muli %scan3A_11, %mul3A_12 : i32
      %get3A = arith.index_cast %mul3A_13 : i32 to index
      %get3A_14 = tpu.vector_load %arg7[%get3A] {strides = array<i32>} : memref<512xi32, #tpu.memory_space<vmem>>, vector<16xi32>,
      %jit3A = arith.constant 128 : i32
      %div3A = vector.broadcast %jit3A : i32 to vector<16xi32>
      %div3A_15 = arith.divsi %get3A_14, %div3A : vector<16xi32>
      %sign3A = arith.constant 0 : i32
      %sign3A_16 = vector.broadcast %sign3A : i32 to vector<16xi32>
      %sign3A_17 = arith.cmpi sgt, %get3A_14, %sign3A_16 : vector<16xi32>
      %sign3A_18 = arith.extui %sign3A_17 : vector<16xi1> to vector<16xi32>
      %sign3A_19 = arith.constant 0 : i32
      %sign3A_20 = vector.broadcast %sign3A_19 : i32 to vector<16xi32>
      %sign3A_21 = arith.cmpi slt, %get3A_14, %sign3A_20 : vector<16xi32>
      %sign3A_22 = arith.extui %sign3A_21 : vector<16xi1> to vector<16xi32>
      %sign3A_23 = arith.subi %sign3A_18, %sign3A_22 : vector<16xi32>
      %sign3A_24 = arith.constant 0 : i32
      %sign3A_25 = arith.cmpi sgt, %jit3A, %sign3A_24 : i32
      %sign3A_26 = arith.extui %sign3A_25 : i1 to i32
      %sign3A_27 = arith.constant 0 : i32
      %sign3A_28 = arith.cmpi slt, %jit3A, %sign3A_27 : i32
      %sign3A_29 = arith.extui %sign3A_28 : i1 to i32
      %sign3A_30 = arith.subi %sign3A_26, %sign3A_29 : i32
      %ne3A = vector.broadcast %sign3A_30 : i32 to vector<16xi32>
      %ne3A_31 = arith.cmpi ne, %sign3A_23, %ne3A : vector<16xi32>
      %rem3A = vector.broadcast %jit3A : i32 to vector<16xi32>
      %rem3A_32 = arith.remsi %get3A_14, %rem3A : vector<16xi32>
      %ne3A_33 = arith.constant 0 : i32
      %ne3A_34 = vector.broadcast %ne3A_33 : i32 to vector<16xi32>
      %ne3A_35 = arith.cmpi ne, %rem3A_32, %ne3A_34 : vector<16xi32>
      %and3A = arith.andi %ne3A_31, %ne3A_35 : vector<16xi1>
      %sub3A = arith.constant 1 : i32
      %sub3A_36 = vector.broadcast %sub3A : i32 to vector<16xi32>
      %sub3A_37 = arith.subi %div3A_15, %sub3A_36 : vector<16xi32>
      %select_n3A = arith.select %and3A, %sub3A_37, %div3A_15 : vector<16xi1>, vector<16xi32>
      %mul3A_38 = arith.constant 128 : i32
      %mul3A_39 = vector.broadcast %mul3A_38 : i32 to vector<16xi32>
      %mul3A_40 = arith.muli %select_n3A, %mul3A_39 : vector<16xi32>
      %slice3A = vector.extract_strided_slice %mul3A_40 {offsets = [0], sizes = [1], strides = [1]} : vector<16xi32> to vector<1xi32>
      %squeeze3A = vector.extract %slice3A[0] : i32 from vector<1xi32>
      %multiple_of3A = tpu.assume_multiple %squeeze3A, 128 : i32
      %dma_start3A = arith.constant 0 : i32
      %dma_start3A_41 = arith.constant 0 : i32
      %dma_start3A_42 = arith.constant 0 : i32
      %dma_start3A_43 = tpu.memref_slice %arg9[%dma_start3A, %dma_start3A_41, %dma_start3A_42] : memref<16x32x128xf32, #tpu.memory_space<vmem>> -> memref<1x32x128xf32, #tpu.memory_space<vmem>>
      %dma_start3A_44 = tpu.memref_squeeze %dma_start3A_43 : memref<1x32x128xf32, #tpu.memory_space<vmem>> -> memref<32x128xf32, #tpu.memory_space<vmem>>
      %dma_start3A_45 = arith.constant 0 : i32
      %dma_start3A_46 = tpu.memref_slice %arg4[%dma_start3A_45, %multiple_of3A] : memref<32x1000000xf32, #tpu.memory_space<hbm>> -> memref<32x128xf32, #tpu.memory_space<hbm>>
      %dma_start3A_47 = arith.constant 0 : i32
      %dma_start3A_48 = arith.constant 0 : i32
      %dma_start3A_49 = tpu.memref_slice %arg9[%dma_start3A, %dma_start3A_47, %dma_start3A_48] : memref<16x32x128xf32, #tpu.memory_space<vmem>> -> memref<1x32x128xf32, #tpu.memory_space<vmem>>
      %dma_start3A_50 = tpu.memref_squeeze %dma_start3A_49 : memref<1x32x128xf32, #tpu.memory_space<vmem>> -> memref<32x128xf32, #tpu.memory_space<vmem>>
      %dma_start3A_51 = arith.constant 0 : i32
      %dma_start3A_52 = tpu.memref_slice %arg4[%dma_start3A_51, %multiple_of3A] : memref<32x1000000xf32, #tpu.memory_space<hbm>> -> memref<32x128xf32, #tpu.memory_space<hbm>>
      tpu.enqueue_dma source(%dma_start3A_52 : memref<32x128xf32, #tpu.memory_space<hbm>>) target(%dma_start3A_50 : memref<32x128xf32, #tpu.memory_space<vmem>>) target_semaphore(%arg11 : memref<!tpu.dma_semaphore, #tpu.memory_space<semaphore_mem>>)
      %slice3A_53 = vector.extract_strided_slice %mul3A_40 {offsets = [1], sizes = [1], strides = [1]} : vector<16xi32> to vector<1xi32>
      %squeeze3A_54 = vector.extract %slice3A_53[0] : i32 from vector<1xi32>
      %multiple_of3A_55 = tpu.assume_multiple %squeeze3A_54, 128 : i32
      %dma_start3A_56 = arith.constant 1 : i32
      %dma_start3A_57 = arith.constant 0 : i32
      %dma_start3A_58 = arith.constant 0 : i32
      %dma_start3A_59 = tpu.memref_slice %arg9[%dma_start3A_56, %dma_start3A_57, %dma_start3A_58] : memref<16x32x128xf32, #tpu.memory_space<vmem>> -> memref<1x32x128xf32, #tpu.memory_space<vmem>>
      %dma_start3A_60 = tpu.memref_squeeze %dma_start3A_59 : memref<1x32x128xf32, #tpu.memory_space<vmem>> -> memref<32x128xf32, #tpu.memory_space<vmem>>
      %dma_start3A_61 = arith.constant 0 : i32
      %dma_start3A_62 = tpu.memref_slice %arg4[%dma_start3A_61, %multiple_of3A_55] : memref<32x1000000xf32, #tpu.memory_space<hbm>> -> memref<32x128xf32, #tpu.memory_space<hbm>>
      %dma_start3A_63 = arith.constant 0 : i32
      %dma_start3A_64 = arith.constant 0 : i32
      %dma_start3A_65 = tpu.memref_slice %arg9[%dma_start3A_56, %dma_start3A_63, %dma_start3A_64] : memref<16x32x128xf32, #tpu.memory_space<vmem>> -> memref<1x32x128xf32, #tpu.memory_space<vmem>>
      %dma_start3A_66 = tpu.memref_squeeze %dma_start3A_65 : memref<1x32x128xf32, #tpu.memory_space<vmem>> -> memref<32x128xf32, #tpu.memory_space<vmem>>
      %dma_start3A_67 = arith.constant 0 : i32
      %dma_start3A_68 = tpu.memref_slice %arg4[%dma_start3A_67, %multiple_of3A_55] : memref<32x1000000xf32, #tpu.memory_space<hbm>> -> memref<32x128xf32, #tpu.memory_space<hbm>>
      tpu.enqueue_dma source(%dma_start3A_68 : memref<32x128xf32, #tpu.memory_space<hbm>>) target(%dma_start3A_66 : memref<32x128xf32, #tpu.memory_space<vmem>>) target_semaphore(%arg11 : memref<!tpu.dma_semaphore, #tpu.memory_space<semaphore_mem>>)
      %slice3A_69 = vector.extract_strided_slice %mul3A_40 {offsets = [2], sizes = [1], strides = [1]} : vector<16xi32> to vector<1xi32>
      %squeeze3A_70 = vector.extract %slice3A_69[0] : i32 from vector<1xi32>
      %multiple_of3A_71 = tpu.assume_multiple %squeeze3A_70, 128 : i32
      %dma_start3A_72 = arith.constant 2 : i32
      %dma_start3A_73 = arith.constant 0 : i32
      %dma_start3A_74 = arith.constant 0 : i32
      %dma_start3A_75 = tpu.memref_slice %arg9[%dma_start3A_72, %dma_start3A_73, %dma_start3A_74] : memref<16x32x128xf32, #tpu.memory_space<vmem>> -> memref<1x32x128xf32, #tpu.memory_space<vmem>>
      %dma_start3A_76 = tpu.memref_squeeze %dma_start3A_75 : memref<1x32x128xf32, #tpu.memory_space<vmem>> -> memref<32x128xf32, #tpu.memory_space<vmem>>
      %dma_start3A_77 = arith.constant 0 : i32
      %dma_start3A_78 = tpu.memref_slice %arg4[%dma_start3A_77, %multiple_of3A_71] : memref<32x1000000xf32, #tpu.memory_space<hbm>> -> memref<32x128xf32, #tpu.memory_space<hbm>>
      %dma_start3A_79 = arith.constant 0 : i32
      %dma_start3A_80 = arith.constant 0 : i32
      %dma_start3A_81 = tpu.memref_slice %arg9[%dma_start3A_72, %dma_start3A_79, %dma_start3A_80] : memref<16x32x128xf32, #tpu.memory_space<vmem>> -> memref<1x32x128xf32, #tpu.memory_space<vmem>>
      %dma_start3A_82 = tpu.memref_squeeze %dma_start3A_81 : memref<1x32x128xf32, #tpu.memory_space<vmem>> -> memref<32x128xf32, #tpu.memory_space<vmem>>
      %dma_start3A_83 = arith.constant 0 : i32
      %dma_start3A_84 = tpu.memref_slice %arg4[%dma_start3A_83, %multiple_of3A_71] : memref<32x1000000xf32, #tpu.memory_space<hbm>> -> memref<32x128xf32, #tpu.memory_space<hbm>>
      tpu.enqueue_dma source(%dma_start3A_84 : memref<32x128xf32, #tpu.memory_space<hbm>>) target(%dma_start3A_82 : memref<32x128xf32, #tpu.memory_space<vmem>>) target_semaphore(%arg11 : memref<!tpu.dma_semaphore, #tpu.memory_space<semaphore_mem>>)
      %slice3A_85 = vector.extract_strided_slice %mul3A_40 {offsets = [3], sizes = [1], strides = [1]} : vector<16xi32> to vector<1xi32>
      %squeeze3A_86 = vector.extract %slice3A_85[0] : i32 from vector<1xi32>
      %multiple_of3A_87 = tpu.assume_multiple %squeeze3A_86, 128 : i32
      %dma_start3A_88 = arith.constant 3 : i32
      %dma_start3A_89 = arith.constant 0 : i32
      %dma_start3A_90 = arith.constant 0 : i32
      %dma_start3A_91 = tpu.memref_slice %arg9[%dma_start3A_88, %dma_start3A_89, %dma_start3A_90] : memref<16x32x128xf32, #tpu.memory_space<vmem>> -> memref<1x32x128xf32, #tpu.memory_space<vmem>>
      %dma_start3A_92 = tpu.memref_squeeze %dma_start3A_91 : memref<1x32x128xf32, #tpu.memory_space<vmem>> -> memref<32x128xf32, #tpu.memory_space<vmem>>
      %dma_start3A_93 = arith.constant 0 : i32
      %dma_start3A_94 = tpu.memref_slice %arg4[%dma_start3A_93, %multiple_of3A_87] : memref<32x1000000xf32, #tpu.memory_space<hbm>> -> memref<32x128xf32, #tpu.memory_space<hbm>>
      %dma_start3A_95 = arith.constant 0 : i32
      %dma_start3A_96 = arith.constant 0 : i32
      %dma_start3A_97 = tpu.memref_slice %arg9[%dma_start3A_88, %dma_start3A_95, %dma_start3A_96] : memref<16x32x128xf32, #tpu.memory_space<vmem>> -> memref<1x32x128xf32, #tpu.memory_space<vmem>>
      %dma_start3A_98 = tpu.memref_squeeze %dma_start3A_97 : memref<1x32x128xf32, #tpu.memory_space<vmem>> -> memref<32x128xf32, #tpu.memory_space<vmem>>
      %dma_start3A_99 = arith.constant 0 : i32
      %dma_start3A_100 = tpu.memref_slice %arg4[%dma_start3A_99, %multiple_of3A_87] : memref<32x1000000xf32, #tpu.memory_space<hbm>> -> memref<32x128xf32, #tpu.memory_space<hbm>>
      tpu.enqueue_dma source(%dma_start3A_100 : memref<32x128xf32, #tpu.memory_space<hbm>>) target(%dma_start3A_98 : memref<32x128xf32, #tpu.memory_space<vmem>>) target_semaphore(%arg11 : memref<!tpu.dma_semaphore, #tpu.memory_space<semaphore_mem>>)
      %slice3A_101 = vector.extract_strided_slice %mul3A_40 {offsets = [4], sizes = [1], strides = [1]} : vector<16xi32> to vector<1xi32>
      %squeeze3A_102 = vector.extract %slice3A_101[0] : i32 from vector<1xi32>
      %multiple_of3A_103 = tpu.assume_multiple %squeeze3A_102, 128 : i32
      %dma_start3A_104 = arith.constant 4 : i32
      %dma_start3A_105 = arith.constant 0 : i32
      %dma_start3A_106 = arith.constant 0 : i32
      %dma_start3A_107 = tpu.memref_slice %arg9[%dma_start3A_104, %dma_start3A_105, %dma_start3A_106] : memref<16x32x128xf32, #tpu.memory_space<vmem>> -> memref<1x32x128xf32, #tpu.memory_space<vmem>>
      %dma_start3A_108 = tpu.memref_squeeze %dma_start3A_107 : memref<1x32x128xf32, #tpu.memory_space<vmem>> -> memref<32x128xf32, #tpu.memory_space<vmem>>
      %dma_start3A_109 = arith.constant 0 : i32
      %dma_start3A_110 = tpu.memref_slice %arg4[%dma_start3A_109, %multiple_of3A_103] : memref<32x1000000xf32, #tpu.memory_space<hbm>> -> memref<32x128xf32, #tpu.memory_space<hbm>>
      %dma_start3A_111 = arith.constant 0 : i32
      %dma_start3A_112 = arith.constant 0 : i32
      %dma_start3A_113 = tpu.memref_slice %arg9[%dma_start3A_104, %dma_start3A_111, %dma_start3A_112] : memref<16x32x128xf32, #tpu.memory_space<vmem>> -> memref<1x32x128xf32, #tpu.memory_space<vmem>>
      %dma_start3A_114 = tpu.memref_squeeze %dma_start3A_113 : memref<1x32x128xf32, #tpu.memory_space<vmem>> -> memref<32x128xf32, #tpu.memory_space<vmem>>
      %dma_start3A_115 = arith.constant 0 : i32
      %dma_start3A_116 = tpu.memref_slice %arg4[%dma_start3A_115, %multiple_of3A_103] : memref<32x1000000xf32, #tpu.memory_space<hbm>> -> memref<32x128xf32, #tpu.memory_space<hbm>>
      tpu.enqueue_dma source(%dma_start3A_116 : memref<32x128xf32, #tpu.memory_space<hbm>>) target(%dma_start3A_114 : memref<32x128xf32, #tpu.memory_space<vmem>>) target_semaphore(%arg11 : memref<!tpu.dma_semaphore, #tpu.memory_space<semaphore_mem>>)
      %slice3A_117 = vector.extract_strided_slice %mul3A_40 {offsets = [5], sizes = [1], strides = [1]} : vector<16xi32> to vector<1xi32>
      %squeeze3A_118 = vector.extract %slice3A_117[0] : i32 from vector<1xi32>
      %multiple_of3A_119 = tpu.assume_multiple %squeeze3A_118, 128 : i32
      %dma_start3A_120 = arith.constant 5 : i32
      %dma_start3A_121 = arith.constant 0 : i32
      %dma_start3A_122 = arith.constant 0 : i32
      %dma_start3A_123 = tpu.memref_slice %arg9[%dma_start3A_120, %dma_start3A_121, %dma_start3A_122] : memref<16x32x128xf32, #tpu.memory_space<vmem>> -> memref<1x32x128xf32, #tpu.memory_space<vmem>>
      %dma_start3A_124 = tpu.memref_squeeze %dma_start3A_123 : memref<1x32x128xf32, #tpu.memory_space<vmem>> -> memref<32x128xf32, #tpu.memory_space<vmem>>
      %dma_start3A_125 = arith.constant 0 : i32
      %dma_start3A_126 = tpu.memref_slice %arg4[%dma_start3A_125, %multiple_of3A_119] : memref<32x1000000xf32, #tpu.memory_space<hbm>> -> memref<32x128xf32, #tpu.memory_space<hbm>>
      %dma_start3A_127 = arith.constant 0 : i32
      %dma_start3A_128 = arith.constant 0 : i32
      %dma_start3A_129 = tpu.memref_slice %arg9[%dma_start3A_120, %dma_start3A_127, %dma_start3A_128] : memref<16x32x128xf32, #tpu.memory_space<vmem>> -> memref<1x32x128xf32, #tpu.memory_space<vmem>>
      %dma_start3A_130 = tpu.memref_squeeze %dma_start3A_129 : memref<1x32x128xf32, #tpu.memory_space<vmem>> -> memref<32x128xf32, #tpu.memory_space<vmem>>
      %dma_start3A_131 = arith.constant 0 : i32
      %dma_start3A_132 = tpu.memref_slice %arg4[%dma_start3A_131, %multiple_of3A_119] : memref<32x1000000xf32, #tpu.memory_space<hbm>> -> memref<32x128xf32, #tpu.memory_space<hbm>>
      tpu.enqueue_dma source(%dma_start3A_132 : memref<32x128xf32, #tpu.memory_space<hbm>>) target(%dma_start3A_130 : memref<32x128xf32, #tpu.memory_space<vmem>>) target_semaphore(%arg11 : memref<!tpu.dma_semaphore, #tpu.memory_space<semaphore_mem>>)
      %slice3A_133 = vector.extract_strided_slice %mul3A_40 {offsets = [6], sizes = [1], strides = [1]} : vector<16xi32> to vector<1xi32>
      %squeeze3A_134 = vector.extract %slice3A_133[0] : i32 from vector<1xi32>
      %multiple_of3A_135 = tpu.assume_multiple %squeeze3A_134, 128 : i32
      %dma_start3A_136 = arith.constant 6 : i32
      %dma_start3A_137 = arith.constant 0 : i32
      %dma_start3A_138 = arith.constant 0 : i32
      %dma_start3A_139 = tpu.memref_slice %arg9[%dma_start3A_136, %dma_start3A_137, %dma_start3A_138] : memref<16x32x128xf32, #tpu.memory_space<vmem>> -> memref<1x32x128xf32, #tpu.memory_space<vmem>>
      %dma_start3A_140 = tpu.memref_squeeze %dma_start3A_139 : memref<1x32x128xf32, #tpu.memory_space<vmem>> -> memref<32x128xf32, #tpu.memory_space<vmem>>
      %dma_start3A_141 = arith.constant 0 : i32
      %dma_start3A_142 = tpu.memref_slice %arg4[%dma_start3A_141, %multiple_of3A_135] : memref<32x1000000xf32, #tpu.memory_space<hbm>> -> memref<32x128xf32, #tpu.memory_space<hbm>>
      %dma_start3A_143 = arith.constant 0 : i32
      %dma_start3A_144 = arith.constant 0 : i32
      %dma_start3A_145 = tpu.memref_slice %arg9[%dma_start3A_136, %dma_start3A_143, %dma_start3A_144] : memref<16x32x128xf32, #tpu.memory_space<vmem>> -> memref<1x32x128xf32, #tpu.memory_space<vmem>>
      %dma_start3A_146 = tpu.memref_squeeze %dma_start3A_145 : memref<1x32x128xf32, #tpu.memory_space<vmem>> -> memref<32x128xf32, #tpu.memory_space<vmem>>
      %dma_start3A_147 = arith.constant 0 : i32
      %dma_start3A_148 = tpu.memref_slice %arg4[%dma_start3A_147, %multiple_of3A_135] : memref<32x1000000xf32, #tpu.memory_space<hbm>> -> memref<32x128xf32, #tpu.memory_space<hbm>>
      tpu.enqueue_dma source(%dma_start3A_148 : memref<32x128xf32, #tpu.memory_space<hbm>>) target(%dma_start3A_146 : memref<32x128xf32, #tpu.memory_space<vmem>>) target_semaphore(%arg11 : memref<!tpu.dma_semaphore, #tpu.memory_space<semaphore_mem>>)
      %slice3A_149 = vector.extract_strided_slice %mul3A_40 {offsets = [7], sizes = [1], strides = [1]} : vector<16xi32> to vector<1xi32>
      %squeeze3A_150 = vector.extract %slice3A_149[0] : i32 from vector<1xi32>
      %multiple_of3A_151 = tpu.assume_multiple %squeeze3A_150, 128 : i32
      %dma_start3A_152 = arith.constant 7 : i32
      %dma_start3A_153 = arith.constant 0 : i32
      %dma_start3A_154 = arith.constant 0 : i32
      %dma_start3A_155 = tpu.memref_slice %arg9[%dma_start3A_152, %dma_start3A_153, %dma_start3A_154] : memref<16x32x128xf32, #tpu.memory_space<vmem>> -> memref<1x32x128xf32, #tpu.memory_space<vmem>>
      %dma_start3A_156 = tpu.memref_squeeze %dma_start3A_155 : memref<1x32x128xf32, #tpu.memory_space<vmem>> -> memref<32x128xf32, #tpu.memory_space<vmem>>
      %dma_start3A_157 = arith.constant 0 : i32
      %dma_start3A_158 = tpu.memref_slice %arg4[%dma_start3A_157, %multiple_of3A_151] : memref<32x1000000xf32, #tpu.memory_space<hbm>> -> memref<32x128xf32, #tpu.memory_space<hbm>>
      %dma_start3A_159 = arith.constant 0 : i32
      %dma_start3A_160 = arith.constant 0 : i32
      %dma_start3A_161 = tpu.memref_slice %arg9[%dma_start3A_152, %dma_start3A_159, %dma_start3A_160] : memref<16x32x128xf32, #tpu.memory_space<vmem>> -> memref<1x32x128xf32, #tpu.memory_space<vmem>>
      %dma_start3A_162 = tpu.memref_squeeze %dma_start3A_161 : memref<1x32x128xf32, #tpu.memory_space<vmem>> -> memref<32x128xf32, #tpu.memory_space<vmem>>
      %dma_start3A_163 = arith.constant 0 : i32
      %dma_start3A_164 = tpu.memref_slice %arg4[%dma_start3A_163, %multiple_of3A_151] : memref<32x1000000xf32, #tpu.memory_space<hbm>> -> memref<32x128xf32, #tpu.memory_space<hbm>>
      tpu.enqueue_dma source(%dma_start3A_164 : memref<32x128xf32, #tpu.memory_space<hbm>>) target(%dma_start3A_162 : memref<32x128xf32, #tpu.memory_space<vmem>>) target_semaphore(%arg11 : memref<!tpu.dma_semaphore, #tpu.memory_space<semaphore_mem>>)
      %slice3A_165 = vector.extract_strided_slice %mul3A_40 {offsets = [8], sizes = [1], strides = [1]} : vector<16xi32> to vector<1xi32>
      %squeeze3A_166 = vector.extract %slice3A_165[0] : i32 from vector<1xi32>
      %multiple_of3A_167 = tpu.assume_multiple %squeeze3A_166, 128 : i32
      %dma_start3A_168 = arith.constant 8 : i32
      %dma_start3A_169 = arith.constant 0 : i32
      %dma_start3A_170 = arith.constant 0 : i32
      %dma_start3A_171 = tpu.memref_slice %arg9[%dma_start3A_168, %dma_start3A_169, %dma_start3A_170] : memref<16x32x128xf32, #tpu.memory_space<vmem>> -> memref<1x32x128xf32, #tpu.memory_space<vmem>>
      %dma_start3A_172 = tpu.memref_squeeze %dma_start3A_171 : memref<1x32x128xf32, #tpu.memory_space<vmem>> -> memref<32x128xf32, #tpu.memory_space<vmem>>
      %dma_start3A_173 = arith.constant 0 : i32
      %dma_start3A_174 = tpu.memref_slice %arg4[%dma_start3A_173, %multiple_of3A_167] : memref<32x1000000xf32, #tpu.memory_space<hbm>> -> memref<32x128xf32, #tpu.memory_space<hbm>>
      %dma_start3A_175 = arith.constant 0 : i32
      %dma_start3A_176 = arith.constant 0 : i32
      %dma_start3A_177 = tpu.memref_slice %arg9[%dma_start3A_168, %dma_start3A_175, %dma_start3A_176] : memref<16x32x128xf32, #tpu.memory_space<vmem>> -> memref<1x32x128xf32, #tpu.memory_space<vmem>>
      %dma_start3A_178 = tpu.memref_squeeze %dma_start3A_177 : memref<1x32x128xf32, #tpu.memory_space<vmem>> -> memref<32x128xf32, #tpu.memory_space<vmem>>
      %dma_start3A_179 = arith.constant 0 : i32
      %dma_start3A_180 = tpu.memref_slice %arg4[%dma_start3A_179, %multiple_of3A_167] : memref<32x1000000xf32, #tpu.memory_space<hbm>> -> memref<32x128xf32, #tpu.memory_space<hbm>>
      tpu.enqueue_dma source(%dma_start3A_180 : memref<32x128xf32, #tpu.memory_space<hbm>>) target(%dma_start3A_178 : memref<32x128xf32, #tpu.memory_space<vmem>>) target_semaphore(%arg11 : memref<!tpu.dma_semaphore, #tpu.memory_space<semaphore_mem>>)
      %slice3A_181 = vector.extract_strided_slice %mul3A_40 {offsets = [9], sizes = [1], strides = [1]} : vector<16xi32> to vector<1xi32>
      %squeeze3A_182 = vector.extract %slice3A_181[0] : i32 from vector<1xi32>
      %multiple_of3A_183 = tpu.assume_multiple %squeeze3A_182, 128 : i32
      %dma_start3A_184 = arith.constant 9 : i32
      %dma_start3A_185 = arith.constant 0 : i32
      %dma_start3A_186 = arith.constant 0 : i32
      %dma_start3A_187 = tpu.memref_slice %arg9[%dma_start3A_184, %dma_start3A_185, %dma_start3A_186] : memref<16x32x128xf32, #tpu.memory_space<vmem>> -> memref<1x32x128xf32, #tpu.memory_space<vmem>>
      %dma_start3A_188 = tpu.memref_squeeze %dma_start3A_187 : memref<1x32x128xf32, #tpu.memory_space<vmem>> -> memref<32x128xf32, #tpu.memory_space<vmem>>
      %dma_start3A_189 = arith.constant 0 : i32
      %dma_start3A_190 = tpu.memref_slice %arg4[%dma_start3A_189, %multiple_of3A_183] : memref<32x1000000xf32, #tpu.memory_space<hbm>> -> memref<32x128xf32, #tpu.memory_space<hbm>>
      %dma_start3A_191 = arith.constant 0 : i32
      %dma_start3A_192 = arith.constant 0 : i32
      %dma_start3A_193 = tpu.memref_slice %arg9[%dma_start3A_184, %dma_start3A_191, %dma_start3A_192] : memref<16x32x128xf32, #tpu.memory_space<vmem>> -> memref<1x32x128xf32, #tpu.memory_space<vmem>>
      %dma_start3A_194 = tpu.memref_squeeze %dma_start3A_193 : memref<1x32x128xf32, #tpu.memory_space<vmem>> -> memref<32x128xf32, #tpu.memory_space<vmem>>
      %dma_start3A_195 = arith.constant 0 : i32
      %dma_start3A_196 = tpu.memref_slice %arg4[%dma_start3A_195, %multiple_of3A_183] : memref<32x1000000xf32, #tpu.memory_space<hbm>> -> memref<32x128xf32, #tpu.memory_space<hbm>>
      tpu.enqueue_dma source(%dma_start3A_196 : memref<32x128xf32, #tpu.memory_space<hbm>>) target(%dma_start3A_194 : memref<32x128xf32, #tpu.memory_space<vmem>>) target_semaphore(%arg11 : memref<!tpu.dma_semaphore, #tpu.memory_space<semaphore_mem>>)
      %slice3A_197 = vector.extract_strided_slice %mul3A_40 {offsets = [10], sizes = [1], strides = [1]} : vector<16xi32> to vector<1xi32>
      %squeeze3A_198 = vector.extract %slice3A_197[0] : i32 from vector<1xi32>
      %multiple_of3A_199 = tpu.assume_multiple %squeeze3A_198, 128 : i32
      %dma_start3A_200 = arith.constant 10 : i32
      %dma_start3A_201 = arith.constant 0 : i32
      %dma_start3A_202 = arith.constant 0 : i32
      %dma_start3A_203 = tpu.memref_slice %arg9[%dma_start3A_200, %dma_start3A_201, %dma_start3A_202] : memref<16x32x128xf32, #tpu.memory_space<vmem>> -> memref<1x32x128xf32, #tpu.memory_space<vmem>>
      %dma_start3A_204 = tpu.memref_squeeze %dma_start3A_203 : memref<1x32x128xf32, #tpu.memory_space<vmem>> -> memref<32x128xf32, #tpu.memory_space<vmem>>
      %dma_start3A_205 = arith.constant 0 : i32
      %dma_start3A_206 = tpu.memref_slice %arg4[%dma_start3A_205, %multiple_of3A_199] : memref<32x1000000xf32, #tpu.memory_space<hbm>> -> memref<32x128xf32, #tpu.memory_space<hbm>>
      %dma_start3A_207 = arith.constant 0 : i32
      %dma_start3A_208 = arith.constant 0 : i32
      %dma_start3A_209 = tpu.memref_slice %arg9[%dma_start3A_200, %dma_start3A_207, %dma_start3A_208] : memref<16x32x128xf32, #tpu.memory_space<vmem>> -> memref<1x32x128xf32, #tpu.memory_space<vmem>>
      %dma_start3A_210 = tpu.memref_squeeze %dma_start3A_209 : memref<1x32x128xf32, #tpu.memory_space<vmem>> -> memref<32x128xf32, #tpu.memory_space<vmem>>
      %dma_start3A_211 = arith.constant 0 : i32
      %dma_start3A_212 = tpu.memref_slice %arg4[%dma_start3A_211, %multiple_of3A_199] : memref<32x1000000xf32, #tpu.memory_space<hbm>> -> memref<32x128xf32, #tpu.memory_space<hbm>>
      tpu.enqueue_dma source(%dma_start3A_212 : memref<32x128xf32, #tpu.memory_space<hbm>>) target(%dma_start3A_210 : memref<32x128xf32, #tpu.memory_space<vmem>>) target_semaphore(%arg11 : memref<!tpu.dma_semaphore, #tpu.memory_space<semaphore_mem>>)
      %slice3A_213 = vector.extract_strided_slice %mul3A_40 {offsets = [11], sizes = [1], strides = [1]} : vector<16xi32> to vector<1xi32>
      %squeeze3A_214 = vector.extract %slice3A_213[0] : i32 from vector<1xi32>
      %multiple_of3A_215 = tpu.assume_multiple %squeeze3A_214, 128 : i32
      %dma_start3A_216 = arith.constant 11 : i32
      %dma_start3A_217 = arith.constant 0 : i32
      %dma_start3A_218 = arith.constant 0 : i32
      %dma_start3A_219 = tpu.memref_slice %arg9[%dma_start3A_216, %dma_start3A_217, %dma_start3A_218] : memref<16x32x128xf32, #tpu.memory_space<vmem>> -> memref<1x32x128xf32, #tpu.memory_space<vmem>>
      %dma_start3A_220 = tpu.memref_squeeze %dma_start3A_219 : memref<1x32x128xf32, #tpu.memory_space<vmem>> -> memref<32x128xf32, #tpu.memory_space<vmem>>
      %dma_start3A_221 = arith.constant 0 : i32
      %dma_start3A_222 = tpu.memref_slice %arg4[%dma_start3A_221, %multiple_of3A_215] : memref<32x1000000xf32, #tpu.memory_space<hbm>> -> memref<32x128xf32, #tpu.memory_space<hbm>>
      %dma_start3A_223 = arith.constant 0 : i32
      %dma_start3A_224 = arith.constant 0 : i32
      %dma_start3A_225 = tpu.memref_slice %arg9[%dma_start3A_216, %dma_start3A_223, %dma_start3A_224] : memref<16x32x128xf32, #tpu.memory_space<vmem>> -> memref<1x32x128xf32, #tpu.memory_space<vmem>>
      %dma_start3A_226 = tpu.memref_squeeze %dma_start3A_225 : memref<1x32x128xf32, #tpu.memory_space<vmem>> -> memref<32x128xf32, #tpu.memory_space<vmem>>
      %dma_start3A_227 = arith.constant 0 : i32
      %dma_start3A_228 = tpu.memref_slice %arg4[%dma_start3A_227, %multiple_of3A_215] : memref<32x1000000xf32, #tpu.memory_space<hbm>> -> memref<32x128xf32, #tpu.memory_space<hbm>>
      tpu.enqueue_dma source(%dma_start3A_228 : memref<32x128xf32, #tpu.memory_space<hbm>>) target(%dma_start3A_226 : memref<32x128xf32, #tpu.memory_space<vmem>>) target_semaphore(%arg11 : memref<!tpu.dma_semaphore, #tpu.memory_space<semaphore_mem>>)
      %slice3A_229 = vector.extract_strided_slice %mul3A_40 {offsets = [12], sizes = [1], strides = [1]} : vector<16xi32> to vector<1xi32>
      %squeeze3A_230 = vector.extract %slice3A_229[0] : i32 from vector<1xi32>
      %multiple_of3A_231 = tpu.assume_multiple %squeeze3A_230, 128 : i32
      %dma_start3A_232 = arith.constant 12 : i32
      %dma_start3A_233 = arith.constant 0 : i32
      %dma_start3A_234 = arith.constant 0 : i32
      %dma_start3A_235 = tpu.memref_slice %arg9[%dma_start3A_232, %dma_start3A_233, %dma_start3A_234] : memref<16x32x128xf32, #tpu.memory_space<vmem>> -> memref<1x32x128xf32, #tpu.memory_space<vmem>>
      %dma_start3A_236 = tpu.memref_squeeze %dma_start3A_235 : memref<1x32x128xf32, #tpu.memory_space<vmem>> -> memref<32x128xf32, #tpu.memory_space<vmem>>
      %dma_start3A_237 = arith.constant 0 : i32
      %dma_start3A_238 = tpu.memref_slice %arg4[%dma_start3A_237, %multiple_of3A_231] : memref<32x1000000xf32, #tpu.memory_space<hbm>> -> memref<32x128xf32, #tpu.memory_space<hbm>>
      %dma_start3A_239 = arith.constant 0 : i32
      %dma_start3A_240 = arith.constant 0 : i32
      %dma_start3A_241 = tpu.memref_slice %arg9[%dma_start3A_232, %dma_start3A_239, %dma_start3A_240] : memref<16x32x128xf32, #tpu.memory_space<vmem>> -> memref<1x32x128xf32, #tpu.memory_space<vmem>>
      %dma_start3A_242 = tpu.memref_squeeze %dma_start3A_241 : memref<1x32x128xf32, #tpu.memory_space<vmem>> -> memref<32x128xf32, #tpu.memory_space<vmem>>
      %dma_start3A_243 = arith.constant 0 : i32
      %dma_start3A_244 = tpu.memref_slice %arg4[%dma_start3A_243, %multiple_of3A_231] : memref<32x1000000xf32, #tpu.memory_space<hbm>> -> memref<32x128xf32, #tpu.memory_space<hbm>>
      tpu.enqueue_dma source(%dma_start3A_244 : memref<32x128xf32, #tpu.memory_space<hbm>>) target(%dma_start3A_242 : memref<32x128xf32, #tpu.memory_space<vmem>>) target_semaphore(%arg11 : memref<!tpu.dma_semaphore, #tpu.memory_space<semaphore_mem>>)
      %slice3A_245 = vector.extract_strided_slice %mul3A_40 {offsets = [13], sizes = [1], strides = [1]} : vector<16xi32> to vector<1xi32>
      %squeeze3A_246 = vector.extract %slice3A_245[0] : i32 from vector<1xi32>
      %multiple_of3A_247 = tpu.assume_multiple %squeeze3A_246, 128 : i32
      %dma_start3A_248 = arith.constant 13 : i32
      %dma_start3A_249 = arith.constant 0 : i32
      %dma_start3A_250 = arith.constant 0 : i32
      %dma_start3A_251 = tpu.memref_slice %arg9[%dma_start3A_248, %dma_start3A_249, %dma_start3A_250] : memref<16x32x128xf32, #tpu.memory_space<vmem>> -> memref<1x32x128xf32, #tpu.memory_space<vmem>>
      %dma_start3A_252 = tpu.memref_squeeze %dma_start3A_251 : memref<1x32x128xf32, #tpu.memory_space<vmem>> -> memref<32x128xf32, #tpu.memory_space<vmem>>
      %dma_start3A_253 = arith.constant 0 : i32
      %dma_start3A_254 = tpu.memref_slice %arg4[%dma_start3A_253, %multiple_of3A_247] : memref<32x1000000xf32, #tpu.memory_space<hbm>> -> memref<32x128xf32, #tpu.memory_space<hbm>>
      %dma_start3A_255 = arith.constant 0 : i32
      %dma_start3A_256 = arith.constant 0 : i32
      %dma_start3A_257 = tpu.memref_slice %arg9[%dma_start3A_248, %dma_start3A_255, %dma_start3A_256] : memref<16x32x128xf32, #tpu.memory_space<vmem>> -> memref<1x32x128xf32, #tpu.memory_space<vmem>>
      %dma_start3A_258 = tpu.memref_squeeze %dma_start3A_257 : memref<1x32x128xf32, #tpu.memory_space<vmem>> -> memref<32x128xf32, #tpu.memory_space<vmem>>
      %dma_start3A_259 = arith.constant 0 : i32
      %dma_start3A_260 = tpu.memref_slice %arg4[%dma_start3A_259, %multiple_of3A_247] : memref<32x1000000xf32, #tpu.memory_space<hbm>> -> memref<32x128xf32, #tpu.memory_space<hbm>>
      tpu.enqueue_dma source(%dma_start3A_260 : memref<32x128xf32, #tpu.memory_space<hbm>>) target(%dma_start3A_258 : memref<32x128xf32, #tpu.memory_space<vmem>>) target_semaphore(%arg11 : memref<!tpu.dma_semaphore, #tpu.memory_space<semaphore_mem>>)
      %slice3A_261 = vector.extract_strided_slice %mul3A_40 {offsets = [14], sizes = [1], strides = [1]} : vector<16xi32> to vector<1xi32>
      %squeeze3A_262 = vector.extract %slice3A_261[0] : i32 from vector<1xi32>
      %multiple_of3A_263 = tpu.assume_multiple %squeeze3A_262, 128 : i32
      %dma_start3A_264 = arith.constant 14 : i32
      %dma_start3A_265 = arith.constant 0 : i32
      %dma_start3A_266 = arith.constant 0 : i32
      %dma_start3A_267 = tpu.memref_slice %arg9[%dma_start3A_264, %dma_start3A_265, %dma_start3A_266] : memref<16x32x128xf32, #tpu.memory_space<vmem>> -> memref<1x32x128xf32, #tpu.memory_space<vmem>>
      %dma_start3A_268 = tpu.memref_squeeze %dma_start3A_267 : memref<1x32x128xf32, #tpu.memory_space<vmem>> -> memref<32x128xf32, #tpu.memory_space<vmem>>
      %dma_start3A_269 = arith.constant 0 : i32
      %dma_start3A_270 = tpu.memref_slice %arg4[%dma_start3A_269, %multiple_of3A_263] : memref<32x1000000xf32, #tpu.memory_space<hbm>> -> memref<32x128xf32, #tpu.memory_space<hbm>>
      %dma_start3A_271 = arith.constant 0 : i32
      %dma_start3A_272 = arith.constant 0 : i32
      %dma_start3A_273 = tpu.memref_slice %arg9[%dma_start3A_264, %dma_start3A_271, %dma_start3A_272] : memref<16x32x128xf32, #tpu.memory_space<vmem>> -> memref<1x32x128xf32, #tpu.memory_space<vmem>>
      %dma_start3A_274 = tpu.memref_squeeze %dma_start3A_273 : memref<1x32x128xf32, #tpu.memory_space<vmem>> -> memref<32x128xf32, #tpu.memory_space<vmem>>
      %dma_start3A_275 = arith.constant 0 : i32
      %dma_start3A_276 = tpu.memref_slice %arg4[%dma_start3A_275, %multiple_of3A_263] : memref<32x1000000xf32, #tpu.memory_space<hbm>> -> memref<32x128xf32, #tpu.memory_space<hbm>>
      tpu.enqueue_dma source(%dma_start3A_276 : memref<32x128xf32, #tpu.memory_space<hbm>>) target(%dma_start3A_274 : memref<32x128xf32, #tpu.memory_space<vmem>>) target_semaphore(%arg11 : memref<!tpu.dma_semaphore, #tpu.memory_space<semaphore_mem>>)
      %slice3A_277 = vector.extract_strided_slice %mul3A_40 {offsets = [15], sizes = [1], strides = [1]} : vector<16xi32> to vector<1xi32>
      %squeeze3A_278 = vector.extract %slice3A_277[0] : i32 from vector<1xi32>
      %multiple_of3A_279 = tpu.assume_multiple %squeeze3A_278, 128 : i32
      %dma_start3A_280 = arith.constant 15 : i32
      %dma_start3A_281 = arith.constant 0 : i32
      %dma_start3A_282 = arith.constant 0 : i32
      %dma_start3A_283 = tpu.memref_slice %arg9[%dma_start3A_280, %dma_start3A_281, %dma_start3A_282] : memref<16x32x128xf32, #tpu.memory_space<vmem>> -> memref<1x32x128xf32, #tpu.memory_space<vmem>>
      %dma_start3A_284 = tpu.memref_squeeze %dma_start3A_283 : memref<1x32x128xf32, #tpu.memory_space<vmem>> -> memref<32x128xf32, #tpu.memory_space<vmem>>
      %dma_start3A_285 = arith.constant 0 : i32
      %dma_start3A_286 = tpu.memref_slice %arg4[%dma_start3A_285, %multiple_of3A_279] : memref<32x1000000xf32, #tpu.memory_space<hbm>> -> memref<32x128xf32, #tpu.memory_space<hbm>>
      %dma_start3A_287 = arith.constant 0 : i32
      %dma_start3A_288 = arith.constant 0 : i32
      %dma_start3A_289 = tpu.memref_slice %arg9[%dma_start3A_280, %dma_start3A_287, %dma_start3A_288] : memref<16x32x128xf32, #tpu.memory_space<vmem>> -> memref<1x32x128xf32, #tpu.memory_space<vmem>>
      %dma_start3A_290 = tpu.memref_squeeze %dma_start3A_289 : memref<1x32x128xf32, #tpu.memory_space<vmem>> -> memref<32x128xf32, #tpu.memory_space<vmem>>
      %dma_start3A_291 = arith.constant 0 : i32
      %dma_start3A_292 = tpu.memref_slice %arg4[%dma_start3A_291, %multiple_of3A_279] : memref<32x1000000xf32, #tpu.memory_space<hbm>> -> memref<32x128xf32, #tpu.memory_space<hbm>>
      tpu.enqueue_dma source(%dma_start3A_292 : memref<32x128xf32, #tpu.memory_space<hbm>>) target(%dma_start3A_290 : memref<32x128xf32, #tpu.memory_space<vmem>>) target_semaphore(%arg11 : memref<!tpu.dma_semaphore, #tpu.memory_space<semaphore_mem>>)
      %dma_wait3A = arith.constant 0 : i32
      %dma_wait3A_293 = arith.constant 0 : i32
      %dma_wait3A_294 = arith.constant 0 : i32
      %dma_wait3A_295 = tpu.memref_slice %arg9[%dma_wait3A, %dma_wait3A_293, %dma_wait3A_294] : memref<16x32x128xf32, #tpu.memory_space<vmem>> -> memref<1x32x128xf32, #tpu.memory_space<vmem>>
      %dma_wait3A_296 = tpu.memref_squeeze %dma_wait3A_295 : memref<1x32x128xf32, #tpu.memory_space<vmem>> -> memref<32x128xf32, #tpu.memory_space<vmem>>
      %dma_wait3A_297 = arith.constant 0 : i32
      %dma_wait3A_298 = tpu.memref_slice %arg4[%dma_wait3A_297, %multiple_of3A] : memref<32x1000000xf32, #tpu.memory_space<hbm>> -> memref<32x128xf32, #tpu.memory_space<hbm>>
      %dma_wait3A_299 = arith.constant 0 : i32
      %dma_wait3A_300 = arith.constant 0 : i32
      %dma_wait3A_301 = tpu.memref_slice %arg9[%dma_wait3A, %dma_wait3A_299, %dma_wait3A_300] : memref<16x32x128xf32, #tpu.memory_space<vmem>> -> memref<1x32x128xf32, #tpu.memory_space<vmem>>
      %dma_wait3A_302 = tpu.memref_squeeze %dma_wait3A_301 : memref<1x32x128xf32, #tpu.memory_space<vmem>> -> memref<32x128xf32, #tpu.memory_space<vmem>>
      %dma_wait3A_303 = arith.constant 0 : i32
      %dma_wait3A_304 = tpu.memref_slice %arg4[%dma_wait3A_303, %multiple_of3A] : memref<32x1000000xf32, #tpu.memory_space<hbm>> -> memref<32x128xf32, #tpu.memory_space<hbm>>
      tpu.wait_dma2 semaphore(%arg11 : memref<!tpu.dma_semaphore, #tpu.memory_space<semaphore_mem>>) src(%dma_wait3A_304 : memref<32x128xf32, #tpu.memory_space<hbm>>) dst(%dma_wait3A_302 : memref<32x128xf32, #tpu.memory_space<vmem>>)
      %dma_wait3A_305 = arith.constant 1 : i32
      %dma_wait3A_306 = arith.constant 0 : i32
      %dma_wait3A_307 = arith.constant 0 : i32
      %dma_wait3A_308 = tpu.memref_slice %arg9[%dma_wait3A_305, %dma_wait3A_306, %dma_wait3A_307] : memref<16x32x128xf32, #tpu.memory_space<vmem>> -> memref<1x32x128xf32, #tpu.memory_space<vmem>>
      %dma_wait3A_309 = tpu.memref_squeeze %dma_wait3A_308 : memref<1x32x128xf32, #tpu.memory_space<vmem>> -> memref<32x128xf32, #tpu.memory_space<vmem>>
      %dma_wait3A_310 = arith.constant 0 : i32
      %dma_wait3A_311 = tpu.memref_slice %arg4[%dma_wait3A_310, %multiple_of3A_55] : memref<32x1000000xf32, #tpu.memory_space<hbm>> -> memref<32x128xf32, #tpu.memory_space<hbm>>
      %dma_wait3A_312 = arith.constant 0 : i32
      %dma_wait3A_313 = arith.constant 0 : i32
      %dma_wait3A_314 = tpu.memref_slice %arg9[%dma_wait3A_305, %dma_wait3A_312, %dma_wait3A_313] : memref<16x32x128xf32, #tpu.memory_space<vmem>> -> memref<1x32x128xf32, #tpu.memory_space<vmem>>
      %dma_wait3A_315 = tpu.memref_squeeze %dma_wait3A_314 : memref<1x32x128xf32, #tpu.memory_space<vmem>> -> memref<32x128xf32, #tpu.memory_space<vmem>>
      %dma_wait3A_316 = arith.constant 0 : i32
      %dma_wait3A_317 = tpu.memref_slice %arg4[%dma_wait3A_316, %multiple_of3A_55] : memref<32x1000000xf32, #tpu.memory_space<hbm>> -> memref<32x128xf32, #tpu.memory_space<hbm>>
      tpu.wait_dma2 semaphore(%arg11 : memref<!tpu.dma_semaphore, #tpu.memory_space<semaphore_mem>>) src(%dma_wait3A_317 : memref<32x128xf32, #tpu.memory_space<hbm>>) dst(%dma_wait3A_315 : memref<32x128xf32, #tpu.memory_space<vmem>>)
      %dma_wait3A_318 = arith.constant 2 : i32
      %dma_wait3A_319 = arith.constant 0 : i32
      %dma_wait3A_320 = arith.constant 0 : i32
      %dma_wait3A_321 = tpu.memref_slice %arg9[%dma_wait3A_318, %dma_wait3A_319, %dma_wait3A_320] : memref<16x32x128xf32, #tpu.memory_space<vmem>> -> memref<1x32x128xf32, #tpu.memory_space<vmem>>
      %dma_wait3A_322 = tpu.memref_squeeze %dma_wait3A_321 : memref<1x32x128xf32, #tpu.memory_space<vmem>> -> memref<32x128xf32, #tpu.memory_space<vmem>>
      %dma_wait3A_323 = arith.constant 0 : i32
      %dma_wait3A_324 = tpu.memref_slice %arg4[%dma_wait3A_323, %multiple_of3A_71] : memref<32x1000000xf32, #tpu.memory_space<hbm>> -> memref<32x128xf32, #tpu.memory_space<hbm>>
      %dma_wait3A_325 = arith.constant 0 : i32
      %dma_wait3A_326 = arith.constant 0 : i32
      %dma_wait3A_327 = tpu.memref_slice %arg9[%dma_wait3A_318, %dma_wait3A_325, %dma_wait3A_326] : memref<16x32x128xf32, #tpu.memory_space<vmem>> -> memref<1x32x128xf32, #tpu.memory_space<vmem>>
      %dma_wait3A_328 = tpu.memref_squeeze %dma_wait3A_327 : memref<1x32x128xf32, #tpu.memory_space<vmem>> -> memref<32x128xf32, #tpu.memory_space<vmem>>
      %dma_wait3A_329 = arith.constant 0 : i32
      %dma_wait3A_330 = tpu.memref_slice %arg4[%dma_wait3A_329, %multiple_of3A_71] : memref<32x1000000xf32, #tpu.memory_space<hbm>> -> memref<32x128xf32, #tpu.memory_space<hbm>>
      tpu.wait_dma2 semaphore(%arg11 : memref<!tpu.dma_semaphore, #tpu.memory_space<semaphore_mem>>) src(%dma_wait3A_330 : memref<32x128xf32, #tpu.memory_space<hbm>>) dst(%dma_wait3A_328 : memref<32x128xf32, #tpu.memory_space<vmem>>)
      %dma_wait3A_331 = arith.constant 3 : i32
      %dma_wait3A_332 = arith.constant 0 : i32
      %dma_wait3A_333 = arith.constant 0 : i32
      %dma_wait3A_334 = tpu.memref_slice %arg9[%dma_wait3A_331, %dma_wait3A_332, %dma_wait3A_333] : memref<16x32x128xf32, #tpu.memory_space<vmem>> -> memref<1x32x128xf32, #tpu.memory_space<vmem>>
      %dma_wait3A_335 = tpu.memref_squeeze %dma_wait3A_334 : memref<1x32x128xf32, #tpu.memory_space<vmem>> -> memref<32x128xf32, #tpu.memory_space<vmem>>
      %dma_wait3A_336 = arith.constant 0 : i32
      %dma_wait3A_337 = tpu.memref_slice %arg4[%dma_wait3A_336, %multiple_of3A_87] : memref<32x1000000xf32, #tpu.memory_space<hbm>> -> memref<32x128xf32, #tpu.memory_space<hbm>>
      %dma_wait3A_338 = arith.constant 0 : i32
      %dma_wait3A_339 = arith.constant 0 : i32
      %dma_wait3A_340 = tpu.memref_slice %arg9[%dma_wait3A_331, %dma_wait3A_338, %dma_wait3A_339] : memref<16x32x128xf32, #tpu.memory_space<vmem>> -> memref<1x32x128xf32, #tpu.memory_space<vmem>>
      %dma_wait3A_341 = tpu.memref_squeeze %dma_wait3A_340 : memref<1x32x128xf32, #tpu.memory_space<vmem>> -> memref<32x128xf32, #tpu.memory_space<vmem>>
      %dma_wait3A_342 = arith.constant 0 : i32
      %dma_wait3A_343 = tpu.memref_slice %arg4[%dma_wait3A_342, %multiple_of3A_87] : memref<32x1000000xf32, #tpu.memory_space<hbm>> -> memref<32x128xf32, #tpu.memory_space<hbm>>
      tpu.wait_dma2 semaphore(%arg11 : memref<!tpu.dma_semaphore, #tpu.memory_space<semaphore_mem>>) src(%dma_wait3A_343 : memref<32x128xf32, #tpu.memory_space<hbm>>) dst(%dma_wait3A_341 : memref<32x128xf32, #tpu.memory_space<vmem>>)
      %dma_wait3A_344 = arith.constant 4 : i32
      %dma_wait3A_345 = arith.constant 0 : i32
      %dma_wait3A_346 = arith.constant 0 : i32
      %dma_wait3A_347 = tpu.memref_slice %arg9[%dma_wait3A_344, %dma_wait3A_345, %dma_wait3A_346] : memref<16x32x128xf32, #tpu.memory_space<vmem>> -> memref<1x32x128xf32, #tpu.memory_space<vmem>>
      %dma_wait3A_348 = tpu.memref_squeeze %dma_wait3A_347 : memref<1x32x128xf32, #tpu.memory_space<vmem>> -> memref<32x128xf32, #tpu.memory_space<vmem>>
      %dma_wait3A_349 = arith.constant 0 : i32
      %dma_wait3A_350 = tpu.memref_slice %arg4[%dma_wait3A_349, %multiple_of3A_103] : memref<32x1000000xf32, #tpu.memory_space<hbm>> -> memref<32x128xf32, #tpu.memory_space<hbm>>
      %dma_wait3A_351 = arith.constant 0 : i32
      %dma_wait3A_352 = arith.constant 0 : i32
      %dma_wait3A_353 = tpu.memref_slice %arg9[%dma_wait3A_344, %dma_wait3A_351, %dma_wait3A_352] : memref<16x32x128xf32, #tpu.memory_space<vmem>> -> memref<1x32x128xf32, #tpu.memory_space<vmem>>
      %dma_wait3A_354 = tpu.memref_squeeze %dma_wait3A_353 : memref<1x32x128xf32, #tpu.memory_space<vmem>> -> memref<32x128xf32, #tpu.memory_space<vmem>>
      %dma_wait3A_355 = arith.constant 0 : i32
      %dma_wait3A_356 = tpu.memref_slice %arg4[%dma_wait3A_355, %multiple_of3A_103] : memref<32x1000000xf32, #tpu.memory_space<hbm>> -> memref<32x128xf32, #tpu.memory_space<hbm>>
      tpu.wait_dma2 semaphore(%arg11 : memref<!tpu.dma_semaphore, #tpu.memory_space<semaphore_mem>>) src(%dma_wait3A_356 : memref<32x128xf32, #tpu.memory_space<hbm>>) dst(%dma_wait3A_354 : memref<32x128xf32, #tpu.memory_space<vmem>>)
      %dma_wait3A_357 = arith.constant 5 : i32
      %dma_wait3A_358 = arith.constant 0 : i32
      %dma_wait3A_359 = arith.constant 0 : i32
      %dma_wait3A_360 = tpu.memref_slice %arg9[%dma_wait3A_357, %dma_wait3A_358, %dma_wait3A_359] : memref<16x32x128xf32, #tpu.memory_space<vmem>> -> memref<1x32x128xf32, #tpu.memory_space<vmem>>
      %dma_wait3A_361 = tpu.memref_squeeze %dma_wait3A_360 : memref<1x32x128xf32, #tpu.memory_space<vmem>> -> memref<32x128xf32, #tpu.memory_space<vmem>>
      %dma_wait3A_362 = arith.constant 0 : i32
      %dma_wait3A_363 = tpu.memref_slice %arg4[%dma_wait3A_362, %multiple_of3A_119] : memref<32x1000000xf32, #tpu.memory_space<hbm>> -> memref<32x128xf32, #tpu.memory_space<hbm>>
      %dma_wait3A_364 = arith.constant 0 : i32
      %dma_wait3A_365 = arith.constant 0 : i32
      %dma_wait3A_366 = tpu.memref_slice %arg9[%dma_wait3A_357, %dma_wait3A_364, %dma_wait3A_365] : memref<16x32x128xf32, #tpu.memory_space<vmem>> -> memref<1x32x128xf32, #tpu.memory_space<vmem>>
      %dma_wait3A_367 = tpu.memref_squeeze %dma_wait3A_366 : memref<1x32x128xf32, #tpu.memory_space<vmem>> -> memref<32x128xf32, #tpu.memory_space<vmem>>
      %dma_wait3A_368 = arith.constant 0 : i32
      %dma_wait3A_369 = tpu.memref_slice %arg4[%dma_wait3A_368, %multiple_of3A_119] : memref<32x1000000xf32, #tpu.memory_space<hbm>> -> memref<32x128xf32, #tpu.memory_space<hbm>>
      tpu.wait_dma2 semaphore(%arg11 : memref<!tpu.dma_semaphore, #tpu.memory_space<semaphore_mem>>) src(%dma_wait3A_369 : memref<32x128xf32, #tpu.memory_space<hbm>>) dst(%dma_wait3A_367 : memref<32x128xf32, #tpu.memory_space<vmem>>)
      %dma_wait3A_370 = arith.constant 6 : i32
      %dma_wait3A_371 = arith.constant 0 : i32
      %dma_wait3A_372 = arith.constant 0 : i32
      %dma_wait3A_373 = tpu.memref_slice %arg9[%dma_wait3A_370, %dma_wait3A_371, %dma_wait3A_372] : memref<16x32x128xf32, #tpu.memory_space<vmem>> -> memref<1x32x128xf32, #tpu.memory_space<vmem>>
      %dma_wait3A_374 = tpu.memref_squeeze %dma_wait3A_373 : memref<1x32x128xf32, #tpu.memory_space<vmem>> -> memref<32x128xf32, #tpu.memory_space<vmem>>
      %dma_wait3A_375 = arith.constant 0 : i32
      %dma_wait3A_376 = tpu.memref_slice %arg4[%dma_wait3A_375, %multiple_of3A_135] : memref<32x1000000xf32, #tpu.memory_space<hbm>> -> memref<32x128xf32, #tpu.memory_space<hbm>>
      %dma_wait3A_377 = arith.constant 0 : i32
      %dma_wait3A_378 = arith.constant 0 : i32
      %dma_wait3A_379 = tpu.memref_slice %arg9[%dma_wait3A_370, %dma_wait3A_377, %dma_wait3A_378] : memref<16x32x128xf32, #tpu.memory_space<vmem>> -> memref<1x32x128xf32, #tpu.memory_space<vmem>>
      %dma_wait3A_380 = tpu.memref_squeeze %dma_wait3A_379 : memref<1x32x128xf32, #tpu.memory_space<vmem>> -> memref<32x128xf32, #tpu.memory_space<vmem>>
      %dma_wait3A_381 = arith.constant 0 : i32
      %dma_wait3A_382 = tpu.memref_slice %arg4[%dma_wait3A_381, %multiple_of3A_135] : memref<32x1000000xf32, #tpu.memory_space<hbm>> -> memref<32x128xf32, #tpu.memory_space<hbm>>
      tpu.wait_dma2 semaphore(%arg11 : memref<!tpu.dma_semaphore, #tpu.memory_space<semaphore_mem>>) src(%dma_wait3A_382 : memref<32x128xf32, #tpu.memory_space<hbm>>) dst(%dma_wait3A_380 : memref<32x128xf32, #tpu.memory_space<vmem>>)
      %dma_wait3A_383 = arith.constant 7 : i32
      %dma_wait3A_384 = arith.constant 0 : i32
      %dma_wait3A_385 = arith.constant 0 : i32
      %dma_wait3A_386 = tpu.memref_slice %arg9[%dma_wait3A_383, %dma_wait3A_384, %dma_wait3A_385] : memref<16x32x128xf32, #tpu.memory_space<vmem>> -> memref<1x32x128xf32, #tpu.memory_space<vmem>>
      %dma_wait3A_387 = tpu.memref_squeeze %dma_wait3A_386 : memref<1x32x128xf32, #tpu.memory_space<vmem>> -> memref<32x128xf32, #tpu.memory_space<vmem>>
      %dma_wait3A_388 = arith.constant 0 : i32
      %dma_wait3A_389 = tpu.memref_slice %arg4[%dma_wait3A_388, %multiple_of3A_151] : memref<32x1000000xf32, #tpu.memory_space<hbm>> -> memref<32x128xf32, #tpu.memory_space<hbm>>
      %dma_wait3A_390 = arith.constant 0 : i32
      %dma_wait3A_391 = arith.constant 0 : i32
      %dma_wait3A_392 = tpu.memref_slice %arg9[%dma_wait3A_383, %dma_wait3A_390, %dma_wait3A_391] : memref<16x32x128xf32, #tpu.memory_space<vmem>> -> memref<1x32x128xf32, #tpu.memory_space<vmem>>
      %dma_wait3A_393 = tpu.memref_squeeze %dma_wait3A_392 : memref<1x32x128xf32, #tpu.memory_space<vmem>> -> memref<32x128xf32, #tpu.memory_space<vmem>>
      %dma_wait3A_394 = arith.constant 0 : i32
      %dma_wait3A_395 = tpu.memref_slice %arg4[%dma_wait3A_394, %multiple_of3A_151] : memref<32x1000000xf32, #tpu.memory_space<hbm>> -> memref<32x128xf32, #tpu.memory_space<hbm>>
      tpu.wait_dma2 semaphore(%arg11 : memref<!tpu.dma_semaphore, #tpu.memory_space<semaphore_mem>>) src(%dma_wait3A_395 : memref<32x128xf32, #tpu.memory_space<hbm>>) dst(%dma_wait3A_393 : memref<32x128xf32, #tpu.memory_space<vmem>>)
      %dma_wait3A_396 = arith.constant 8 : i32
      %dma_wait3A_397 = arith.constant 0 : i32
      %dma_wait3A_398 = arith.constant 0 : i32
      %dma_wait3A_399 = tpu.memref_slice %arg9[%dma_wait3A_396, %dma_wait3A_397, %dma_wait3A_398] : memref<16x32x128xf32, #tpu.memory_space<vmem>> -> memref<1x32x128xf32, #tpu.memory_space<vmem>>
      %dma_wait3A_400 = tpu.memref_squeeze %dma_wait3A_399 : memref<1x32x128xf32, #tpu.memory_space<vmem>> -> memref<32x128xf32, #tpu.memory_space<vmem>>
      %dma_wait3A_401 = arith.constant 0 : i32
      %dma_wait3A_402 = tpu.memref_slice %arg4[%dma_wait3A_401, %multiple_of3A_167] : memref<32x1000000xf32, #tpu.memory_space<hbm>> -> memref<32x128xf32, #tpu.memory_space<hbm>>
      %dma_wait3A_403 = arith.constant 0 : i32
      %dma_wait3A_404 = arith.constant 0 : i32
      %dma_wait3A_405 = tpu.memref_slice %arg9[%dma_wait3A_396, %dma_wait3A_403, %dma_wait3A_404] : memref<16x32x128xf32, #tpu.memory_space<vmem>> -> memref<1x32x128xf32, #tpu.memory_space<vmem>>
      %dma_wait3A_406 = tpu.memref_squeeze %dma_wait3A_405 : memref<1x32x128xf32, #tpu.memory_space<vmem>> -> memref<32x128xf32, #tpu.memory_space<vmem>>
      %dma_wait3A_407 = arith.constant 0 : i32
      %dma_wait3A_408 = tpu.memref_slice %arg4[%dma_wait3A_407, %multiple_of3A_167] : memref<32x1000000xf32, #tpu.memory_space<hbm>> -> memref<32x128xf32, #tpu.memory_space<hbm>>
      tpu.wait_dma2 semaphore(%arg11 : memref<!tpu.dma_semaphore, #tpu.memory_space<semaphore_mem>>) src(%dma_wait3A_408 : memref<32x128xf32, #tpu.memory_space<hbm>>) dst(%dma_wait3A_406 : memref<32x128xf32, #tpu.memory_space<vmem>>)
      %dma_wait3A_409 = arith.constant 9 : i32
      %dma_wait3A_410 = arith.constant 0 : i32
      %dma_wait3A_411 = arith.constant 0 : i32
      %dma_wait3A_412 = tpu.memref_slice %arg9[%dma_wait3A_409, %dma_wait3A_410, %dma_wait3A_411] : memref<16x32x128xf32, #tpu.memory_space<vmem>> -> memref<1x32x128xf32, #tpu.memory_space<vmem>>
      %dma_wait3A_413 = tpu.memref_squeeze %dma_wait3A_412 : memref<1x32x128xf32, #tpu.memory_space<vmem>> -> memref<32x128xf32, #tpu.memory_space<vmem>>
      %dma_wait3A_414 = arith.constant 0 : i32
      %dma_wait3A_415 = tpu.memref_slice %arg4[%dma_wait3A_414, %multiple_of3A_183] : memref<32x1000000xf32, #tpu.memory_space<hbm>> -> memref<32x128xf32, #tpu.memory_space<hbm>>
      %dma_wait3A_416 = arith.constant 0 : i32
      %dma_wait3A_417 = arith.constant 0 : i32
      %dma_wait3A_418 = tpu.memref_slice %arg9[%dma_wait3A_409, %dma_wait3A_416, %dma_wait3A_417] : memref<16x32x128xf32, #tpu.memory_space<vmem>> -> memref<1x32x128xf32, #tpu.memory_space<vmem>>
      %dma_wait3A_419 = tpu.memref_squeeze %dma_wait3A_418 : memref<1x32x128xf32, #tpu.memory_space<vmem>> -> memref<32x128xf32, #tpu.memory_space<vmem>>
      %dma_wait3A_420 = arith.constant 0 : i32
      %dma_wait3A_421 = tpu.memref_slice %arg4[%dma_wait3A_420, %multiple_of3A_183] : memref<32x1000000xf32, #tpu.memory_space<hbm>> -> memref<32x128xf32, #tpu.memory_space<hbm>>
      tpu.wait_dma2 semaphore(%arg11 : memref<!tpu.dma_semaphore, #tpu.memory_space<semaphore_mem>>) src(%dma_wait3A_421 : memref<32x128xf32, #tpu.memory_space<hbm>>) dst(%dma_wait3A_419 : memref<32x128xf32, #tpu.memory_space<vmem>>)
      %dma_wait3A_422 = arith.constant 10 : i32
      %dma_wait3A_423 = arith.constant 0 : i32
      %dma_wait3A_424 = arith.constant 0 : i32
      %dma_wait3A_425 = tpu.memref_slice %arg9[%dma_wait3A_422, %dma_wait3A_423, %dma_wait3A_424] : memref<16x32x128xf32, #tpu.memory_space<vmem>> -> memref<1x32x128xf32, #tpu.memory_space<vmem>>
      %dma_wait3A_426 = tpu.memref_squeeze %dma_wait3A_425 : memref<1x32x128xf32, #tpu.memory_space<vmem>> -> memref<32x128xf32, #tpu.memory_space<vmem>>
      %dma_wait3A_427 = arith.constant 0 : i32
      %dma_wait3A_428 = tpu.memref_slice %arg4[%dma_wait3A_427, %multiple_of3A_199] : memref<32x1000000xf32, #tpu.memory_space<hbm>> -> memref<32x128xf32, #tpu.memory_space<hbm>>
      %dma_wait3A_429 = arith.constant 0 : i32
      %dma_wait3A_430 = arith.constant 0 : i32
      %dma_wait3A_431 = tpu.memref_slice %arg9[%dma_wait3A_422, %dma_wait3A_429, %dma_wait3A_430] : memref<16x32x128xf32, #tpu.memory_space<vmem>> -> memref<1x32x128xf32, #tpu.memory_space<vmem>>
      %dma_wait3A_432 = tpu.memref_squeeze %dma_wait3A_431 : memref<1x32x128xf32, #tpu.memory_space<vmem>> -> memref<32x128xf32, #tpu.memory_space<vmem>>
      %dma_wait3A_433 = arith.constant 0 : i32
      %dma_wait3A_434 = tpu.memref_slice %arg4[%dma_wait3A_433, %multiple_of3A_199] : memref<32x1000000xf32, #tpu.memory_space<hbm>> -> memref<32x128xf32, #tpu.memory_space<hbm>>
      tpu.wait_dma2 semaphore(%arg11 : memref<!tpu.dma_semaphore, #tpu.memory_space<semaphore_mem>>) src(%dma_wait3A_434 : memref<32x128xf32, #tpu.memory_space<hbm>>) dst(%dma_wait3A_432 : memref<32x128xf32, #tpu.memory_space<vmem>>)
      %dma_wait3A_435 = arith.constant 11 : i32
      %dma_wait3A_436 = arith.constant 0 : i32
      %dma_wait3A_437 = arith.constant 0 : i32
      %dma_wait3A_438 = tpu.memref_slice %arg9[%dma_wait3A_435, %dma_wait3A_436, %dma_wait3A_437] : memref<16x32x128xf32, #tpu.memory_space<vmem>> -> memref<1x32x128xf32, #tpu.memory_space<vmem>>
      %dma_wait3A_439 = tpu.memref_squeeze %dma_wait3A_438 : memref<1x32x128xf32, #tpu.memory_space<vmem>> -> memref<32x128xf32, #tpu.memory_space<vmem>>
      %dma_wait3A_440 = arith.constant 0 : i32
      %dma_wait3A_441 = tpu.memref_slice %arg4[%dma_wait3A_440, %multiple_of3A_215] : memref<32x1000000xf32, #tpu.memory_space<hbm>> -> memref<32x128xf32, #tpu.memory_space<hbm>>
      %dma_wait3A_442 = arith.constant 0 : i32
      %dma_wait3A_443 = arith.constant 0 : i32
      %dma_wait3A_444 = tpu.memref_slice %arg9[%dma_wait3A_435, %dma_wait3A_442, %dma_wait3A_443] : memref<16x32x128xf32, #tpu.memory_space<vmem>> -> memref<1x32x128xf32, #tpu.memory_space<vmem>>
      %dma_wait3A_445 = tpu.memref_squeeze %dma_wait3A_444 : memref<1x32x128xf32, #tpu.memory_space<vmem>> -> memref<32x128xf32, #tpu.memory_space<vmem>>
      %dma_wait3A_446 = arith.constant 0 : i32
      %dma_wait3A_447 = tpu.memref_slice %arg4[%dma_wait3A_446, %multiple_of3A_215] : memref<32x1000000xf32, #tpu.memory_space<hbm>> -> memref<32x128xf32, #tpu.memory_space<hbm>>
      tpu.wait_dma2 semaphore(%arg11 : memref<!tpu.dma_semaphore, #tpu.memory_space<semaphore_mem>>) src(%dma_wait3A_447 : memref<32x128xf32, #tpu.memory_space<hbm>>) dst(%dma_wait3A_445 : memref<32x128xf32, #tpu.memory_space<vmem>>)
      %dma_wait3A_448 = arith.constant 12 : i32
      %dma_wait3A_449 = arith.constant 0 : i32
      %dma_wait3A_450 = arith.constant 0 : i32
      %dma_wait3A_451 = tpu.memref_slice %arg9[%dma_wait3A_448, %dma_wait3A_449, %dma_wait3A_450] : memref<16x32x128xf32, #tpu.memory_space<vmem>> -> memref<1x32x128xf32, #tpu.memory_space<vmem>>
      %dma_wait3A_452 = tpu.memref_squeeze %dma_wait3A_451 : memref<1x32x128xf32, #tpu.memory_space<vmem>> -> memref<32x128xf32, #tpu.memory_space<vmem>>
      %dma_wait3A_453 = arith.constant 0 : i32
      %dma_wait3A_454 = tpu.memref_slice %arg4[%dma_wait3A_453, %multiple_of3A_231] : memref<32x1000000xf32, #tpu.memory_space<hbm>> -> memref<32x128xf32, #tpu.memory_space<hbm>>
      %dma_wait3A_455 = arith.constant 0 : i32
      %dma_wait3A_456 = arith.constant 0 : i32
      %dma_wait3A_457 = tpu.memref_slice %arg9[%dma_wait3A_448, %dma_wait3A_455, %dma_wait3A_456] : memref<16x32x128xf32, #tpu.memory_space<vmem>> -> memref<1x32x128xf32, #tpu.memory_space<vmem>>
      %dma_wait3A_458 = tpu.memref_squeeze %dma_wait3A_457 : memref<1x32x128xf32, #tpu.memory_space<vmem>> -> memref<32x128xf32, #tpu.memory_space<vmem>>
      %dma_wait3A_459 = arith.constant 0 : i32
      %dma_wait3A_460 = tpu.memref_slice %arg4[%dma_wait3A_459, %multiple_of3A_231] : memref<32x1000000xf32, #tpu.memory_space<hbm>> -> memref<32x128xf32, #tpu.memory_space<hbm>>
      tpu.wait_dma2 semaphore(%arg11 : memref<!tpu.dma_semaphore, #tpu.memory_space<semaphore_mem>>) src(%dma_wait3A_460 : memref<32x128xf32, #tpu.memory_space<hbm>>) dst(%dma_wait3A_458 : memref<32x128xf32, #tpu.memory_space<vmem>>)
      %dma_wait3A_461 = arith.constant 13 : i32
      %dma_wait3A_462 = arith.constant 0 : i32
      %dma_wait3A_463 = arith.constant 0 : i32
      %dma_wait3A_464 = tpu.memref_slice %arg9[%dma_wait3A_461, %dma_wait3A_462, %dma_wait3A_463] : memref<16x32x128xf32, #tpu.memory_space<vmem>> -> memref<1x32x128xf32, #tpu.memory_space<vmem>>
      %dma_wait3A_465 = tpu.memref_squeeze %dma_wait3A_464 : memref<1x32x128xf32, #tpu.memory_space<vmem>> -> memref<32x128xf32, #tpu.memory_space<vmem>>
      %dma_wait3A_466 = arith.constant 0 : i32
      %dma_wait3A_467 = tpu.memref_slice %arg4[%dma_wait3A_466, %multiple_of3A_247] : memref<32x1000000xf32, #tpu.memory_space<hbm>> -> memref<32x128xf32, #tpu.memory_space<hbm>>
      %dma_wait3A_468 = arith.constant 0 : i32
      %dma_wait3A_469 = arith.constant 0 : i32
      %dma_wait3A_470 = tpu.memref_slice %arg9[%dma_wait3A_461, %dma_wait3A_468, %dma_wait3A_469] : memref<16x32x128xf32, #tpu.memory_space<vmem>> -> memref<1x32x128xf32, #tpu.memory_space<vmem>>
      %dma_wait3A_471 = tpu.memref_squeeze %dma_wait3A_470 : memref<1x32x128xf32, #tpu.memory_space<vmem>> -> memref<32x128xf32, #tpu.memory_space<vmem>>
      %dma_wait3A_472 = arith.constant 0 : i32
      %dma_wait3A_473 = tpu.memref_slice %arg4[%dma_wait3A_472, %multiple_of3A_247] : memref<32x1000000xf32, #tpu.memory_space<hbm>> -> memref<32x128xf32, #tpu.memory_space<hbm>>
      tpu.wait_dma2 semaphore(%arg11 : memref<!tpu.dma_semaphore, #tpu.memory_space<semaphore_mem>>) src(%dma_wait3A_473 : memref<32x128xf32, #tpu.memory_space<hbm>>) dst(%dma_wait3A_471 : memref<32x128xf32, #tpu.memory_space<vmem>>)
      %dma_wait3A_474 = arith.constant 14 : i32
      %dma_wait3A_475 = arith.constant 0 : i32
      %dma_wait3A_476 = arith.constant 0 : i32
      %dma_wait3A_477 = tpu.memref_slice %arg9[%dma_wait3A_474, %dma_wait3A_475, %dma_wait3A_476] : memref<16x32x128xf32, #tpu.memory_space<vmem>> -> memref<1x32x128xf32, #tpu.memory_space<vmem>>
      %dma_wait3A_478 = tpu.memref_squeeze %dma_wait3A_477 : memref<1x32x128xf32, #tpu.memory_space<vmem>> -> memref<32x128xf32, #tpu.memory_space<vmem>>
      %dma_wait3A_479 = arith.constant 0 : i32
      %dma_wait3A_480 = tpu.memref_slice %arg4[%dma_wait3A_479, %multiple_of3A_263] : memref<32x1000000xf32, #tpu.memory_space<hbm>> -> memref<32x128xf32, #tpu.memory_space<hbm>>
      %dma_wait3A_481 = arith.constant 0 : i32
      %dma_wait3A_482 = arith.constant 0 : i32
      %dma_wait3A_483 = tpu.memref_slice %arg9[%dma_wait3A_474, %dma_wait3A_481, %dma_wait3A_482] : memref<16x32x128xf32, #tpu.memory_space<vmem>> -> memref<1x32x128xf32, #tpu.memory_space<vmem>>
      %dma_wait3A_484 = tpu.memref_squeeze %dma_wait3A_483 : memref<1x32x128xf32, #tpu.memory_space<vmem>> -> memref<32x128xf32, #tpu.memory_space<vmem>>
      %dma_wait3A_485 = arith.constant 0 : i32
      %dma_wait3A_486 = tpu.memref_slice %arg4[%dma_wait3A_485, %multiple_of3A_263] : memref<32x1000000xf32, #tpu.memory_space<hbm>> -> memref<32x128xf32, #tpu.memory_space<hbm>>
      tpu.wait_dma2 semaphore(%arg11 : memref<!tpu.dma_semaphore, #tpu.memory_space<semaphore_mem>>) src(%dma_wait3A_486 : memref<32x128xf32, #tpu.memory_space<hbm>>) dst(%dma_wait3A_484 : memref<32x128xf32, #tpu.memory_space<vmem>>)
      %dma_wait3A_487 = arith.constant 15 : i32
      %dma_wait3A_488 = arith.constant 0 : i32
      %dma_wait3A_489 = arith.constant 0 : i32
      %dma_wait3A_490 = tpu.memref_slice %arg9[%dma_wait3A_487, %dma_wait3A_488, %dma_wait3A_489] : memref<16x32x128xf32, #tpu.memory_space<vmem>> -> memref<1x32x128xf32, #tpu.memory_space<vmem>>
      %dma_wait3A_491 = tpu.memref_squeeze %dma_wait3A_490 : memref<1x32x128xf32, #tpu.memory_space<vmem>> -> memref<32x128xf32, #tpu.memory_space<vmem>>
      %dma_wait3A_492 = arith.constant 0 : i32
      %dma_wait3A_493 = tpu.memref_slice %arg4[%dma_wait3A_492, %multiple_of3A_279] : memref<32x1000000xf32, #tpu.memory_space<hbm>> -> memref<32x128xf32, #tpu.memory_space<hbm>>
      %dma_wait3A_494 = arith.constant 0 : i32
      %dma_wait3A_495 = arith.constant 0 : i32
      %dma_wait3A_496 = tpu.memref_slice %arg9[%dma_wait3A_487, %dma_wait3A_494, %dma_wait3A_495] : memref<16x32x128xf32, #tpu.memory_space<vmem>> -> memref<1x32x128xf32, #tpu.memory_space<vmem>>
      %dma_wait3A_497 = tpu.memref_squeeze %dma_wait3A_496 : memref<1x32x128xf32, #tpu.memory_space<vmem>> -> memref<32x128xf32, #tpu.memory_space<vmem>>
      %dma_wait3A_498 = arith.constant 0 : i32
      %dma_wait3A_499 = tpu.memref_slice %arg4[%dma_wait3A_498, %multiple_of3A_279] : memref<32x1000000xf32, #tpu.memory_space<hbm>> -> memref<32x128xf32, #tpu.memory_space<hbm>>
      tpu.wait_dma2 semaphore(%arg11 : memref<!tpu.dma_semaphore, #tpu.memory_space<semaphore_mem>>) src(%dma_wait3A_499 : memref<32x128xf32, #tpu.memory_space<hbm>>) dst(%dma_wait3A_497 : memref<32x128xf32, #tpu.memory_space<vmem>>)
      %jit3A_500 = arith.constant 128 : i32
      %eq3A = arith.constant 0 : i32
      %eq3A_501 = arith.cmpi eq, %jit3A_500, %eq3A : i32
      %jit3A_502 = arith.constant 1 : i32
      %select_n3A_503 = arith.select %eq3A_501, %jit3A_502, %jit3A_500 : i32
      %rem3A_504 = vector.broadcast %select_n3A_503 : i32 to vector<16xi32>
      %rem3A_505 = arith.remsi %get3A_14, %rem3A_504 : vector<16xi32>
      %ne3A_506 = arith.constant 0 : i32
      %ne3A_507 = vector.broadcast %ne3A_506 : i32 to vector<16xi32>
      %ne3A_508 = arith.cmpi ne, %rem3A_505, %ne3A_507 : vector<16xi32>
      %lt3A = arith.constant 0 : i32
      %lt3A_509 = vector.broadcast %lt3A : i32 to vector<16xi32>
      %lt3A_510 = arith.cmpi slt, %rem3A_505, %lt3A_509 : vector<16xi32>
      %lt3A_511 = arith.constant 0 : i32
      %lt3A_512 = arith.cmpi slt, %select_n3A_503, %lt3A_511 : i32
      %ne3A_513 = vector.broadcast %lt3A_512 : i1 to vector<16xi1>
      %ne3A_514 = vector.broadcast %ne3A_513 : vector<16xi1> to vector<16xi1>
      %ne3A_515 = arith.xori %lt3A_510, %ne3A_514 : vector<16xi1>
      %and3A_516 = arith.andi %ne3A_515, %ne3A_508 : vector<16xi1>
      %add3A_517 = vector.broadcast %select_n3A_503 : i32 to vector<16xi32>
      %add3A_518 = arith.addi %rem3A_505, %add3A_517 : vector<16xi32>
      %select_n3A_519 = arith.select %and3A_516, %add3A_518, %rem3A_505 : vector<16xi1>, vector<16xi32>
      %slice3A_520 = vector.extract_strided_slice %select_n3A_519 {offsets = [0], sizes = [1], strides = [1]} : vector<16xi32> to vector<1xi32>
      %squeeze3A_521 = vector.extract %slice3A_520[0] : i32 from vector<1xi32>
      %broadcast_in_dim3A = vector.broadcast %squeeze3A_521 : i32 to vector<16xi32>
      %add3A_522 = arith.constant 0 : i32
      %add3A_523 = arith.addi %mul3A_13, %add3A_522 : i32
      %broadcast_in_dim3A_524 = vector.broadcast %add3A_523 : i32 to vector<16xi32>
      %gather3A = arith.constant 0 : i32
      %gather3A_525 = arith.constant 0 : i32
      %gather3A_526 = arith.constant 0 : i32
      %gather3A_527 = tpu.memref_slice %arg9[%gather3A, %gather3A_525, %gather3A_526] : memref<16x32x128xf32, #tpu.memory_space<vmem>> -> memref<1x32x128xf32, #tpu.memory_space<vmem>>
      %gather3A_528 = tpu.memref_squeeze %gather3A_527 : memref<1x32x128xf32, #tpu.memory_space<vmem>> -> memref<32x128xf32, #tpu.memory_space<vmem>>
      %gather3A_529 = tpu.vector_load_idx %gather3A_528[%iota3A, %broadcast_in_dim3A] : memref<32x128xf32, #tpu.memory_space<vmem>>[vector<16xi32>, vector<16xi32>], vector<16xf32>,
      %gather3A_530 = arith.constant 0 : i32
      %gather3A_531 = arith.constant 0 : i32
      %gather3A_532 = arith.constant 0 : i32
      %gather3A_533 = tpu.memref_slice %arg9[%gather3A_530, %gather3A_531, %gather3A_532] : memref<16x32x128xf32, #tpu.memory_space<vmem>> -> memref<1x32x128xf32, #tpu.memory_space<vmem>>
      %gather3A_534 = tpu.memref_squeeze %gather3A_533 : memref<1x32x128xf32, #tpu.memory_space<vmem>> -> memref<32x128xf32, #tpu.memory_space<vmem>>
      %gather3A_535 = tpu.vector_load_idx %gather3A_534[%add3A_5, %broadcast_in_dim3A] : memref<32x128xf32, #tpu.memory_space<vmem>>[vector<16xi32>, vector<16xi32>], vector<16xf32>,
      tpu.vector_store_idx %arg10[%iota3A, %broadcast_in_dim3A_524], %gather3A_529 : memref<32x512xf32, #tpu.memory_space<vmem>>[vector<16xi32>, vector<16xi32>], vector<16xf32>,
      tpu.vector_store_idx %arg10[%add3A_5, %broadcast_in_dim3A_524], %gather3A_535 : memref<32x512xf32, #tpu.memory_space<vmem>>[vector<16xi32>, vector<16xi32>], vector<16xf32>,
      %slice3A_536 = vector.extract_strided_slice %select_n3A_519 {offsets = [1], sizes = [1], strides = [1]} : vector<16xi32> to vector<1xi32>
      %squeeze3A_537 = vector.extract %slice3A_536[0] : i32 from vector<1xi32>
      %broadcast_in_dim3A_538 = vector.broadcast %squeeze3A_537 : i32 to vector<16xi32>
      %add3A_539 = arith.constant 1 : i32
      %add3A_540 = arith.addi %mul3A_13, %add3A_539 : i32
      %broadcast_in_dim3A_541 = vector.broadcast %add3A_540 : i32 to vector<16xi32>
      %gather3A_542 = arith.constant 1 : i32
      %gather3A_543 = arith.constant 0 : i32
      %gather3A_544 = arith.constant 0 : i32
      %gather3A_545 = tpu.memref_slice %arg9[%gather3A_542, %gather3A_543, %gather3A_544] : memref<16x32x128xf32, #tpu.memory_space<vmem>> -> memref<1x32x128xf32, #tpu.memory_space<vmem>>
      %gather3A_546 = tpu.memref_squeeze %gather3A_545 : memref<1x32x128xf32, #tpu.memory_space<vmem>> -> memref<32x128xf32, #tpu.memory_space<vmem>>
      %gather3A_547 = tpu.vector_load_idx %gather3A_546[%iota3A, %broadcast_in_dim3A_538] : memref<32x128xf32, #tpu.memory_space<vmem>>[vector<16xi32>, vector<16xi32>], vector<16xf32>,
      %gather3A_548 = arith.constant 1 : i32
      %gather3A_549 = arith.constant 0 : i32
      %gather3A_550 = arith.constant 0 : i32
      %gather3A_551 = tpu.memref_slice %arg9[%gather3A_548, %gather3A_549, %gather3A_550] : memref<16x32x128xf32, #tpu.memory_space<vmem>> -> memref<1x32x128xf32, #tpu.memory_space<vmem>>
      %gather3A_552 = tpu.memref_squeeze %gather3A_551 : memref<1x32x128xf32, #tpu.memory_space<vmem>> -> memref<32x128xf32, #tpu.memory_space<vmem>>
      %gather3A_553 = tpu.vector_load_idx %gather3A_552[%add3A_5, %broadcast_in_dim3A_538] : memref<32x128xf32, #tpu.memory_space<vmem>>[vector<16xi32>, vector<16xi32>], vector<16xf32>,
      tpu.vector_store_idx %arg10[%iota3A, %broadcast_in_dim3A_541], %gather3A_547 : memref<32x512xf32, #tpu.memory_space<vmem>>[vector<16xi32>, vector<16xi32>], vector<16xf32>,
      tpu.vector_store_idx %arg10[%add3A_5, %broadcast_in_dim3A_541], %gather3A_553 : memref<32x512xf32, #tpu.memory_space<vmem>>[vector<16xi32>, vector<16xi32>], vector<16xf32>,
      %slice3A_554 = vector.extract_strided_slice %select_n3A_519 {offsets = [2], sizes = [1], strides = [1]} : vector<16xi32> to vector<1xi32>
      %squeeze3A_555 = vector.extract %slice3A_554[0] : i32 from vector<1xi32>
      %broadcast_in_dim3A_556 = vector.broadcast %squeeze3A_555 : i32 to vector<16xi32>
      %add3A_557 = arith.constant 2 : i32
      %add3A_558 = arith.addi %mul3A_13, %add3A_557 : i32
      %broadcast_in_dim3A_559 = vector.broadcast %add3A_558 : i32 to vector<16xi32>
      %gather3A_560 = arith.constant 2 : i32
      %gather3A_561 = arith.constant 0 : i32
      %gather3A_562 = arith.constant 0 : i32
      %gather3A_563 = tpu.memref_slice %arg9[%gather3A_560, %gather3A_561, %gather3A_562] : memref<16x32x128xf32, #tpu.memory_space<vmem>> -> memref<1x32x128xf32, #tpu.memory_space<vmem>>
      %gather3A_564 = tpu.memref_squeeze %gather3A_563 : memref<1x32x128xf32, #tpu.memory_space<vmem>> -> memref<32x128xf32, #tpu.memory_space<vmem>>
      %gather3A_565 = tpu.vector_load_idx %gather3A_564[%iota3A, %broadcast_in_dim3A_556] : memref<32x128xf32, #tpu.memory_space<vmem>>[vector<16xi32>, vector<16xi32>], vector<16xf32>,
      %gather3A_566 = arith.constant 2 : i32
      %gather3A_567 = arith.constant 0 : i32
      %gather3A_568 = arith.constant 0 : i32
      %gather3A_569 = tpu.memref_slice %arg9[%gather3A_566, %gather3A_567, %gather3A_568] : memref<16x32x128xf32, #tpu.memory_space<vmem>> -> memref<1x32x128xf32, #tpu.memory_space<vmem>>
      %gather3A_570 = tpu.memref_squeeze %gather3A_569 : memref<1x32x128xf32, #tpu.memory_space<vmem>> -> memref<32x128xf32, #tpu.memory_space<vmem>>
      %gather3A_571 = tpu.vector_load_idx %gather3A_570[%add3A_5, %broadcast_in_dim3A_556] : memref<32x128xf32, #tpu.memory_space<vmem>>[vector<16xi32>, vector<16xi32>], vector<16xf32>,
      tpu.vector_store_idx %arg10[%iota3A, %broadcast_in_dim3A_559], %gather3A_565 : memref<32x512xf32, #tpu.memory_space<vmem>>[vector<16xi32>, vector<16xi32>], vector<16xf32>,
      tpu.vector_store_idx %arg10[%add3A_5, %broadcast_in_dim3A_559], %gather3A_571 : memref<32x512xf32, #tpu.memory_space<vmem>>[vector<16xi32>, vector<16xi32>], vector<16xf32>,
      %slice3A_572 = vector.extract_strided_slice %select_n3A_519 {offsets = [3], sizes = [1], strides = [1]} : vector<16xi32> to vector<1xi32>
      %squeeze3A_573 = vector.extract %slice3A_572[0] : i32 from vector<1xi32>
      %broadcast_in_dim3A_574 = vector.broadcast %squeeze3A_573 : i32 to vector<16xi32>
      %add3A_575 = arith.constant 3 : i32
      %add3A_576 = arith.addi %mul3A_13, %add3A_575 : i32
      %broadcast_in_dim3A_577 = vector.broadcast %add3A_576 : i32 to vector<16xi32>
      %gather3A_578 = arith.constant 3 : i32
      %gather3A_579 = arith.constant 0 : i32
      %gather3A_580 = arith.constant 0 : i32
      %gather3A_581 = tpu.memref_slice %arg9[%gather3A_578, %gather3A_579, %gather3A_580] : memref<16x32x128xf32, #tpu.memory_space<vmem>> -> memref<1x32x128xf32, #tpu.memory_space<vmem>>
      %gather3A_582 = tpu.memref_squeeze %gather3A_581 : memref<1x32x128xf32, #tpu.memory_space<vmem>> -> memref<32x128xf32, #tpu.memory_space<vmem>>
      %gather3A_583 = tpu.vector_load_idx %gather3A_582[%iota3A, %broadcast_in_dim3A_574] : memref<32x128xf32, #tpu.memory_space<vmem>>[vector<16xi32>, vector<16xi32>], vector<16xf32>,
      %gather3A_584 = arith.constant 3 : i32
      %gather3A_585 = arith.constant 0 : i32
      %gather3A_586 = arith.constant 0 : i32
      %gather3A_587 = tpu.memref_slice %arg9[%gather3A_584, %gather3A_585, %gather3A_586] : memref<16x32x128xf32, #tpu.memory_space<vmem>> -> memref<1x32x128xf32, #tpu.memory_space<vmem>>
      %gather3A_588 = tpu.memref_squeeze %gather3A_587 : memref<1x32x128xf32, #tpu.memory_space<vmem>> -> memref<32x128xf32, #tpu.memory_space<vmem>>
      %gather3A_589 = tpu.vector_load_idx %gather3A_588[%add3A_5, %broadcast_in_dim3A_574] : memref<32x128xf32, #tpu.memory_space<vmem>>[vector<16xi32>, vector<16xi32>], vector<16xf32>,
      tpu.vector_store_idx %arg10[%iota3A, %broadcast_in_dim3A_577], %gather3A_583 : memref<32x512xf32, #tpu.memory_space<vmem>>[vector<16xi32>, vector<16xi32>], vector<16xf32>,
      tpu.vector_store_idx %arg10[%add3A_5, %broadcast_in_dim3A_577], %gather3A_589 : memref<32x512xf32, #tpu.memory_space<vmem>>[vector<16xi32>, vector<16xi32>], vector<16xf32>,
      %slice3A_590 = vector.extract_strided_slice %select_n3A_519 {offsets = [4], sizes = [1], strides = [1]} : vector<16xi32> to vector<1xi32>
      %squeeze3A_591 = vector.extract %slice3A_590[0] : i32 from vector<1xi32>
      %broadcast_in_dim3A_592 = vector.broadcast %squeeze3A_591 : i32 to vector<16xi32>
      %add3A_593 = arith.constant 4 : i32
      %add3A_594 = arith.addi %mul3A_13, %add3A_593 : i32
      %broadcast_in_dim3A_595 = vector.broadcast %add3A_594 : i32 to vector<16xi32>
      %gather3A_596 = arith.constant 4 : i32
      %gather3A_597 = arith.constant 0 : i32
      %gather3A_598 = arith.constant 0 : i32
      %gather3A_599 = tpu.memref_slice %arg9[%gather3A_596, %gather3A_597, %gather3A_598] : memref<16x32x128xf32, #tpu.memory_space<vmem>> -> memref<1x32x128xf32, #tpu.memory_space<vmem>>
      %gather3A_600 = tpu.memref_squeeze %gather3A_599 : memref<1x32x128xf32, #tpu.memory_space<vmem>> -> memref<32x128xf32, #tpu.memory_space<vmem>>
      %gather3A_601 = tpu.vector_load_idx %gather3A_600[%iota3A, %broadcast_in_dim3A_592] : memref<32x128xf32, #tpu.memory_space<vmem>>[vector<16xi32>, vector<16xi32>], vector<16xf32>,
      %gather3A_602 = arith.constant 4 : i32
      %gather3A_603 = arith.constant 0 : i32
      %gather3A_604 = arith.constant 0 : i32
      %gather3A_605 = tpu.memref_slice %arg9[%gather3A_602, %gather3A_603, %gather3A_604] : memref<16x32x128xf32, #tpu.memory_space<vmem>> -> memref<1x32x128xf32, #tpu.memory_space<vmem>>
      %gather3A_606 = tpu.memref_squeeze %gather3A_605 : memref<1x32x128xf32, #tpu.memory_space<vmem>> -> memref<32x128xf32, #tpu.memory_space<vmem>>
      %gather3A_607 = tpu.vector_load_idx %gather3A_606[%add3A_5, %broadcast_in_dim3A_592] : memref<32x128xf32, #tpu.memory_space<vmem>>[vector<16xi32>, vector<16xi32>], vector<16xf32>,
      tpu.vector_store_idx %arg10[%iota3A, %broadcast_in_dim3A_595], %gather3A_601 : memref<32x512xf32, #tpu.memory_space<vmem>>[vector<16xi32>, vector<16xi32>], vector<16xf32>,
      tpu.vector_store_idx %arg10[%add3A_5, %broadcast_in_dim3A_595], %gather3A_607 : memref<32x512xf32, #tpu.memory_space<vmem>>[vector<16xi32>, vector<16xi32>], vector<16xf32>,
      %slice3A_608 = vector.extract_strided_slice %select_n3A_519 {offsets = [5], sizes = [1], strides = [1]} : vector<16xi32> to vector<1xi32>
      %squeeze3A_609 = vector.extract %slice3A_608[0] : i32 from vector<1xi32>
      %broadcast_in_dim3A_610 = vector.broadcast %squeeze3A_609 : i32 to vector<16xi32>
      %add3A_611 = arith.constant 5 : i32
      %add3A_612 = arith.addi %mul3A_13, %add3A_611 : i32
      %broadcast_in_dim3A_613 = vector.broadcast %add3A_612 : i32 to vector<16xi32>
      %gather3A_614 = arith.constant 5 : i32
      %gather3A_615 = arith.constant 0 : i32
      %gather3A_616 = arith.constant 0 : i32
      %gather3A_617 = tpu.memref_slice %arg9[%gather3A_614, %gather3A_615, %gather3A_616] : memref<16x32x128xf32, #tpu.memory_space<vmem>> -> memref<1x32x128xf32, #tpu.memory_space<vmem>>
      %gather3A_618 = tpu.memref_squeeze %gather3A_617 : memref<1x32x128xf32, #tpu.memory_space<vmem>> -> memref<32x128xf32, #tpu.memory_space<vmem>>
      %gather3A_619 = tpu.vector_load_idx %gather3A_618[%iota3A, %broadcast_in_dim3A_610] : memref<32x128xf32, #tpu.memory_space<vmem>>[vector<16xi32>, vector<16xi32>], vector<16xf32>,
      %gather3A_620 = arith.constant 5 : i32
      %gather3A_621 = arith.constant 0 : i32
      %gather3A_622 = arith.constant 0 : i32
      %gather3A_623 = tpu.memref_slice %arg9[%gather3A_620, %gather3A_621, %gather3A_622] : memref<16x32x128xf32, #tpu.memory_space<vmem>> -> memref<1x32x128xf32, #tpu.memory_space<vmem>>
      %gather3A_624 = tpu.memref_squeeze %gather3A_623 : memref<1x32x128xf32, #tpu.memory_space<vmem>> -> memref<32x128xf32, #tpu.memory_space<vmem>>
      %gather3A_625 = tpu.vector_load_idx %gather3A_624[%add3A_5, %broadcast_in_dim3A_610] : memref<32x128xf32, #tpu.memory_space<vmem>>[vector<16xi32>, vector<16xi32>], vector<16xf32>,
      tpu.vector_store_idx %arg10[%iota3A, %broadcast_in_dim3A_613], %gather3A_619 : memref<32x512xf32, #tpu.memory_space<vmem>>[vector<16xi32>, vector<16xi32>], vector<16xf32>,
      tpu.vector_store_idx %arg10[%add3A_5, %broadcast_in_dim3A_613], %gather3A_625 : memref<32x512xf32, #tpu.memory_space<vmem>>[vector<16xi32>, vector<16xi32>], vector<16xf32>,
      %slice3A_626 = vector.extract_strided_slice %select_n3A_519 {offsets = [6], sizes = [1], strides = [1]} : vector<16xi32> to vector<1xi32>
      %squeeze3A_627 = vector.extract %slice3A_626[0] : i32 from vector<1xi32>
      %broadcast_in_dim3A_628 = vector.broadcast %squeeze3A_627 : i32 to vector<16xi32>
      %add3A_629 = arith.constant 6 : i32
      %add3A_630 = arith.addi %mul3A_13, %add3A_629 : i32
      %broadcast_in_dim3A_631 = vector.broadcast %add3A_630 : i32 to vector<16xi32>
      %gather3A_632 = arith.constant 6 : i32
      %gather3A_633 = arith.constant 0 : i32
      %gather3A_634 = arith.constant 0 : i32
      %gather3A_635 = tpu.memref_slice %arg9[%gather3A_632, %gather3A_633, %gather3A_634] : memref<16x32x128xf32, #tpu.memory_space<vmem>> -> memref<1x32x128xf32, #tpu.memory_space<vmem>>
      %gather3A_636 = tpu.memref_squeeze %gather3A_635 : memref<1x32x128xf32, #tpu.memory_space<vmem>> -> memref<32x128xf32, #tpu.memory_space<vmem>>
      %gather3A_637 = tpu.vector_load_idx %gather3A_636[%iota3A, %broadcast_in_dim3A_628] : memref<32x128xf32, #tpu.memory_space<vmem>>[vector<16xi32>, vector<16xi32>], vector<16xf32>,
      %gather3A_638 = arith.constant 6 : i32
      %gather3A_639 = arith.constant 0 : i32
      %gather3A_640 = arith.constant 0 : i32
      %gather3A_641 = tpu.memref_slice %arg9[%gather3A_638, %gather3A_639, %gather3A_640] : memref<16x32x128xf32, #tpu.memory_space<vmem>> -> memref<1x32x128xf32, #tpu.memory_space<vmem>>
      %gather3A_642 = tpu.memref_squeeze %gather3A_641 : memref<1x32x128xf32, #tpu.memory_space<vmem>> -> memref<32x128xf32, #tpu.memory_space<vmem>>
      %gather3A_643 = tpu.vector_load_idx %gather3A_642[%add3A_5, %broadcast_in_dim3A_628] : memref<32x128xf32, #tpu.memory_space<vmem>>[vector<16xi32>, vector<16xi32>], vector<16xf32>,
      tpu.vector_store_idx %arg10[%iota3A, %broadcast_in_dim3A_631], %gather3A_637 : memref<32x512xf32, #tpu.memory_space<vmem>>[vector<16xi32>, vector<16xi32>], vector<16xf32>,
      tpu.vector_store_idx %arg10[%add3A_5, %broadcast_in_dim3A_631], %gather3A_643 : memref<32x512xf32, #tpu.memory_space<vmem>>[vector<16xi32>, vector<16xi32>], vector<16xf32>,
      %slice3A_644 = vector.extract_strided_slice %select_n3A_519 {offsets = [7], sizes = [1], strides = [1]} : vector<16xi32> to vector<1xi32>
      %squeeze3A_645 = vector.extract %slice3A_644[0] : i32 from vector<1xi32>
      %broadcast_in_dim3A_646 = vector.broadcast %squeeze3A_645 : i32 to vector<16xi32>
      %add3A_647 = arith.constant 7 : i32
      %add3A_648 = arith.addi %mul3A_13, %add3A_647 : i32
      %broadcast_in_dim3A_649 = vector.broadcast %add3A_648 : i32 to vector<16xi32>
      %gather3A_650 = arith.constant 7 : i32
      %gather3A_651 = arith.constant 0 : i32
      %gather3A_652 = arith.constant 0 : i32
      %gather3A_653 = tpu.memref_slice %arg9[%gather3A_650, %gather3A_651, %gather3A_652] : memref<16x32x128xf32, #tpu.memory_space<vmem>> -> memref<1x32x128xf32, #tpu.memory_space<vmem>>
      %gather3A_654 = tpu.memref_squeeze %gather3A_653 : memref<1x32x128xf32, #tpu.memory_space<vmem>> -> memref<32x128xf32, #tpu.memory_space<vmem>>
      %gather3A_655 = tpu.vector_load_idx %gather3A_654[%iota3A, %broadcast_in_dim3A_646] : memref<32x128xf32, #tpu.memory_space<vmem>>[vector<16xi32>, vector<16xi32>], vector<16xf32>,
      %gather3A_656 = arith.constant 7 : i32
      %gather3A_657 = arith.constant 0 : i32
      %gather3A_658 = arith.constant 0 : i32
      %gather3A_659 = tpu.memref_slice %arg9[%gather3A_656, %gather3A_657, %gather3A_658] : memref<16x32x128xf32, #tpu.memory_space<vmem>> -> memref<1x32x128xf32, #tpu.memory_space<vmem>>
      %gather3A_660 = tpu.memref_squeeze %gather3A_659 : memref<1x32x128xf32, #tpu.memory_space<vmem>> -> memref<32x128xf32, #tpu.memory_space<vmem>>
      %gather3A_661 = tpu.vector_load_idx %gather3A_660[%add3A_5, %broadcast_in_dim3A_646] : memref<32x128xf32, #tpu.memory_space<vmem>>[vector<16xi32>, vector<16xi32>], vector<16xf32>,
      tpu.vector_store_idx %arg10[%iota3A, %broadcast_in_dim3A_649], %gather3A_655 : memref<32x512xf32, #tpu.memory_space<vmem>>[vector<16xi32>, vector<16xi32>], vector<16xf32>,
      tpu.vector_store_idx %arg10[%add3A_5, %broadcast_in_dim3A_649], %gather3A_661 : memref<32x512xf32, #tpu.memory_space<vmem>>[vector<16xi32>, vector<16xi32>], vector<16xf32>,
      %slice3A_662 = vector.extract_strided_slice %select_n3A_519 {offsets = [8], sizes = [1], strides = [1]} : vector<16xi32> to vector<1xi32>
      %squeeze3A_663 = vector.extract %slice3A_662[0] : i32 from vector<1xi32>
      %broadcast_in_dim3A_664 = vector.broadcast %squeeze3A_663 : i32 to vector<16xi32>
      %add3A_665 = arith.constant 8 : i32
      %add3A_666 = arith.addi %mul3A_13, %add3A_665 : i32
      %broadcast_in_dim3A_667 = vector.broadcast %add3A_666 : i32 to vector<16xi32>
      %gather3A_668 = arith.constant 8 : i32
      %gather3A_669 = arith.constant 0 : i32
      %gather3A_670 = arith.constant 0 : i32
      %gather3A_671 = tpu.memref_slice %arg9[%gather3A_668, %gather3A_669, %gather3A_670] : memref<16x32x128xf32, #tpu.memory_space<vmem>> -> memref<1x32x128xf32, #tpu.memory_space<vmem>>
      %gather3A_672 = tpu.memref_squeeze %gather3A_671 : memref<1x32x128xf32, #tpu.memory_space<vmem>> -> memref<32x128xf32, #tpu.memory_space<vmem>>
      %gather3A_673 = tpu.vector_load_idx %gather3A_672[%iota3A, %broadcast_in_dim3A_664] : memref<32x128xf32, #tpu.memory_space<vmem>>[vector<16xi32>, vector<16xi32>], vector<16xf32>,
      %gather3A_674 = arith.constant 8 : i32
      %gather3A_675 = arith.constant 0 : i32
      %gather3A_676 = arith.constant 0 : i32
      %gather3A_677 = tpu.memref_slice %arg9[%gather3A_674, %gather3A_675, %gather3A_676] : memref<16x32x128xf32, #tpu.memory_space<vmem>> -> memref<1x32x128xf32, #tpu.memory_space<vmem>>
      %gather3A_678 = tpu.memref_squeeze %gather3A_677 : memref<1x32x128xf32, #tpu.memory_space<vmem>> -> memref<32x128xf32, #tpu.memory_space<vmem>>
      %gather3A_679 = tpu.vector_load_idx %gather3A_678[%add3A_5, %broadcast_in_dim3A_664] : memref<32x128xf32, #tpu.memory_space<vmem>>[vector<16xi32>, vector<16xi32>], vector<16xf32>,
      tpu.vector_store_idx %arg10[%iota3A, %broadcast_in_dim3A_667], %gather3A_673 : memref<32x512xf32, #tpu.memory_space<vmem>>[vector<16xi32>, vector<16xi32>], vector<16xf32>,
      tpu.vector_store_idx %arg10[%add3A_5, %broadcast_in_dim3A_667], %gather3A_679 : memref<32x512xf32, #tpu.memory_space<vmem>>[vector<16xi32>, vector<16xi32>], vector<16xf32>,
      %slice3A_680 = vector.extract_strided_slice %select_n3A_519 {offsets = [9], sizes = [1], strides = [1]} : vector<16xi32> to vector<1xi32>
      %squeeze3A_681 = vector.extract %slice3A_680[0] : i32 from vector<1xi32>
      %broadcast_in_dim3A_682 = vector.broadcast %squeeze3A_681 : i32 to vector<16xi32>
      %add3A_683 = arith.constant 9 : i32
      %add3A_684 = arith.addi %mul3A_13, %add3A_683 : i32
      %broadcast_in_dim3A_685 = vector.broadcast %add3A_684 : i32 to vector<16xi32>
      %gather3A_686 = arith.constant 9 : i32
      %gather3A_687 = arith.constant 0 : i32
      %gather3A_688 = arith.constant 0 : i32
      %gather3A_689 = tpu.memref_slice %arg9[%gather3A_686, %gather3A_687, %gather3A_688] : memref<16x32x128xf32, #tpu.memory_space<vmem>> -> memref<1x32x128xf32, #tpu.memory_space<vmem>>
      %gather3A_690 = tpu.memref_squeeze %gather3A_689 : memref<1x32x128xf32, #tpu.memory_space<vmem>> -> memref<32x128xf32, #tpu.memory_space<vmem>>
      %gather3A_691 = tpu.vector_load_idx %gather3A_690[%iota3A, %broadcast_in_dim3A_682] : memref<32x128xf32, #tpu.memory_space<vmem>>[vector<16xi32>, vector<16xi32>], vector<16xf32>,
      %gather3A_692 = arith.constant 9 : i32
      %gather3A_693 = arith.constant 0 : i32
      %gather3A_694 = arith.constant 0 : i32
      %gather3A_695 = tpu.memref_slice %arg9[%gather3A_692, %gather3A_693, %gather3A_694] : memref<16x32x128xf32, #tpu.memory_space<vmem>> -> memref<1x32x128xf32, #tpu.memory_space<vmem>>
      %gather3A_696 = tpu.memref_squeeze %gather3A_695 : memref<1x32x128xf32, #tpu.memory_space<vmem>> -> memref<32x128xf32, #tpu.memory_space<vmem>>
      %gather3A_697 = tpu.vector_load_idx %gather3A_696[%add3A_5, %broadcast_in_dim3A_682] : memref<32x128xf32, #tpu.memory_space<vmem>>[vector<16xi32>, vector<16xi32>], vector<16xf32>,
      tpu.vector_store_idx %arg10[%iota3A, %broadcast_in_dim3A_685], %gather3A_691 : memref<32x512xf32, #tpu.memory_space<vmem>>[vector<16xi32>, vector<16xi32>], vector<16xf32>,
      tpu.vector_store_idx %arg10[%add3A_5, %broadcast_in_dim3A_685], %gather3A_697 : memref<32x512xf32, #tpu.memory_space<vmem>>[vector<16xi32>, vector<16xi32>], vector<16xf32>,
      %slice3A_698 = vector.extract_strided_slice %select_n3A_519 {offsets = [10], sizes = [1], strides = [1]} : vector<16xi32> to vector<1xi32>
      %squeeze3A_699 = vector.extract %slice3A_698[0] : i32 from vector<1xi32>
      %broadcast_in_dim3A_700 = vector.broadcast %squeeze3A_699 : i32 to vector<16xi32>
      %add3A_701 = arith.constant 10 : i32
      %add3A_702 = arith.addi %mul3A_13, %add3A_701 : i32
      %broadcast_in_dim3A_703 = vector.broadcast %add3A_702 : i32 to vector<16xi32>
      %gather3A_704 = arith.constant 10 : i32
      %gather3A_705 = arith.constant 0 : i32
      %gather3A_706 = arith.constant 0 : i32
      %gather3A_707 = tpu.memref_slice %arg9[%gather3A_704, %gather3A_705, %gather3A_706] : memref<16x32x128xf32, #tpu.memory_space<vmem>> -> memref<1x32x128xf32, #tpu.memory_space<vmem>>
      %gather3A_708 = tpu.memref_squeeze %gather3A_707 : memref<1x32x128xf32, #tpu.memory_space<vmem>> -> memref<32x128xf32, #tpu.memory_space<vmem>>
      %gather3A_709 = tpu.vector_load_idx %gather3A_708[%iota3A, %broadcast_in_dim3A_700] : memref<32x128xf32, #tpu.memory_space<vmem>>[vector<16xi32>, vector<16xi32>], vector<16xf32>,
      %gather3A_710 = arith.constant 10 : i32
      %gather3A_711 = arith.constant 0 : i32
      %gather3A_712 = arith.constant 0 : i32
      %gather3A_713 = tpu.memref_slice %arg9[%gather3A_710, %gather3A_711, %gather3A_712] : memref<16x32x128xf32, #tpu.memory_space<vmem>> -> memref<1x32x128xf32, #tpu.memory_space<vmem>>
      %gather3A_714 = tpu.memref_squeeze %gather3A_713 : memref<1x32x128xf32, #tpu.memory_space<vmem>> -> memref<32x128xf32, #tpu.memory_space<vmem>>
      %gather3A_715 = tpu.vector_load_idx %gather3A_714[%add3A_5, %broadcast_in_dim3A_700] : memref<32x128xf32, #tpu.memory_space<vmem>>[vector<16xi32>, vector<16xi32>], vector<16xf32>,
      tpu.vector_store_idx %arg10[%iota3A, %broadcast_in_dim3A_703], %gather3A_709 : memref<32x512xf32, #tpu.memory_space<vmem>>[vector<16xi32>, vector<16xi32>], vector<16xf32>,
      tpu.vector_store_idx %arg10[%add3A_5, %broadcast_in_dim3A_703], %gather3A_715 : memref<32x512xf32, #tpu.memory_space<vmem>>[vector<16xi32>, vector<16xi32>], vector<16xf32>,
      %slice3A_716 = vector.extract_strided_slice %select_n3A_519 {offsets = [11], sizes = [1], strides = [1]} : vector<16xi32> to vector<1xi32>
      %squeeze3A_717 = vector.extract %slice3A_716[0] : i32 from vector<1xi32>
      %broadcast_in_dim3A_718 = vector.broadcast %squeeze3A_717 : i32 to vector<16xi32>
      %add3A_719 = arith.constant 11 : i32
      %add3A_720 = arith.addi %mul3A_13, %add3A_719 : i32
      %broadcast_in_dim3A_721 = vector.broadcast %add3A_720 : i32 to vector<16xi32>
      %gather3A_722 = arith.constant 11 : i32
      %gather3A_723 = arith.constant 0 : i32
      %gather3A_724 = arith.constant 0 : i32
      %gather3A_725 = tpu.memref_slice %arg9[%gather3A_722, %gather3A_723, %gather3A_724] : memref<16x32x128xf32, #tpu.memory_space<vmem>> -> memref<1x32x128xf32, #tpu.memory_space<vmem>>
      %gather3A_726 = tpu.memref_squeeze %gather3A_725 : memref<1x32x128xf32, #tpu.memory_space<vmem>> -> memref<32x128xf32, #tpu.memory_space<vmem>>
      %gather3A_727 = tpu.vector_load_idx %gather3A_726[%iota3A, %broadcast_in_dim3A_718] : memref<32x128xf32, #tpu.memory_space<vmem>>[vector<16xi32>, vector<16xi32>], vector<16xf32>,
      %gather3A_728 = arith.constant 11 : i32
      %gather3A_729 = arith.constant 0 : i32
      %gather3A_730 = arith.constant 0 : i32
      %gather3A_731 = tpu.memref_slice %arg9[%gather3A_728, %gather3A_729, %gather3A_730] : memref<16x32x128xf32, #tpu.memory_space<vmem>> -> memref<1x32x128xf32, #tpu.memory_space<vmem>>
      %gather3A_732 = tpu.memref_squeeze %gather3A_731 : memref<1x32x128xf32, #tpu.memory_space<vmem>> -> memref<32x128xf32, #tpu.memory_space<vmem>>
      %gather3A_733 = tpu.vector_load_idx %gather3A_732[%add3A_5, %broadcast_in_dim3A_718] : memref<32x128xf32, #tpu.memory_space<vmem>>[vector<16xi32>, vector<16xi32>], vector<16xf32>,
      tpu.vector_store_idx %arg10[%iota3A, %broadcast_in_dim3A_721], %gather3A_727 : memref<32x512xf32, #tpu.memory_space<vmem>>[vector<16xi32>, vector<16xi32>], vector<16xf32>,
      tpu.vector_store_idx %arg10[%add3A_5, %broadcast_in_dim3A_721], %gather3A_733 : memref<32x512xf32, #tpu.memory_space<vmem>>[vector<16xi32>, vector<16xi32>], vector<16xf32>,
      %slice3A_734 = vector.extract_strided_slice %select_n3A_519 {offsets = [12], sizes = [1], strides = [1]} : vector<16xi32> to vector<1xi32>
      %squeeze3A_735 = vector.extract %slice3A_734[0] : i32 from vector<1xi32>
      %broadcast_in_dim3A_736 = vector.broadcast %squeeze3A_735 : i32 to vector<16xi32>
      %add3A_737 = arith.constant 12 : i32
      %add3A_738 = arith.addi %mul3A_13, %add3A_737 : i32
      %broadcast_in_dim3A_739 = vector.broadcast %add3A_738 : i32 to vector<16xi32>
      %gather3A_740 = arith.constant 12 : i32
      %gather3A_741 = arith.constant 0 : i32
      %gather3A_742 = arith.constant 0 : i32
      %gather3A_743 = tpu.memref_slice %arg9[%gather3A_740, %gather3A_741, %gather3A_742] : memref<16x32x128xf32, #tpu.memory_space<vmem>> -> memref<1x32x128xf32, #tpu.memory_space<vmem>>
      %gather3A_744 = tpu.memref_squeeze %gather3A_743 : memref<1x32x128xf32, #tpu.memory_space<vmem>> -> memref<32x128xf32, #tpu.memory_space<vmem>>
      %gather3A_745 = tpu.vector_load_idx %gather3A_744[%iota3A, %broadcast_in_dim3A_736] : memref<32x128xf32, #tpu.memory_space<vmem>>[vector<16xi32>, vector<16xi32>], vector<16xf32>,
      %gather3A_746 = arith.constant 12 : i32
      %gather3A_747 = arith.constant 0 : i32
      %gather3A_748 = arith.constant 0 : i32
      %gather3A_749 = tpu.memref_slice %arg9[%gather3A_746, %gather3A_747, %gather3A_748] : memref<16x32x128xf32, #tpu.memory_space<vmem>> -> memref<1x32x128xf32, #tpu.memory_space<vmem>>
      %gather3A_750 = tpu.memref_squeeze %gather3A_749 : memref<1x32x128xf32, #tpu.memory_space<vmem>> -> memref<32x128xf32, #tpu.memory_space<vmem>>
      %gather3A_751 = tpu.vector_load_idx %gather3A_750[%add3A_5, %broadcast_in_dim3A_736] : memref<32x128xf32, #tpu.memory_space<vmem>>[vector<16xi32>, vector<16xi32>], vector<16xf32>,
      tpu.vector_store_idx %arg10[%iota3A, %broadcast_in_dim3A_739], %gather3A_745 : memref<32x512xf32, #tpu.memory_space<vmem>>[vector<16xi32>, vector<16xi32>], vector<16xf32>,
      tpu.vector_store_idx %arg10[%add3A_5, %broadcast_in_dim3A_739], %gather3A_751 : memref<32x512xf32, #tpu.memory_space<vmem>>[vector<16xi32>, vector<16xi32>], vector<16xf32>,
      %slice3A_752 = vector.extract_strided_slice %select_n3A_519 {offsets = [13], sizes = [1], strides = [1]} : vector<16xi32> to vector<1xi32>
      %squeeze3A_753 = vector.extract %slice3A_752[0] : i32 from vector<1xi32>
      %broadcast_in_dim3A_754 = vector.broadcast %squeeze3A_753 : i32 to vector<16xi32>
      %add3A_755 = arith.constant 13 : i32
      %add3A_756 = arith.addi %mul3A_13, %add3A_755 : i32
      %broadcast_in_dim3A_757 = vector.broadcast %add3A_756 : i32 to vector<16xi32>
      %gather3A_758 = arith.constant 13 : i32
      %gather3A_759 = arith.constant 0 : i32
      %gather3A_760 = arith.constant 0 : i32
      %gather3A_761 = tpu.memref_slice %arg9[%gather3A_758, %gather3A_759, %gather3A_760] : memref<16x32x128xf32, #tpu.memory_space<vmem>> -> memref<1x32x128xf32, #tpu.memory_space<vmem>>
      %gather3A_762 = tpu.memref_squeeze %gather3A_761 : memref<1x32x128xf32, #tpu.memory_space<vmem>> -> memref<32x128xf32, #tpu.memory_space<vmem>>
      %gather3A_763 = tpu.vector_load_idx %gather3A_762[%iota3A, %broadcast_in_dim3A_754] : memref<32x128xf32, #tpu.memory_space<vmem>>[vector<16xi32>, vector<16xi32>], vector<16xf32>,
      %gather3A_764 = arith.constant 13 : i32
      %gather3A_765 = arith.constant 0 : i32
      %gather3A_766 = arith.constant 0 : i32
      %gather3A_767 = tpu.memref_slice %arg9[%gather3A_764, %gather3A_765, %gather3A_766] : memref<16x32x128xf32, #tpu.memory_space<vmem>> -> memref<1x32x128xf32, #tpu.memory_space<vmem>>
      %gather3A_768 = tpu.memref_squeeze %gather3A_767 : memref<1x32x128xf32, #tpu.memory_space<vmem>> -> memref<32x128xf32, #tpu.memory_space<vmem>>
      %gather3A_769 = tpu.vector_load_idx %gather3A_768[%add3A_5, %broadcast_in_dim3A_754] : memref<32x128xf32, #tpu.memory_space<vmem>>[vector<16xi32>, vector<16xi32>], vector<16xf32>,
      tpu.vector_store_idx %arg10[%iota3A, %broadcast_in_dim3A_757], %gather3A_763 : memref<32x512xf32, #tpu.memory_space<vmem>>[vector<16xi32>, vector<16xi32>], vector<16xf32>,
      tpu.vector_store_idx %arg10[%add3A_5, %broadcast_in_dim3A_757], %gather3A_769 : memref<32x512xf32, #tpu.memory_space<vmem>>[vector<16xi32>, vector<16xi32>], vector<16xf32>,
      %slice3A_770 = vector.extract_strided_slice %select_n3A_519 {offsets = [14], sizes = [1], strides = [1]} : vector<16xi32> to vector<1xi32>
      %squeeze3A_771 = vector.extract %slice3A_770[0] : i32 from vector<1xi32>
      %broadcast_in_dim3A_772 = vector.broadcast %squeeze3A_771 : i32 to vector<16xi32>
      %add3A_773 = arith.constant 14 : i32
      %add3A_774 = arith.addi %mul3A_13, %add3A_773 : i32
      %broadcast_in_dim3A_775 = vector.broadcast %add3A_774 : i32 to vector<16xi32>
      %gather3A_776 = arith.constant 14 : i32
      %gather3A_777 = arith.constant 0 : i32
      %gather3A_778 = arith.constant 0 : i32
      %gather3A_779 = tpu.memref_slice %arg9[%gather3A_776, %gather3A_777, %gather3A_778] : memref<16x32x128xf32, #tpu.memory_space<vmem>> -> memref<1x32x128xf32, #tpu.memory_space<vmem>>
      %gather3A_780 = tpu.memref_squeeze %gather3A_779 : memref<1x32x128xf32, #tpu.memory_space<vmem>> -> memref<32x128xf32, #tpu.memory_space<vmem>>
      %gather3A_781 = tpu.vector_load_idx %gather3A_780[%iota3A, %broadcast_in_dim3A_772] : memref<32x128xf32, #tpu.memory_space<vmem>>[vector<16xi32>, vector<16xi32>], vector<16xf32>,
      %gather3A_782 = arith.constant 14 : i32
      %gather3A_783 = arith.constant 0 : i32
      %gather3A_784 = arith.constant 0 : i32
      %gather3A_785 = tpu.memref_slice %arg9[%gather3A_782, %gather3A_783, %gather3A_784] : memref<16x32x128xf32, #tpu.memory_space<vmem>> -> memref<1x32x128xf32, #tpu.memory_space<vmem>>
      %gather3A_786 = tpu.memref_squeeze %gather3A_785 : memref<1x32x128xf32, #tpu.memory_space<vmem>> -> memref<32x128xf32, #tpu.memory_space<vmem>>
      %gather3A_787 = tpu.vector_load_idx %gather3A_786[%add3A_5, %broadcast_in_dim3A_772] : memref<32x128xf32, #tpu.memory_space<vmem>>[vector<16xi32>, vector<16xi32>], vector<16xf32>,
      tpu.vector_store_idx %arg10[%iota3A, %broadcast_in_dim3A_775], %gather3A_781 : memref<32x512xf32, #tpu.memory_space<vmem>>[vector<16xi32>, vector<16xi32>], vector<16xf32>,
      tpu.vector_store_idx %arg10[%add3A_5, %broadcast_in_dim3A_775], %gather3A_787 : memref<32x512xf32, #tpu.memory_space<vmem>>[vector<16xi32>, vector<16xi32>], vector<16xf32>,
      %slice3A_788 = vector.extract_strided_slice %select_n3A_519 {offsets = [15], sizes = [1], strides = [1]} : vector<16xi32> to vector<1xi32>
      %squeeze3A_789 = vector.extract %slice3A_788[0] : i32 from vector<1xi32>
      %broadcast_in_dim3A_790 = vector.broadcast %squeeze3A_789 : i32 to vector<16xi32>
      %add3A_791 = arith.constant 15 : i32
      %add3A_792 = arith.addi %mul3A_13, %add3A_791 : i32
      %broadcast_in_dim3A_793 = vector.broadcast %add3A_792 : i32 to vector<16xi32>
      %gather3A_794 = arith.constant 15 : i32
      %gather3A_795 = arith.constant 0 : i32
      %gather3A_796 = arith.constant 0 : i32
      %gather3A_797 = tpu.memref_slice %arg9[%gather3A_794, %gather3A_795, %gather3A_796] : memref<16x32x128xf32, #tpu.memory_space<vmem>> -> memref<1x32x128xf32, #tpu.memory_space<vmem>>
      %gather3A_798 = tpu.memref_squeeze %gather3A_797 : memref<1x32x128xf32, #tpu.memory_space<vmem>> -> memref<32x128xf32, #tpu.memory_space<vmem>>
      %gather3A_799 = tpu.vector_load_idx %gather3A_798[%iota3A, %broadcast_in_dim3A_790] : memref<32x128xf32, #tpu.memory_space<vmem>>[vector<16xi32>, vector<16xi32>], vector<16xf32>,
      %gather3A_800 = arith.constant 15 : i32
      %gather3A_801 = arith.constant 0 : i32
      %gather3A_802 = arith.constant 0 : i32
      %gather3A_803 = tpu.memref_slice %arg9[%gather3A_800, %gather3A_801, %gather3A_802] : memref<16x32x128xf32, #tpu.memory_space<vmem>> -> memref<1x32x128xf32, #tpu.memory_space<vmem>>
      %gather3A_804 = tpu.memref_squeeze %gather3A_803 : memref<1x32x128xf32, #tpu.memory_space<vmem>> -> memref<32x128xf32, #tpu.memory_space<vmem>>
      %gather3A_805 = tpu.vector_load_idx %gather3A_804[%add3A_5, %broadcast_in_dim3A_790] : memref<32x128xf32, #tpu.memory_space<vmem>>[vector<16xi32>, vector<16xi32>], vector<16xf32>,
      tpu.vector_store_idx %arg10[%iota3A, %broadcast_in_dim3A_793], %gather3A_799 : memref<32x512xf32, #tpu.memory_space<vmem>>[vector<16xi32>, vector<16xi32>], vector<16xf32>,
      tpu.vector_store_idx %arg10[%add3A_5, %broadcast_in_dim3A_793], %gather3A_805 : memref<32x512xf32, #tpu.memory_space<vmem>>[vector<16xi32>, vector<16xi32>], vector<16xf32>,
      %get3A_806 = arith.index_cast %mul3A_13 : i32 to index
      %get3A_807 = tpu.vector_load %arg8[%get3A_806] {strides = array<i32>} : memref<512xi32, #tpu.memory_space<vmem>>, vector<16xi32>,
      %jit3A_808 = arith.constant 128 : i32
      %div3A_809 = vector.broadcast %jit3A_808 : i32 to vector<16xi32>
      %div3A_810 = arith.divsi %get3A_807, %div3A_809 : vector<16xi32>
      %sign3A_811 = arith.constant 0 : i32
      %sign3A_812 = vector.broadcast %sign3A_811 : i32 to vector<16xi32>
      %sign3A_813 = arith.cmpi sgt, %get3A_807, %sign3A_812 : vector<16xi32>
      %sign3A_814 = arith.extui %sign3A_813 : vector<16xi1> to vector<16xi32>
      %sign3A_815 = arith.constant 0 : i32
      %sign3A_816 = vector.broadcast %sign3A_815 : i32 to vector<16xi32>
      %sign3A_817 = arith.cmpi slt, %get3A_807, %sign3A_816 : vector<16xi32>
      %sign3A_818 = arith.extui %sign3A_817 : vector<16xi1> to vector<16xi32>
      %sign3A_819 = arith.subi %sign3A_814, %sign3A_818 : vector<16xi32>
      %sign3A_820 = arith.constant 0 : i32
      %sign3A_821 = arith.cmpi sgt, %jit3A_808, %sign3A_820 : i32
      %sign3A_822 = arith.extui %sign3A_821 : i1 to i32
      %sign3A_823 = arith.constant 0 : i32
      %sign3A_824 = arith.cmpi slt, %jit3A_808, %sign3A_823 : i32
      %sign3A_825 = arith.extui %sign3A_824 : i1 to i32
      %sign3A_826 = arith.subi %sign3A_822, %sign3A_825 : i32
      %ne3A_827 = vector.broadcast %sign3A_826 : i32 to vector<16xi32>
      %ne3A_828 = arith.cmpi ne, %sign3A_819, %ne3A_827 : vector<16xi32>
      %rem3A_829 = vector.broadcast %jit3A_808 : i32 to vector<16xi32>
      %rem3A_830 = arith.remsi %get3A_807, %rem3A_829 : vector<16xi32>
      %ne3A_831 = arith.constant 0 : i32
      %ne3A_832 = vector.broadcast %ne3A_831 : i32 to vector<16xi32>
      %ne3A_833 = arith.cmpi ne, %rem3A_830, %ne3A_832 : vector<16xi32>
      %and3A_834 = arith.andi %ne3A_828, %ne3A_833 : vector<16xi1>
      %sub3A_835 = arith.constant 1 : i32
      %sub3A_836 = vector.broadcast %sub3A_835 : i32 to vector<16xi32>
      %sub3A_837 = arith.subi %div3A_810, %sub3A_836 : vector<16xi32>
      %select_n3A_838 = arith.select %and3A_834, %sub3A_837, %div3A_810 : vector<16xi1>, vector<16xi32>
      %mul3A_839 = arith.constant 128 : i32
      %mul3A_840 = vector.broadcast %mul3A_839 : i32 to vector<16xi32>
      %mul3A_841 = arith.muli %select_n3A_838, %mul3A_840 : vector<16xi32>
      %slice3A_842 = vector.extract_strided_slice %mul3A_841 {offsets = [0], sizes = [1], strides = [1]} : vector<16xi32> to vector<1xi32>
      %squeeze3A_843 = vector.extract %slice3A_842[0] : i32 from vector<1xi32>
      %multiple_of3A_844 = tpu.assume_multiple %squeeze3A_843, 128 : i32
      %dma_start3A_845 = arith.constant 0 : i32
      %dma_start3A_846 = arith.constant 0 : i32
      %dma_start3A_847 = arith.constant 0 : i32
      %dma_start3A_848 = tpu.memref_slice %arg9[%dma_start3A_845, %dma_start3A_846, %dma_start3A_847] : memref<16x32x128xf32, #tpu.memory_space<vmem>> -> memref<1x32x128xf32, #tpu.memory_space<vmem>>
      %dma_start3A_849 = tpu.memref_squeeze %dma_start3A_848 : memref<1x32x128xf32, #tpu.memory_space<vmem>> -> memref<32x128xf32, #tpu.memory_space<vmem>>
      %dma_start3A_850 = arith.constant 0 : i32
      %dma_start3A_851 = tpu.memref_slice %arg5[%dma_start3A_850, %multiple_of3A_844] : memref<32x1000000xf32, #tpu.memory_space<hbm>> -> memref<32x128xf32, #tpu.memory_space<hbm>>
      %dma_start3A_852 = arith.constant 0 : i32
      %dma_start3A_853 = arith.constant 0 : i32
      %dma_start3A_854 = tpu.memref_slice %arg9[%dma_start3A_845, %dma_start3A_852, %dma_start3A_853] : memref<16x32x128xf32, #tpu.memory_space<vmem>> -> memref<1x32x128xf32, #tpu.memory_space<vmem>>
      %dma_start3A_855 = tpu.memref_squeeze %dma_start3A_854 : memref<1x32x128xf32, #tpu.memory_space<vmem>> -> memref<32x128xf32, #tpu.memory_space<vmem>>
      %dma_start3A_856 = arith.constant 0 : i32
      %dma_start3A_857 = tpu.memref_slice %arg5[%dma_start3A_856, %multiple_of3A_844] : memref<32x1000000xf32, #tpu.memory_space<hbm>> -> memref<32x128xf32, #tpu.memory_space<hbm>>
      tpu.enqueue_dma source(%dma_start3A_857 : memref<32x128xf32, #tpu.memory_space<hbm>>) target(%dma_start3A_855 : memref<32x128xf32, #tpu.memory_space<vmem>>) target_semaphore(%arg11 : memref<!tpu.dma_semaphore, #tpu.memory_space<semaphore_mem>>)
      %slice3A_858 = vector.extract_strided_slice %mul3A_841 {offsets = [1], sizes = [1], strides = [1]} : vector<16xi32> to vector<1xi32>
      %squeeze3A_859 = vector.extract %slice3A_858[0] : i32 from vector<1xi32>
      %multiple_of3A_860 = tpu.assume_multiple %squeeze3A_859, 128 : i32
      %dma_start3A_861 = arith.constant 1 : i32
      %dma_start3A_862 = arith.constant 0 : i32
      %dma_start3A_863 = arith.constant 0 : i32
      %dma_start3A_864 = tpu.memref_slice %arg9[%dma_start3A_861, %dma_start3A_862, %dma_start3A_863] : memref<16x32x128xf32, #tpu.memory_space<vmem>> -> memref<1x32x128xf32, #tpu.memory_space<vmem>>
      %dma_start3A_865 = tpu.memref_squeeze %dma_start3A_864 : memref<1x32x128xf32, #tpu.memory_space<vmem>> -> memref<32x128xf32, #tpu.memory_space<vmem>>
      %dma_start3A_866 = arith.constant 0 : i32
      %dma_start3A_867 = tpu.memref_slice %arg5[%dma_start3A_866, %multiple_of3A_860] : memref<32x1000000xf32, #tpu.memory_space<hbm>> -> memref<32x128xf32, #tpu.memory_space<hbm>>
      %dma_start3A_868 = arith.constant 0 : i32
      %dma_start3A_869 = arith.constant 0 : i32
      %dma_start3A_870 = tpu.memref_slice %arg9[%dma_start3A_861, %dma_start3A_868, %dma_start3A_869] : memref<16x32x128xf32, #tpu.memory_space<vmem>> -> memref<1x32x128xf32, #tpu.memory_space<vmem>>
      %dma_start3A_871 = tpu.memref_squeeze %dma_start3A_870 : memref<1x32x128xf32, #tpu.memory_space<vmem>> -> memref<32x128xf32, #tpu.memory_space<vmem>>
      %dma_start3A_872 = arith.constant 0 : i32
      %dma_start3A_873 = tpu.memref_slice %arg5[%dma_start3A_872, %multiple_of3A_860] : memref<32x1000000xf32, #tpu.memory_space<hbm>> -> memref<32x128xf32, #tpu.memory_space<hbm>>
      tpu.enqueue_dma source(%dma_start3A_873 : memref<32x128xf32, #tpu.memory_space<hbm>>) target(%dma_start3A_871 : memref<32x128xf32, #tpu.memory_space<vmem>>) target_semaphore(%arg11 : memref<!tpu.dma_semaphore, #tpu.memory_space<semaphore_mem>>)
      %slice3A_874 = vector.extract_strided_slice %mul3A_841 {offsets = [2], sizes = [1], strides = [1]} : vector<16xi32> to vector<1xi32>
      %squeeze3A_875 = vector.extract %slice3A_874[0] : i32 from vector<1xi32>
      %multiple_of3A_876 = tpu.assume_multiple %squeeze3A_875, 128 : i32
      %dma_start3A_877 = arith.constant 2 : i32
      %dma_start3A_878 = arith.constant 0 : i32
      %dma_start3A_879 = arith.constant 0 : i32
      %dma_start3A_880 = tpu.memref_slice %arg9[%dma_start3A_877, %dma_start3A_878, %dma_start3A_879] : memref<16x32x128xf32, #tpu.memory_space<vmem>> -> memref<1x32x128xf32, #tpu.memory_space<vmem>>
      %dma_start3A_881 = tpu.memref_squeeze %dma_start3A_880 : memref<1x32x128xf32, #tpu.memory_space<vmem>> -> memref<32x128xf32, #tpu.memory_space<vmem>>
      %dma_start3A_882 = arith.constant 0 : i32
      %dma_start3A_883 = tpu.memref_slice %arg5[%dma_start3A_882, %multiple_of3A_876] : memref<32x1000000xf32, #tpu.memory_space<hbm>> -> memref<32x128xf32, #tpu.memory_space<hbm>>
      %dma_start3A_884 = arith.constant 0 : i32
      %dma_start3A_885 = arith.constant 0 : i32
      %dma_start3A_886 = tpu.memref_slice %arg9[%dma_start3A_877, %dma_start3A_884, %dma_start3A_885] : memref<16x32x128xf32, #tpu.memory_space<vmem>> -> memref<1x32x128xf32, #tpu.memory_space<vmem>>
      %dma_start3A_887 = tpu.memref_squeeze %dma_start3A_886 : memref<1x32x128xf32, #tpu.memory_space<vmem>> -> memref<32x128xf32, #tpu.memory_space<vmem>>
      %dma_start3A_888 = arith.constant 0 : i32
      %dma_start3A_889 = tpu.memref_slice %arg5[%dma_start3A_888, %multiple_of3A_876] : memref<32x1000000xf32, #tpu.memory_space<hbm>> -> memref<32x128xf32, #tpu.memory_space<hbm>>
      tpu.enqueue_dma source(%dma_start3A_889 : memref<32x128xf32, #tpu.memory_space<hbm>>) target(%dma_start3A_887 : memref<32x128xf32, #tpu.memory_space<vmem>>) target_semaphore(%arg11 : memref<!tpu.dma_semaphore, #tpu.memory_space<semaphore_mem>>)
      %slice3A_890 = vector.extract_strided_slice %mul3A_841 {offsets = [3], sizes = [1], strides = [1]} : vector<16xi32> to vector<1xi32>
      %squeeze3A_891 = vector.extract %slice3A_890[0] : i32 from vector<1xi32>
      %multiple_of3A_892 = tpu.assume_multiple %squeeze3A_891, 128 : i32
      %dma_start3A_893 = arith.constant 3 : i32
      %dma_start3A_894 = arith.constant 0 : i32
      %dma_start3A_895 = arith.constant 0 : i32
      %dma_start3A_896 = tpu.memref_slice %arg9[%dma_start3A_893, %dma_start3A_894, %dma_start3A_895] : memref<16x32x128xf32, #tpu.memory_space<vmem>> -> memref<1x32x128xf32, #tpu.memory_space<vmem>>
      %dma_start3A_897 = tpu.memref_squeeze %dma_start3A_896 : memref<1x32x128xf32, #tpu.memory_space<vmem>> -> memref<32x128xf32, #tpu.memory_space<vmem>>
      %dma_start3A_898 = arith.constant 0 : i32
      %dma_start3A_899 = tpu.memref_slice %arg5[%dma_start3A_898, %multiple_of3A_892] : memref<32x1000000xf32, #tpu.memory_space<hbm>> -> memref<32x128xf32, #tpu.memory_space<hbm>>
      %dma_start3A_900 = arith.constant 0 : i32
      %dma_start3A_901 = arith.constant 0 : i32
      %dma_start3A_902 = tpu.memref_slice %arg9[%dma_start3A_893, %dma_start3A_900, %dma_start3A_901] : memref<16x32x128xf32, #tpu.memory_space<vmem>> -> memref<1x32x128xf32, #tpu.memory_space<vmem>>
      %dma_start3A_903 = tpu.memref_squeeze %dma_start3A_902 : memref<1x32x128xf32, #tpu.memory_space<vmem>> -> memref<32x128xf32, #tpu.memory_space<vmem>>
      %dma_start3A_904 = arith.constant 0 : i32
      %dma_start3A_905 = tpu.memref_slice %arg5[%dma_start3A_904, %multiple_of3A_892] : memref<32x1000000xf32, #tpu.memory_space<hbm>> -> memref<32x128xf32, #tpu.memory_space<hbm>>
      tpu.enqueue_dma source(%dma_start3A_905 : memref<32x128xf32, #tpu.memory_space<hbm>>) target(%dma_start3A_903 : memref<32x128xf32, #tpu.memory_space<vmem>>) target_semaphore(%arg11 : memref<!tpu.dma_semaphore, #tpu.memory_space<semaphore_mem>>)
      %slice3A_906 = vector.extract_strided_slice %mul3A_841 {offsets = [4], sizes = [1], strides = [1]} : vector<16xi32> to vector<1xi32>
      %squeeze3A_907 = vector.extract %slice3A_906[0] : i32 from vector<1xi32>
      %multiple_of3A_908 = tpu.assume_multiple %squeeze3A_907, 128 : i32
      %dma_start3A_909 = arith.constant 4 : i32
      %dma_start3A_910 = arith.constant 0 : i32
      %dma_start3A_911 = arith.constant 0 : i32
      %dma_start3A_912 = tpu.memref_slice %arg9[%dma_start3A_909, %dma_start3A_910, %dma_start3A_911] : memref<16x32x128xf32, #tpu.memory_space<vmem>> -> memref<1x32x128xf32, #tpu.memory_space<vmem>>
      %dma_start3A_913 = tpu.memref_squeeze %dma_start3A_912 : memref<1x32x128xf32, #tpu.memory_space<vmem>> -> memref<32x128xf32, #tpu.memory_space<vmem>>
      %dma_start3A_914 = arith.constant 0 : i32
      %dma_start3A_915 = tpu.memref_slice %arg5[%dma_start3A_914, %multiple_of3A_908] : memref<32x1000000xf32, #tpu.memory_space<hbm>> -> memref<32x128xf32, #tpu.memory_space<hbm>>
      %dma_start3A_916 = arith.constant 0 : i32
      %dma_start3A_917 = arith.constant 0 : i32
      %dma_start3A_918 = tpu.memref_slice %arg9[%dma_start3A_909, %dma_start3A_916, %dma_start3A_917] : memref<16x32x128xf32, #tpu.memory_space<vmem>> -> memref<1x32x128xf32, #tpu.memory_space<vmem>>
      %dma_start3A_919 = tpu.memref_squeeze %dma_start3A_918 : memref<1x32x128xf32, #tpu.memory_space<vmem>> -> memref<32x128xf32, #tpu.memory_space<vmem>>
      %dma_start3A_920 = arith.constant 0 : i32
      %dma_start3A_921 = tpu.memref_slice %arg5[%dma_start3A_920, %multiple_of3A_908] : memref<32x1000000xf32, #tpu.memory_space<hbm>> -> memref<32x128xf32, #tpu.memory_space<hbm>>
      tpu.enqueue_dma source(%dma_start3A_921 : memref<32x128xf32, #tpu.memory_space<hbm>>) target(%dma_start3A_919 : memref<32x128xf32, #tpu.memory_space<vmem>>) target_semaphore(%arg11 : memref<!tpu.dma_semaphore, #tpu.memory_space<semaphore_mem>>)
      %slice3A_922 = vector.extract_strided_slice %mul3A_841 {offsets = [5], sizes = [1], strides = [1]} : vector<16xi32> to vector<1xi32>
      %squeeze3A_923 = vector.extract %slice3A_922[0] : i32 from vector<1xi32>
      %multiple_of3A_924 = tpu.assume_multiple %squeeze3A_923, 128 : i32
      %dma_start3A_925 = arith.constant 5 : i32
      %dma_start3A_926 = arith.constant 0 : i32
      %dma_start3A_927 = arith.constant 0 : i32
      %dma_start3A_928 = tpu.memref_slice %arg9[%dma_start3A_925, %dma_start3A_926, %dma_start3A_927] : memref<16x32x128xf32, #tpu.memory_space<vmem>> -> memref<1x32x128xf32, #tpu.memory_space<vmem>>
      %dma_start3A_929 = tpu.memref_squeeze %dma_start3A_928 : memref<1x32x128xf32, #tpu.memory_space<vmem>> -> memref<32x128xf32, #tpu.memory_space<vmem>>
      %dma_start3A_930 = arith.constant 0 : i32
      %dma_start3A_931 = tpu.memref_slice %arg5[%dma_start3A_930, %multiple_of3A_924] : memref<32x1000000xf32, #tpu.memory_space<hbm>> -> memref<32x128xf32, #tpu.memory_space<hbm>>
      %dma_start3A_932 = arith.constant 0 : i32
      %dma_start3A_933 = arith.constant 0 : i32
      %dma_start3A_934 = tpu.memref_slice %arg9[%dma_start3A_925, %dma_start3A_932, %dma_start3A_933] : memref<16x32x128xf32, #tpu.memory_space<vmem>> -> memref<1x32x128xf32, #tpu.memory_space<vmem>>
      %dma_start3A_935 = tpu.memref_squeeze %dma_start3A_934 : memref<1x32x128xf32, #tpu.memory_space<vmem>> -> memref<32x128xf32, #tpu.memory_space<vmem>>
      %dma_start3A_936 = arith.constant 0 : i32
      %dma_start3A_937 = tpu.memref_slice %arg5[%dma_start3A_936, %multiple_of3A_924] : memref<32x1000000xf32, #tpu.memory_space<hbm>> -> memref<32x128xf32, #tpu.memory_space<hbm>>
      tpu.enqueue_dma source(%dma_start3A_937 : memref<32x128xf32, #tpu.memory_space<hbm>>) target(%dma_start3A_935 : memref<32x128xf32, #tpu.memory_space<vmem>>) target_semaphore(%arg11 : memref<!tpu.dma_semaphore, #tpu.memory_space<semaphore_mem>>)
      %slice3A_938 = vector.extract_strided_slice %mul3A_841 {offsets = [6], sizes = [1], strides = [1]} : vector<16xi32> to vector<1xi32>
      %squeeze3A_939 = vector.extract %slice3A_938[0] : i32 from vector<1xi32>
      %multiple_of3A_940 = tpu.assume_multiple %squeeze3A_939, 128 : i32
      %dma_start3A_941 = arith.constant 6 : i32
      %dma_start3A_942 = arith.constant 0 : i32
      %dma_start3A_943 = arith.constant 0 : i32
      %dma_start3A_944 = tpu.memref_slice %arg9[%dma_start3A_941, %dma_start3A_942, %dma_start3A_943] : memref<16x32x128xf32, #tpu.memory_space<vmem>> -> memref<1x32x128xf32, #tpu.memory_space<vmem>>
      %dma_start3A_945 = tpu.memref_squeeze %dma_start3A_944 : memref<1x32x128xf32, #tpu.memory_space<vmem>> -> memref<32x128xf32, #tpu.memory_space<vmem>>
      %dma_start3A_946 = arith.constant 0 : i32
      %dma_start3A_947 = tpu.memref_slice %arg5[%dma_start3A_946, %multiple_of3A_940] : memref<32x1000000xf32, #tpu.memory_space<hbm>> -> memref<32x128xf32, #tpu.memory_space<hbm>>
      %dma_start3A_948 = arith.constant 0 : i32
      %dma_start3A_949 = arith.constant 0 : i32
      %dma_start3A_950 = tpu.memref_slice %arg9[%dma_start3A_941, %dma_start3A_948, %dma_start3A_949] : memref<16x32x128xf32, #tpu.memory_space<vmem>> -> memref<1x32x128xf32, #tpu.memory_space<vmem>>
      %dma_start3A_951 = tpu.memref_squeeze %dma_start3A_950 : memref<1x32x128xf32, #tpu.memory_space<vmem>> -> memref<32x128xf32, #tpu.memory_space<vmem>>
      %dma_start3A_952 = arith.constant 0 : i32
      %dma_start3A_953 = tpu.memref_slice %arg5[%dma_start3A_952, %multiple_of3A_940] : memref<32x1000000xf32, #tpu.memory_space<hbm>> -> memref<32x128xf32, #tpu.memory_space<hbm>>
      tpu.enqueue_dma source(%dma_start3A_953 : memref<32x128xf32, #tpu.memory_space<hbm>>) target(%dma_start3A_951 : memref<32x128xf32, #tpu.memory_space<vmem>>) target_semaphore(%arg11 : memref<!tpu.dma_semaphore, #tpu.memory_space<semaphore_mem>>)
      %slice3A_954 = vector.extract_strided_slice %mul3A_841 {offsets = [7], sizes = [1], strides = [1]} : vector<16xi32> to vector<1xi32>
      %squeeze3A_955 = vector.extract %slice3A_954[0] : i32 from vector<1xi32>
      %multiple_of3A_956 = tpu.assume_multiple %squeeze3A_955, 128 : i32
      %dma_start3A_957 = arith.constant 7 : i32
      %dma_start3A_958 = arith.constant 0 : i32
      %dma_start3A_959 = arith.constant 0 : i32
      %dma_start3A_960 = tpu.memref_slice %arg9[%dma_start3A_957, %dma_start3A_958, %dma_start3A_959] : memref<16x32x128xf32, #tpu.memory_space<vmem>> -> memref<1x32x128xf32, #tpu.memory_space<vmem>>
      %dma_start3A_961 = tpu.memref_squeeze %dma_start3A_960 : memref<1x32x128xf32, #tpu.memory_space<vmem>> -> memref<32x128xf32, #tpu.memory_space<vmem>>
      %dma_start3A_962 = arith.constant 0 : i32
      %dma_start3A_963 = tpu.memref_slice %arg5[%dma_start3A_962, %multiple_of3A_956] : memref<32x1000000xf32, #tpu.memory_space<hbm>> -> memref<32x128xf32, #tpu.memory_space<hbm>>
      %dma_start3A_964 = arith.constant 0 : i32
      %dma_start3A_965 = arith.constant 0 : i32
      %dma_start3A_966 = tpu.memref_slice %arg9[%dma_start3A_957, %dma_start3A_964, %dma_start3A_965] : memref<16x32x128xf32, #tpu.memory_space<vmem>> -> memref<1x32x128xf32, #tpu.memory_space<vmem>>
      %dma_start3A_967 = tpu.memref_squeeze %dma_start3A_966 : memref<1x32x128xf32, #tpu.memory_space<vmem>> -> memref<32x128xf32, #tpu.memory_space<vmem>>
      %dma_start3A_968 = arith.constant 0 : i32
      %dma_start3A_969 = tpu.memref_slice %arg5[%dma_start3A_968, %multiple_of3A_956] : memref<32x1000000xf32, #tpu.memory_space<hbm>> -> memref<32x128xf32, #tpu.memory_space<hbm>>
      tpu.enqueue_dma source(%dma_start3A_969 : memref<32x128xf32, #tpu.memory_space<hbm>>) target(%dma_start3A_967 : memref<32x128xf32, #tpu.memory_space<vmem>>) target_semaphore(%arg11 : memref<!tpu.dma_semaphore, #tpu.memory_space<semaphore_mem>>)
      %slice3A_970 = vector.extract_strided_slice %mul3A_841 {offsets = [8], sizes = [1], strides = [1]} : vector<16xi32> to vector<1xi32>
      %squeeze3A_971 = vector.extract %slice3A_970[0] : i32 from vector<1xi32>
      %multiple_of3A_972 = tpu.assume_multiple %squeeze3A_971, 128 : i32
      %dma_start3A_973 = arith.constant 8 : i32
      %dma_start3A_974 = arith.constant 0 : i32
      %dma_start3A_975 = arith.constant 0 : i32
      %dma_start3A_976 = tpu.memref_slice %arg9[%dma_start3A_973, %dma_start3A_974, %dma_start3A_975] : memref<16x32x128xf32, #tpu.memory_space<vmem>> -> memref<1x32x128xf32, #tpu.memory_space<vmem>>
      %dma_start3A_977 = tpu.memref_squeeze %dma_start3A_976 : memref<1x32x128xf32, #tpu.memory_space<vmem>> -> memref<32x128xf32, #tpu.memory_space<vmem>>
      %dma_start3A_978 = arith.constant 0 : i32
      %dma_start3A_979 = tpu.memref_slice %arg5[%dma_start3A_978, %multiple_of3A_972] : memref<32x1000000xf32, #tpu.memory_space<hbm>> -> memref<32x128xf32, #tpu.memory_space<hbm>>
      %dma_start3A_980 = arith.constant 0 : i32
      %dma_start3A_981 = arith.constant 0 : i32
      %dma_start3A_982 = tpu.memref_slice %arg9[%dma_start3A_973, %dma_start3A_980, %dma_start3A_981] : memref<16x32x128xf32, #tpu.memory_space<vmem>> -> memref<1x32x128xf32, #tpu.memory_space<vmem>>
      %dma_start3A_983 = tpu.memref_squeeze %dma_start3A_982 : memref<1x32x128xf32, #tpu.memory_space<vmem>> -> memref<32x128xf32, #tpu.memory_space<vmem>>
      %dma_start3A_984 = arith.constant 0 : i32
      %dma_start3A_985 = tpu.memref_slice %arg5[%dma_start3A_984, %multiple_of3A_972] : memref<32x1000000xf32, #tpu.memory_space<hbm>> -> memref<32x128xf32, #tpu.memory_space<hbm>>
      tpu.enqueue_dma source(%dma_start3A_985 : memref<32x128xf32, #tpu.memory_space<hbm>>) target(%dma_start3A_983 : memref<32x128xf32, #tpu.memory_space<vmem>>) target_semaphore(%arg11 : memref<!tpu.dma_semaphore, #tpu.memory_space<semaphore_mem>>)
      %slice3A_986 = vector.extract_strided_slice %mul3A_841 {offsets = [9], sizes = [1], strides = [1]} : vector<16xi32> to vector<1xi32>
      %squeeze3A_987 = vector.extract %slice3A_986[0] : i32 from vector<1xi32>
      %multiple_of3A_988 = tpu.assume_multiple %squeeze3A_987, 128 : i32
      %dma_start3A_989 = arith.constant 9 : i32
      %dma_start3A_990 = arith.constant 0 : i32
      %dma_start3A_991 = arith.constant 0 : i32
      %dma_start3A_992 = tpu.memref_slice %arg9[%dma_start3A_989, %dma_start3A_990, %dma_start3A_991] : memref<16x32x128xf32, #tpu.memory_space<vmem>> -> memref<1x32x128xf32, #tpu.memory_space<vmem>>
      %dma_start3A_993 = tpu.memref_squeeze %dma_start3A_992 : memref<1x32x128xf32, #tpu.memory_space<vmem>> -> memref<32x128xf32, #tpu.memory_space<vmem>>
      %dma_start3A_994 = arith.constant 0 : i32
      %dma_start3A_995 = tpu.memref_slice %arg5[%dma_start3A_994, %multiple_of3A_988] : memref<32x1000000xf32, #tpu.memory_space<hbm>> -> memref<32x128xf32, #tpu.memory_space<hbm>>
      %dma_start3A_996 = arith.constant 0 : i32
      %dma_start3A_997 = arith.constant 0 : i32
      %dma_start3A_998 = tpu.memref_slice %arg9[%dma_start3A_989, %dma_start3A_996, %dma_start3A_997] : memref<16x32x128xf32, #tpu.memory_space<vmem>> -> memref<1x32x128xf32, #tpu.memory_space<vmem>>
      %dma_start3A_999 = tpu.memref_squeeze %dma_start3A_998 : memref<1x32x128xf32, #tpu.memory_space<vmem>> -> memref<32x128xf32, #tpu.memory_space<vmem>>
      %dma_start3A_1000 = arith.constant 0 : i32
      %dma_start3A_1001 = tpu.memref_slice %arg5[%dma_start3A_1000, %multiple_of3A_988] : memref<32x1000000xf32, #tpu.memory_space<hbm>> -> memref<32x128xf32, #tpu.memory_space<hbm>>
      tpu.enqueue_dma source(%dma_start3A_1001 : memref<32x128xf32, #tpu.memory_space<hbm>>) target(%dma_start3A_999 : memref<32x128xf32, #tpu.memory_space<vmem>>) target_semaphore(%arg11 : memref<!tpu.dma_semaphore, #tpu.memory_space<semaphore_mem>>)
      %slice3A_1002 = vector.extract_strided_slice %mul3A_841 {offsets = [10], sizes = [1], strides = [1]} : vector<16xi32> to vector<1xi32>
      %squeeze3A_1003 = vector.extract %slice3A_1002[0] : i32 from vector<1xi32>
      %multiple_of3A_1004 = tpu.assume_multiple %squeeze3A_1003, 128 : i32
      %dma_start3A_1005 = arith.constant 10 : i32
      %dma_start3A_1006 = arith.constant 0 : i32
      %dma_start3A_1007 = arith.constant 0 : i32
      %dma_start3A_1008 = tpu.memref_slice %arg9[%dma_start3A_1005, %dma_start3A_1006, %dma_start3A_1007] : memref<16x32x128xf32, #tpu.memory_space<vmem>> -> memref<1x32x128xf32, #tpu.memory_space<vmem>>
      %dma_start3A_1009 = tpu.memref_squeeze %dma_start3A_1008 : memref<1x32x128xf32, #tpu.memory_space<vmem>> -> memref<32x128xf32, #tpu.memory_space<vmem>>
      %dma_start3A_1010 = arith.constant 0 : i32
      %dma_start3A_1011 = tpu.memref_slice %arg5[%dma_start3A_1010, %multiple_of3A_1004] : memref<32x1000000xf32, #tpu.memory_space<hbm>> -> memref<32x128xf32, #tpu.memory_space<hbm>>
      %dma_start3A_1012 = arith.constant 0 : i32
      %dma_start3A_1013 = arith.constant 0 : i32
      %dma_start3A_1014 = tpu.memref_slice %arg9[%dma_start3A_1005, %dma_start3A_1012, %dma_start3A_1013] : memref<16x32x128xf32, #tpu.memory_space<vmem>> -> memref<1x32x128xf32, #tpu.memory_space<vmem>>
      %dma_start3A_1015 = tpu.memref_squeeze %dma_start3A_1014 : memref<1x32x128xf32, #tpu.memory_space<vmem>> -> memref<32x128xf32, #tpu.memory_space<vmem>>
      %dma_start3A_1016 = arith.constant 0 : i32
      %dma_start3A_1017 = tpu.memref_slice %arg5[%dma_start3A_1016, %multiple_of3A_1004] : memref<32x1000000xf32, #tpu.memory_space<hbm>> -> memref<32x128xf32, #tpu.memory_space<hbm>>
      tpu.enqueue_dma source(%dma_start3A_1017 : memref<32x128xf32, #tpu.memory_space<hbm>>) target(%dma_start3A_1015 : memref<32x128xf32, #tpu.memory_space<vmem>>) target_semaphore(%arg11 : memref<!tpu.dma_semaphore, #tpu.memory_space<semaphore_mem>>)
      %slice3A_1018 = vector.extract_strided_slice %mul3A_841 {offsets = [11], sizes = [1], strides = [1]} : vector<16xi32> to vector<1xi32>
      %squeeze3A_1019 = vector.extract %slice3A_1018[0] : i32 from vector<1xi32>
      %multiple_of3A_1020 = tpu.assume_multiple %squeeze3A_1019, 128 : i32
      %dma_start3A_1021 = arith.constant 11 : i32
      %dma_start3A_1022 = arith.constant 0 : i32
      %dma_start3A_1023 = arith.constant 0 : i32
      %dma_start3A_1024 = tpu.memref_slice %arg9[%dma_start3A_1021, %dma_start3A_1022, %dma_start3A_1023] : memref<16x32x128xf32, #tpu.memory_space<vmem>> -> memref<1x32x128xf32, #tpu.memory_space<vmem>>
      %dma_start3A_1025 = tpu.memref_squeeze %dma_start3A_1024 : memref<1x32x128xf32, #tpu.memory_space<vmem>> -> memref<32x128xf32, #tpu.memory_space<vmem>>
      %dma_start3A_1026 = arith.constant 0 : i32
      %dma_start3A_1027 = tpu.memref_slice %arg5[%dma_start3A_1026, %multiple_of3A_1020] : memref<32x1000000xf32, #tpu.memory_space<hbm>> -> memref<32x128xf32, #tpu.memory_space<hbm>>
      %dma_start3A_1028 = arith.constant 0 : i32
      %dma_start3A_1029 = arith.constant 0 : i32
      %dma_start3A_1030 = tpu.memref_slice %arg9[%dma_start3A_1021, %dma_start3A_1028, %dma_start3A_1029] : memref<16x32x128xf32, #tpu.memory_space<vmem>> -> memref<1x32x128xf32, #tpu.memory_space<vmem>>
      %dma_start3A_1031 = tpu.memref_squeeze %dma_start3A_1030 : memref<1x32x128xf32, #tpu.memory_space<vmem>> -> memref<32x128xf32, #tpu.memory_space<vmem>>
      %dma_start3A_1032 = arith.constant 0 : i32
      %dma_start3A_1033 = tpu.memref_slice %arg5[%dma_start3A_1032, %multiple_of3A_1020] : memref<32x1000000xf32, #tpu.memory_space<hbm>> -> memref<32x128xf32, #tpu.memory_space<hbm>>
      tpu.enqueue_dma source(%dma_start3A_1033 : memref<32x128xf32, #tpu.memory_space<hbm>>) target(%dma_start3A_1031 : memref<32x128xf32, #tpu.memory_space<vmem>>) target_semaphore(%arg11 : memref<!tpu.dma_semaphore, #tpu.memory_space<semaphore_mem>>)
      %slice3A_1034 = vector.extract_strided_slice %mul3A_841 {offsets = [12], sizes = [1], strides = [1]} : vector<16xi32> to vector<1xi32>
      %squeeze3A_1035 = vector.extract %slice3A_1034[0] : i32 from vector<1xi32>
      %multiple_of3A_1036 = tpu.assume_multiple %squeeze3A_1035, 128 : i32
      %dma_start3A_1037 = arith.constant 12 : i32
      %dma_start3A_1038 = arith.constant 0 : i32
      %dma_start3A_1039 = arith.constant 0 : i32
      %dma_start3A_1040 = tpu.memref_slice %arg9[%dma_start3A_1037, %dma_start3A_1038, %dma_start3A_1039] : memref<16x32x128xf32, #tpu.memory_space<vmem>> -> memref<1x32x128xf32, #tpu.memory_space<vmem>>
      %dma_start3A_1041 = tpu.memref_squeeze %dma_start3A_1040 : memref<1x32x128xf32, #tpu.memory_space<vmem>> -> memref<32x128xf32, #tpu.memory_space<vmem>>
      %dma_start3A_1042 = arith.constant 0 : i32
      %dma_start3A_1043 = tpu.memref_slice %arg5[%dma_start3A_1042, %multiple_of3A_1036] : memref<32x1000000xf32, #tpu.memory_space<hbm>> -> memref<32x128xf32, #tpu.memory_space<hbm>>
      %dma_start3A_1044 = arith.constant 0 : i32
      %dma_start3A_1045 = arith.constant 0 : i32
      %dma_start3A_1046 = tpu.memref_slice %arg9[%dma_start3A_1037, %dma_start3A_1044, %dma_start3A_1045] : memref<16x32x128xf32, #tpu.memory_space<vmem>> -> memref<1x32x128xf32, #tpu.memory_space<vmem>>
      %dma_start3A_1047 = tpu.memref_squeeze %dma_start3A_1046 : memref<1x32x128xf32, #tpu.memory_space<vmem>> -> memref<32x128xf32, #tpu.memory_space<vmem>>
      %dma_start3A_1048 = arith.constant 0 : i32
      %dma_start3A_1049 = tpu.memref_slice %arg5[%dma_start3A_1048, %multiple_of3A_1036] : memref<32x1000000xf32, #tpu.memory_space<hbm>> -> memref<32x128xf32, #tpu.memory_space<hbm>>
      tpu.enqueue_dma source(%dma_start3A_1049 : memref<32x128xf32, #tpu.memory_space<hbm>>) target(%dma_start3A_1047 : memref<32x128xf32, #tpu.memory_space<vmem>>) target_semaphore(%arg11 : memref<!tpu.dma_semaphore, #tpu.memory_space<semaphore_mem>>)
      %slice3A_1050 = vector.extract_strided_slice %mul3A_841 {offsets = [13], sizes = [1], strides = [1]} : vector<16xi32> to vector<1xi32>
      %squeeze3A_1051 = vector.extract %slice3A_1050[0] : i32 from vector<1xi32>
      %multiple_of3A_1052 = tpu.assume_multiple %squeeze3A_1051, 128 : i32
      %dma_start3A_1053 = arith.constant 13 : i32
      %dma_start3A_1054 = arith.constant 0 : i32
      %dma_start3A_1055 = arith.constant 0 : i32
      %dma_start3A_1056 = tpu.memref_slice %arg9[%dma_start3A_1053, %dma_start3A_1054, %dma_start3A_1055] : memref<16x32x128xf32, #tpu.memory_space<vmem>> -> memref<1x32x128xf32, #tpu.memory_space<vmem>>
      %dma_start3A_1057 = tpu.memref_squeeze %dma_start3A_1056 : memref<1x32x128xf32, #tpu.memory_space<vmem>> -> memref<32x128xf32, #tpu.memory_space<vmem>>
      %dma_start3A_1058 = arith.constant 0 : i32
      %dma_start3A_1059 = tpu.memref_slice %arg5[%dma_start3A_1058, %multiple_of3A_1052] : memref<32x1000000xf32, #tpu.memory_space<hbm>> -> memref<32x128xf32, #tpu.memory_space<hbm>>
      %dma_start3A_1060 = arith.constant 0 : i32
      %dma_start3A_1061 = arith.constant 0 : i32
      %dma_start3A_1062 = tpu.memref_slice %arg9[%dma_start3A_1053, %dma_start3A_1060, %dma_start3A_1061] : memref<16x32x128xf32, #tpu.memory_space<vmem>> -> memref<1x32x128xf32, #tpu.memory_space<vmem>>
      %dma_start3A_1063 = tpu.memref_squeeze %dma_start3A_1062 : memref<1x32x128xf32, #tpu.memory_space<vmem>> -> memref<32x128xf32, #tpu.memory_space<vmem>>
      %dma_start3A_1064 = arith.constant 0 : i32
      %dma_start3A_1065 = tpu.memref_slice %arg5[%dma_start3A_1064, %multiple_of3A_1052] : memref<32x1000000xf32, #tpu.memory_space<hbm>> -> memref<32x128xf32, #tpu.memory_space<hbm>>
      tpu.enqueue_dma source(%dma_start3A_1065 : memref<32x128xf32, #tpu.memory_space<hbm>>) target(%dma_start3A_1063 : memref<32x128xf32, #tpu.memory_space<vmem>>) target_semaphore(%arg11 : memref<!tpu.dma_semaphore, #tpu.memory_space<semaphore_mem>>)
      %slice3A_1066 = vector.extract_strided_slice %mul3A_841 {offsets = [14], sizes = [1], strides = [1]} : vector<16xi32> to vector<1xi32>
      %squeeze3A_1067 = vector.extract %slice3A_1066[0] : i32 from vector<1xi32>
      %multiple_of3A_1068 = tpu.assume_multiple %squeeze3A_1067, 128 : i32
      %dma_start3A_1069 = arith.constant 14 : i32
      %dma_start3A_1070 = arith.constant 0 : i32
      %dma_start3A_1071 = arith.constant 0 : i32
      %dma_start3A_1072 = tpu.memref_slice %arg9[%dma_start3A_1069, %dma_start3A_1070, %dma_start3A_1071] : memref<16x32x128xf32, #tpu.memory_space<vmem>> -> memref<1x32x128xf32, #tpu.memory_space<vmem>>
      %dma_start3A_1073 = tpu.memref_squeeze %dma_start3A_1072 : memref<1x32x128xf32, #tpu.memory_space<vmem>> -> memref<32x128xf32, #tpu.memory_space<vmem>>
      %dma_start3A_1074 = arith.constant 0 : i32
      %dma_start3A_1075 = tpu.memref_slice %arg5[%dma_start3A_1074, %multiple_of3A_1068] : memref<32x1000000xf32, #tpu.memory_space<hbm>> -> memref<32x128xf32, #tpu.memory_space<hbm>>
      %dma_start3A_1076 = arith.constant 0 : i32
      %dma_start3A_1077 = arith.constant 0 : i32
      %dma_start3A_1078 = tpu.memref_slice %arg9[%dma_start3A_1069, %dma_start3A_1076, %dma_start3A_1077] : memref<16x32x128xf32, #tpu.memory_space<vmem>> -> memref<1x32x128xf32, #tpu.memory_space<vmem>>
      %dma_start3A_1079 = tpu.memref_squeeze %dma_start3A_1078 : memref<1x32x128xf32, #tpu.memory_space<vmem>> -> memref<32x128xf32, #tpu.memory_space<vmem>>
      %dma_start3A_1080 = arith.constant 0 : i32
      %dma_start3A_1081 = tpu.memref_slice %arg5[%dma_start3A_1080, %multiple_of3A_1068] : memref<32x1000000xf32, #tpu.memory_space<hbm>> -> memref<32x128xf32, #tpu.memory_space<hbm>>
      tpu.enqueue_dma source(%dma_start3A_1081 : memref<32x128xf32, #tpu.memory_space<hbm>>) target(%dma_start3A_1079 : memref<32x128xf32, #tpu.memory_space<vmem>>) target_semaphore(%arg11 : memref<!tpu.dma_semaphore, #tpu.memory_space<semaphore_mem>>)
      %slice3A_1082 = vector.extract_strided_slice %mul3A_841 {offsets = [15], sizes = [1], strides = [1]} : vector<16xi32> to vector<1xi32>
      %squeeze3A_1083 = vector.extract %slice3A_1082[0] : i32 from vector<1xi32>
      %multiple_of3A_1084 = tpu.assume_multiple %squeeze3A_1083, 128 : i32
      %dma_start3A_1085 = arith.constant 15 : i32
      %dma_start3A_1086 = arith.constant 0 : i32
      %dma_start3A_1087 = arith.constant 0 : i32
      %dma_start3A_1088 = tpu.memref_slice %arg9[%dma_start3A_1085, %dma_start3A_1086, %dma_start3A_1087] : memref<16x32x128xf32, #tpu.memory_space<vmem>> -> memref<1x32x128xf32, #tpu.memory_space<vmem>>
      %dma_start3A_1089 = tpu.memref_squeeze %dma_start3A_1088 : memref<1x32x128xf32, #tpu.memory_space<vmem>> -> memref<32x128xf32, #tpu.memory_space<vmem>>
      %dma_start3A_1090 = arith.constant 0 : i32
      %dma_start3A_1091 = tpu.memref_slice %arg5[%dma_start3A_1090, %multiple_of3A_1084] : memref<32x1000000xf32, #tpu.memory_space<hbm>> -> memref<32x128xf32, #tpu.memory_space<hbm>>
      %dma_start3A_1092 = arith.constant 0 : i32
      %dma_start3A_1093 = arith.constant 0 : i32
      %dma_start3A_1094 = tpu.memref_slice %arg9[%dma_start3A_1085, %dma_start3A_1092, %dma_start3A_1093] : memref<16x32x128xf32, #tpu.memory_space<vmem>> -> memref<1x32x128xf32, #tpu.memory_space<vmem>>
      %dma_start3A_1095 = tpu.memref_squeeze %dma_start3A_1094 : memref<1x32x128xf32, #tpu.memory_space<vmem>> -> memref<32x128xf32, #tpu.memory_space<vmem>>
      %dma_start3A_1096 = arith.constant 0 : i32
      %dma_start3A_1097 = tpu.memref_slice %arg5[%dma_start3A_1096, %multiple_of3A_1084] : memref<32x1000000xf32, #tpu.memory_space<hbm>> -> memref<32x128xf32, #tpu.memory_space<hbm>>
      tpu.enqueue_dma source(%dma_start3A_1097 : memref<32x128xf32, #tpu.memory_space<hbm>>) target(%dma_start3A_1095 : memref<32x128xf32, #tpu.memory_space<vmem>>) target_semaphore(%arg11 : memref<!tpu.dma_semaphore, #tpu.memory_space<semaphore_mem>>)
      %dma_wait3A_1098 = arith.constant 0 : i32
      %dma_wait3A_1099 = arith.constant 0 : i32
      %dma_wait3A_1100 = arith.constant 0 : i32
      %dma_wait3A_1101 = tpu.memref_slice %arg9[%dma_wait3A_1098, %dma_wait3A_1099, %dma_wait3A_1100] : memref<16x32x128xf32, #tpu.memory_space<vmem>> -> memref<1x32x128xf32, #tpu.memory_space<vmem>>
      %dma_wait3A_1102 = tpu.memref_squeeze %dma_wait3A_1101 : memref<1x32x128xf32, #tpu.memory_space<vmem>> -> memref<32x128xf32, #tpu.memory_space<vmem>>
      %dma_wait3A_1103 = arith.constant 0 : i32
      %dma_wait3A_1104 = tpu.memref_slice %arg5[%dma_wait3A_1103, %multiple_of3A_844] : memref<32x1000000xf32, #tpu.memory_space<hbm>> -> memref<32x128xf32, #tpu.memory_space<hbm>>
      %dma_wait3A_1105 = arith.constant 0 : i32
      %dma_wait3A_1106 = arith.constant 0 : i32
      %dma_wait3A_1107 = tpu.memref_slice %arg9[%dma_wait3A_1098, %dma_wait3A_1105, %dma_wait3A_1106] : memref<16x32x128xf32, #tpu.memory_space<vmem>> -> memref<1x32x128xf32, #tpu.memory_space<vmem>>
      %dma_wait3A_1108 = tpu.memref_squeeze %dma_wait3A_1107 : memref<1x32x128xf32, #tpu.memory_space<vmem>> -> memref<32x128xf32, #tpu.memory_space<vmem>>
      %dma_wait3A_1109 = arith.constant 0 : i32
      %dma_wait3A_1110 = tpu.memref_slice %arg5[%dma_wait3A_1109, %multiple_of3A_844] : memref<32x1000000xf32, #tpu.memory_space<hbm>> -> memref<32x128xf32, #tpu.memory_space<hbm>>
      tpu.wait_dma2 semaphore(%arg11 : memref<!tpu.dma_semaphore, #tpu.memory_space<semaphore_mem>>) src(%dma_wait3A_1110 : memref<32x128xf32, #tpu.memory_space<hbm>>) dst(%dma_wait3A_1108 : memref<32x128xf32, #tpu.memory_space<vmem>>)
      %dma_wait3A_1111 = arith.constant 1 : i32
      %dma_wait3A_1112 = arith.constant 0 : i32
      %dma_wait3A_1113 = arith.constant 0 : i32
      %dma_wait3A_1114 = tpu.memref_slice %arg9[%dma_wait3A_1111, %dma_wait3A_1112, %dma_wait3A_1113] : memref<16x32x128xf32, #tpu.memory_space<vmem>> -> memref<1x32x128xf32, #tpu.memory_space<vmem>>
      %dma_wait3A_1115 = tpu.memref_squeeze %dma_wait3A_1114 : memref<1x32x128xf32, #tpu.memory_space<vmem>> -> memref<32x128xf32, #tpu.memory_space<vmem>>
      %dma_wait3A_1116 = arith.constant 0 : i32
      %dma_wait3A_1117 = tpu.memref_slice %arg5[%dma_wait3A_1116, %multiple_of3A_860] : memref<32x1000000xf32, #tpu.memory_space<hbm>> -> memref<32x128xf32, #tpu.memory_space<hbm>>
      %dma_wait3A_1118 = arith.constant 0 : i32
      %dma_wait3A_1119 = arith.constant 0 : i32
      %dma_wait3A_1120 = tpu.memref_slice %arg9[%dma_wait3A_1111, %dma_wait3A_1118, %dma_wait3A_1119] : memref<16x32x128xf32, #tpu.memory_space<vmem>> -> memref<1x32x128xf32, #tpu.memory_space<vmem>>
      %dma_wait3A_1121 = tpu.memref_squeeze %dma_wait3A_1120 : memref<1x32x128xf32, #tpu.memory_space<vmem>> -> memref<32x128xf32, #tpu.memory_space<vmem>>
      %dma_wait3A_1122 = arith.constant 0 : i32
      %dma_wait3A_1123 = tpu.memref_slice %arg5[%dma_wait3A_1122, %multiple_of3A_860] : memref<32x1000000xf32, #tpu.memory_space<hbm>> -> memref<32x128xf32, #tpu.memory_space<hbm>>
      tpu.wait_dma2 semaphore(%arg11 : memref<!tpu.dma_semaphore, #tpu.memory_space<semaphore_mem>>) src(%dma_wait3A_1123 : memref<32x128xf32, #tpu.memory_space<hbm>>) dst(%dma_wait3A_1121 : memref<32x128xf32, #tpu.memory_space<vmem>>)
      %dma_wait3A_1124 = arith.constant 2 : i32
      %dma_wait3A_1125 = arith.constant 0 : i32
      %dma_wait3A_1126 = arith.constant 0 : i32
      %dma_wait3A_1127 = tpu.memref_slice %arg9[%dma_wait3A_1124, %dma_wait3A_1125, %dma_wait3A_1126] : memref<16x32x128xf32, #tpu.memory_space<vmem>> -> memref<1x32x128xf32, #tpu.memory_space<vmem>>
      %dma_wait3A_1128 = tpu.memref_squeeze %dma_wait3A_1127 : memref<1x32x128xf32, #tpu.memory_space<vmem>> -> memref<32x128xf32, #tpu.memory_space<vmem>>
      %dma_wait3A_1129 = arith.constant 0 : i32
      %dma_wait3A_1130 = tpu.memref_slice %arg5[%dma_wait3A_1129, %multiple_of3A_876] : memref<32x1000000xf32, #tpu.memory_space<hbm>> -> memref<32x128xf32, #tpu.memory_space<hbm>>
      %dma_wait3A_1131 = arith.constant 0 : i32
      %dma_wait3A_1132 = arith.constant 0 : i32
      %dma_wait3A_1133 = tpu.memref_slice %arg9[%dma_wait3A_1124, %dma_wait3A_1131, %dma_wait3A_1132] : memref<16x32x128xf32, #tpu.memory_space<vmem>> -> memref<1x32x128xf32, #tpu.memory_space<vmem>>
      %dma_wait3A_1134 = tpu.memref_squeeze %dma_wait3A_1133 : memref<1x32x128xf32, #tpu.memory_space<vmem>> -> memref<32x128xf32, #tpu.memory_space<vmem>>
      %dma_wait3A_1135 = arith.constant 0 : i32
      %dma_wait3A_1136 = tpu.memref_slice %arg5[%dma_wait3A_1135, %multiple_of3A_876] : memref<32x1000000xf32, #tpu.memory_space<hbm>> -> memref<32x128xf32, #tpu.memory_space<hbm>>
      tpu.wait_dma2 semaphore(%arg11 : memref<!tpu.dma_semaphore, #tpu.memory_space<semaphore_mem>>) src(%dma_wait3A_1136 : memref<32x128xf32, #tpu.memory_space<hbm>>) dst(%dma_wait3A_1134 : memref<32x128xf32, #tpu.memory_space<vmem>>)
      %dma_wait3A_1137 = arith.constant 3 : i32
      %dma_wait3A_1138 = arith.constant 0 : i32
      %dma_wait3A_1139 = arith.constant 0 : i32
      %dma_wait3A_1140 = tpu.memref_slice %arg9[%dma_wait3A_1137, %dma_wait3A_1138, %dma_wait3A_1139] : memref<16x32x128xf32, #tpu.memory_space<vmem>> -> memref<1x32x128xf32, #tpu.memory_space<vmem>>
      %dma_wait3A_1141 = tpu.memref_squeeze %dma_wait3A_1140 : memref<1x32x128xf32, #tpu.memory_space<vmem>> -> memref<32x128xf32, #tpu.memory_space<vmem>>
      %dma_wait3A_1142 = arith.constant 0 : i32
      %dma_wait3A_1143 = tpu.memref_slice %arg5[%dma_wait3A_1142, %multiple_of3A_892] : memref<32x1000000xf32, #tpu.memory_space<hbm>> -> memref<32x128xf32, #tpu.memory_space<hbm>>
      %dma_wait3A_1144 = arith.constant 0 : i32
      %dma_wait3A_1145 = arith.constant 0 : i32
      %dma_wait3A_1146 = tpu.memref_slice %arg9[%dma_wait3A_1137, %dma_wait3A_1144, %dma_wait3A_1145] : memref<16x32x128xf32, #tpu.memory_space<vmem>> -> memref<1x32x128xf32, #tpu.memory_space<vmem>>
      %dma_wait3A_1147 = tpu.memref_squeeze %dma_wait3A_1146 : memref<1x32x128xf32, #tpu.memory_space<vmem>> -> memref<32x128xf32, #tpu.memory_space<vmem>>
      %dma_wait3A_1148 = arith.constant 0 : i32
      %dma_wait3A_1149 = tpu.memref_slice %arg5[%dma_wait3A_1148, %multiple_of3A_892] : memref<32x1000000xf32, #tpu.memory_space<hbm>> -> memref<32x128xf32, #tpu.memory_space<hbm>>
      tpu.wait_dma2 semaphore(%arg11 : memref<!tpu.dma_semaphore, #tpu.memory_space<semaphore_mem>>) src(%dma_wait3A_1149 : memref<32x128xf32, #tpu.memory_space<hbm>>) dst(%dma_wait3A_1147 : memref<32x128xf32, #tpu.memory_space<vmem>>)
      %dma_wait3A_1150 = arith.constant 4 : i32
      %dma_wait3A_1151 = arith.constant 0 : i32
      %dma_wait3A_1152 = arith.constant 0 : i32
      %dma_wait3A_1153 = tpu.memref_slice %arg9[%dma_wait3A_1150, %dma_wait3A_1151, %dma_wait3A_1152] : memref<16x32x128xf32, #tpu.memory_space<vmem>> -> memref<1x32x128xf32, #tpu.memory_space<vmem>>
      %dma_wait3A_1154 = tpu.memref_squeeze %dma_wait3A_1153 : memref<1x32x128xf32, #tpu.memory_space<vmem>> -> memref<32x128xf32, #tpu.memory_space<vmem>>
      %dma_wait3A_1155 = arith.constant 0 : i32
      %dma_wait3A_1156 = tpu.memref_slice %arg5[%dma_wait3A_1155, %multiple_of3A_908] : memref<32x1000000xf32, #tpu.memory_space<hbm>> -> memref<32x128xf32, #tpu.memory_space<hbm>>
      %dma_wait3A_1157 = arith.constant 0 : i32
      %dma_wait3A_1158 = arith.constant 0 : i32
      %dma_wait3A_1159 = tpu.memref_slice %arg9[%dma_wait3A_1150, %dma_wait3A_1157, %dma_wait3A_1158] : memref<16x32x128xf32, #tpu.memory_space<vmem>> -> memref<1x32x128xf32, #tpu.memory_space<vmem>>
      %dma_wait3A_1160 = tpu.memref_squeeze %dma_wait3A_1159 : memref<1x32x128xf32, #tpu.memory_space<vmem>> -> memref<32x128xf32, #tpu.memory_space<vmem>>
      %dma_wait3A_1161 = arith.constant 0 : i32
      %dma_wait3A_1162 = tpu.memref_slice %arg5[%dma_wait3A_1161, %multiple_of3A_908] : memref<32x1000000xf32, #tpu.memory_space<hbm>> -> memref<32x128xf32, #tpu.memory_space<hbm>>
      tpu.wait_dma2 semaphore(%arg11 : memref<!tpu.dma_semaphore, #tpu.memory_space<semaphore_mem>>) src(%dma_wait3A_1162 : memref<32x128xf32, #tpu.memory_space<hbm>>) dst(%dma_wait3A_1160 : memref<32x128xf32, #tpu.memory_space<vmem>>)
      %dma_wait3A_1163 = arith.constant 5 : i32
      %dma_wait3A_1164 = arith.constant 0 : i32
      %dma_wait3A_1165 = arith.constant 0 : i32
      %dma_wait3A_1166 = tpu.memref_slice %arg9[%dma_wait3A_1163, %dma_wait3A_1164, %dma_wait3A_1165] : memref<16x32x128xf32, #tpu.memory_space<vmem>> -> memref<1x32x128xf32, #tpu.memory_space<vmem>>
      %dma_wait3A_1167 = tpu.memref_squeeze %dma_wait3A_1166 : memref<1x32x128xf32, #tpu.memory_space<vmem>> -> memref<32x128xf32, #tpu.memory_space<vmem>>
      %dma_wait3A_1168 = arith.constant 0 : i32
      %dma_wait3A_1169 = tpu.memref_slice %arg5[%dma_wait3A_1168, %multiple_of3A_924] : memref<32x1000000xf32, #tpu.memory_space<hbm>> -> memref<32x128xf32, #tpu.memory_space<hbm>>
      %dma_wait3A_1170 = arith.constant 0 : i32
      %dma_wait3A_1171 = arith.constant 0 : i32
      %dma_wait3A_1172 = tpu.memref_slice %arg9[%dma_wait3A_1163, %dma_wait3A_1170, %dma_wait3A_1171] : memref<16x32x128xf32, #tpu.memory_space<vmem>> -> memref<1x32x128xf32, #tpu.memory_space<vmem>>
      %dma_wait3A_1173 = tpu.memref_squeeze %dma_wait3A_1172 : memref<1x32x128xf32, #tpu.memory_space<vmem>> -> memref<32x128xf32, #tpu.memory_space<vmem>>
      %dma_wait3A_1174 = arith.constant 0 : i32
      %dma_wait3A_1175 = tpu.memref_slice %arg5[%dma_wait3A_1174, %multiple_of3A_924] : memref<32x1000000xf32, #tpu.memory_space<hbm>> -> memref<32x128xf32, #tpu.memory_space<hbm>>
      tpu.wait_dma2 semaphore(%arg11 : memref<!tpu.dma_semaphore, #tpu.memory_space<semaphore_mem>>) src(%dma_wait3A_1175 : memref<32x128xf32, #tpu.memory_space<hbm>>) dst(%dma_wait3A_1173 : memref<32x128xf32, #tpu.memory_space<vmem>>)
      %dma_wait3A_1176 = arith.constant 6 : i32
      %dma_wait3A_1177 = arith.constant 0 : i32
      %dma_wait3A_1178 = arith.constant 0 : i32
      %dma_wait3A_1179 = tpu.memref_slice %arg9[%dma_wait3A_1176, %dma_wait3A_1177, %dma_wait3A_1178] : memref<16x32x128xf32, #tpu.memory_space<vmem>> -> memref<1x32x128xf32, #tpu.memory_space<vmem>>
      %dma_wait3A_1180 = tpu.memref_squeeze %dma_wait3A_1179 : memref<1x32x128xf32, #tpu.memory_space<vmem>> -> memref<32x128xf32, #tpu.memory_space<vmem>>
      %dma_wait3A_1181 = arith.constant 0 : i32
      %dma_wait3A_1182 = tpu.memref_slice %arg5[%dma_wait3A_1181, %multiple_of3A_940] : memref<32x1000000xf32, #tpu.memory_space<hbm>> -> memref<32x128xf32, #tpu.memory_space<hbm>>
      %dma_wait3A_1183 = arith.constant 0 : i32
      %dma_wait3A_1184 = arith.constant 0 : i32
      %dma_wait3A_1185 = tpu.memref_slice %arg9[%dma_wait3A_1176, %dma_wait3A_1183, %dma_wait3A_1184] : memref<16x32x128xf32, #tpu.memory_space<vmem>> -> memref<1x32x128xf32, #tpu.memory_space<vmem>>
      %dma_wait3A_1186 = tpu.memref_squeeze %dma_wait3A_1185 : memref<1x32x128xf32, #tpu.memory_space<vmem>> -> memref<32x128xf32, #tpu.memory_space<vmem>>
      %dma_wait3A_1187 = arith.constant 0 : i32
      %dma_wait3A_1188 = tpu.memref_slice %arg5[%dma_wait3A_1187, %multiple_of3A_940] : memref<32x1000000xf32, #tpu.memory_space<hbm>> -> memref<32x128xf32, #tpu.memory_space<hbm>>
      tpu.wait_dma2 semaphore(%arg11 : memref<!tpu.dma_semaphore, #tpu.memory_space<semaphore_mem>>) src(%dma_wait3A_1188 : memref<32x128xf32, #tpu.memory_space<hbm>>) dst(%dma_wait3A_1186 : memref<32x128xf32, #tpu.memory_space<vmem>>)
      %dma_wait3A_1189 = arith.constant 7 : i32
      %dma_wait3A_1190 = arith.constant 0 : i32
      %dma_wait3A_1191 = arith.constant 0 : i32
      %dma_wait3A_1192 = tpu.memref_slice %arg9[%dma_wait3A_1189, %dma_wait3A_1190, %dma_wait3A_1191] : memref<16x32x128xf32, #tpu.memory_space<vmem>> -> memref<1x32x128xf32, #tpu.memory_space<vmem>>
      %dma_wait3A_1193 = tpu.memref_squeeze %dma_wait3A_1192 : memref<1x32x128xf32, #tpu.memory_space<vmem>> -> memref<32x128xf32, #tpu.memory_space<vmem>>
      %dma_wait3A_1194 = arith.constant 0 : i32
      %dma_wait3A_1195 = tpu.memref_slice %arg5[%dma_wait3A_1194, %multiple_of3A_956] : memref<32x1000000xf32, #tpu.memory_space<hbm>> -> memref<32x128xf32, #tpu.memory_space<hbm>>
      %dma_wait3A_1196 = arith.constant 0 : i32
      %dma_wait3A_1197 = arith.constant 0 : i32
      %dma_wait3A_1198 = tpu.memref_slice %arg9[%dma_wait3A_1189, %dma_wait3A_1196, %dma_wait3A_1197] : memref<16x32x128xf32, #tpu.memory_space<vmem>> -> memref<1x32x128xf32, #tpu.memory_space<vmem>>
      %dma_wait3A_1199 = tpu.memref_squeeze %dma_wait3A_1198 : memref<1x32x128xf32, #tpu.memory_space<vmem>> -> memref<32x128xf32, #tpu.memory_space<vmem>>
      %dma_wait3A_1200 = arith.constant 0 : i32
      %dma_wait3A_1201 = tpu.memref_slice %arg5[%dma_wait3A_1200, %multiple_of3A_956] : memref<32x1000000xf32, #tpu.memory_space<hbm>> -> memref<32x128xf32, #tpu.memory_space<hbm>>
      tpu.wait_dma2 semaphore(%arg11 : memref<!tpu.dma_semaphore, #tpu.memory_space<semaphore_mem>>) src(%dma_wait3A_1201 : memref<32x128xf32, #tpu.memory_space<hbm>>) dst(%dma_wait3A_1199 : memref<32x128xf32, #tpu.memory_space<vmem>>)
      %dma_wait3A_1202 = arith.constant 8 : i32
      %dma_wait3A_1203 = arith.constant 0 : i32
      %dma_wait3A_1204 = arith.constant 0 : i32
      %dma_wait3A_1205 = tpu.memref_slice %arg9[%dma_wait3A_1202, %dma_wait3A_1203, %dma_wait3A_1204] : memref<16x32x128xf32, #tpu.memory_space<vmem>> -> memref<1x32x128xf32, #tpu.memory_space<vmem>>
      %dma_wait3A_1206 = tpu.memref_squeeze %dma_wait3A_1205 : memref<1x32x128xf32, #tpu.memory_space<vmem>> -> memref<32x128xf32, #tpu.memory_space<vmem>>
      %dma_wait3A_1207 = arith.constant 0 : i32
      %dma_wait3A_1208 = tpu.memref_slice %arg5[%dma_wait3A_1207, %multiple_of3A_972] : memref<32x1000000xf32, #tpu.memory_space<hbm>> -> memref<32x128xf32, #tpu.memory_space<hbm>>
      %dma_wait3A_1209 = arith.constant 0 : i32
      %dma_wait3A_1210 = arith.constant 0 : i32
      %dma_wait3A_1211 = tpu.memref_slice %arg9[%dma_wait3A_1202, %dma_wait3A_1209, %dma_wait3A_1210] : memref<16x32x128xf32, #tpu.memory_space<vmem>> -> memref<1x32x128xf32, #tpu.memory_space<vmem>>
      %dma_wait3A_1212 = tpu.memref_squeeze %dma_wait3A_1211 : memref<1x32x128xf32, #tpu.memory_space<vmem>> -> memref<32x128xf32, #tpu.memory_space<vmem>>
      %dma_wait3A_1213 = arith.constant 0 : i32
      %dma_wait3A_1214 = tpu.memref_slice %arg5[%dma_wait3A_1213, %multiple_of3A_972] : memref<32x1000000xf32, #tpu.memory_space<hbm>> -> memref<32x128xf32, #tpu.memory_space<hbm>>
      tpu.wait_dma2 semaphore(%arg11 : memref<!tpu.dma_semaphore, #tpu.memory_space<semaphore_mem>>) src(%dma_wait3A_1214 : memref<32x128xf32, #tpu.memory_space<hbm>>) dst(%dma_wait3A_1212 : memref<32x128xf32, #tpu.memory_space<vmem>>)
      %dma_wait3A_1215 = arith.constant 9 : i32
      %dma_wait3A_1216 = arith.constant 0 : i32
      %dma_wait3A_1217 = arith.constant 0 : i32
      %dma_wait3A_1218 = tpu.memref_slice %arg9[%dma_wait3A_1215, %dma_wait3A_1216, %dma_wait3A_1217] : memref<16x32x128xf32, #tpu.memory_space<vmem>> -> memref<1x32x128xf32, #tpu.memory_space<vmem>>
      %dma_wait3A_1219 = tpu.memref_squeeze %dma_wait3A_1218 : memref<1x32x128xf32, #tpu.memory_space<vmem>> -> memref<32x128xf32, #tpu.memory_space<vmem>>
      %dma_wait3A_1220 = arith.constant 0 : i32
      %dma_wait3A_1221 = tpu.memref_slice %arg5[%dma_wait3A_1220, %multiple_of3A_988] : memref<32x1000000xf32, #tpu.memory_space<hbm>> -> memref<32x128xf32, #tpu.memory_space<hbm>>
      %dma_wait3A_1222 = arith.constant 0 : i32
      %dma_wait3A_1223 = arith.constant 0 : i32
      %dma_wait3A_1224 = tpu.memref_slice %arg9[%dma_wait3A_1215, %dma_wait3A_1222, %dma_wait3A_1223] : memref<16x32x128xf32, #tpu.memory_space<vmem>> -> memref<1x32x128xf32, #tpu.memory_space<vmem>>
      %dma_wait3A_1225 = tpu.memref_squeeze %dma_wait3A_1224 : memref<1x32x128xf32, #tpu.memory_space<vmem>> -> memref<32x128xf32, #tpu.memory_space<vmem>>
      %dma_wait3A_1226 = arith.constant 0 : i32
      %dma_wait3A_1227 = tpu.memref_slice %arg5[%dma_wait3A_1226, %multiple_of3A_988] : memref<32x1000000xf32, #tpu.memory_space<hbm>> -> memref<32x128xf32, #tpu.memory_space<hbm>>
      tpu.wait_dma2 semaphore(%arg11 : memref<!tpu.dma_semaphore, #tpu.memory_space<semaphore_mem>>) src(%dma_wait3A_1227 : memref<32x128xf32, #tpu.memory_space<hbm>>) dst(%dma_wait3A_1225 : memref<32x128xf32, #tpu.memory_space<vmem>>)
      %dma_wait3A_1228 = arith.constant 10 : i32
      %dma_wait3A_1229 = arith.constant 0 : i32
      %dma_wait3A_1230 = arith.constant 0 : i32
      %dma_wait3A_1231 = tpu.memref_slice %arg9[%dma_wait3A_1228, %dma_wait3A_1229, %dma_wait3A_1230] : memref<16x32x128xf32, #tpu.memory_space<vmem>> -> memref<1x32x128xf32, #tpu.memory_space<vmem>>
      %dma_wait3A_1232 = tpu.memref_squeeze %dma_wait3A_1231 : memref<1x32x128xf32, #tpu.memory_space<vmem>> -> memref<32x128xf32, #tpu.memory_space<vmem>>
      %dma_wait3A_1233 = arith.constant 0 : i32
      %dma_wait3A_1234 = tpu.memref_slice %arg5[%dma_wait3A_1233, %multiple_of3A_1004] : memref<32x1000000xf32, #tpu.memory_space<hbm>> -> memref<32x128xf32, #tpu.memory_space<hbm>>
      %dma_wait3A_1235 = arith.constant 0 : i32
      %dma_wait3A_1236 = arith.constant 0 : i32
      %dma_wait3A_1237 = tpu.memref_slice %arg9[%dma_wait3A_1228, %dma_wait3A_1235, %dma_wait3A_1236] : memref<16x32x128xf32, #tpu.memory_space<vmem>> -> memref<1x32x128xf32, #tpu.memory_space<vmem>>
      %dma_wait3A_1238 = tpu.memref_squeeze %dma_wait3A_1237 : memref<1x32x128xf32, #tpu.memory_space<vmem>> -> memref<32x128xf32, #tpu.memory_space<vmem>>
      %dma_wait3A_1239 = arith.constant 0 : i32
      %dma_wait3A_1240 = tpu.memref_slice %arg5[%dma_wait3A_1239, %multiple_of3A_1004] : memref<32x1000000xf32, #tpu.memory_space<hbm>> -> memref<32x128xf32, #tpu.memory_space<hbm>>
      tpu.wait_dma2 semaphore(%arg11 : memref<!tpu.dma_semaphore, #tpu.memory_space<semaphore_mem>>) src(%dma_wait3A_1240 : memref<32x128xf32, #tpu.memory_space<hbm>>) dst(%dma_wait3A_1238 : memref<32x128xf32, #tpu.memory_space<vmem>>)
      %dma_wait3A_1241 = arith.constant 11 : i32
      %dma_wait3A_1242 = arith.constant 0 : i32
      %dma_wait3A_1243 = arith.constant 0 : i32
      %dma_wait3A_1244 = tpu.memref_slice %arg9[%dma_wait3A_1241, %dma_wait3A_1242, %dma_wait3A_1243] : memref<16x32x128xf32, #tpu.memory_space<vmem>> -> memref<1x32x128xf32, #tpu.memory_space<vmem>>
      %dma_wait3A_1245 = tpu.memref_squeeze %dma_wait3A_1244 : memref<1x32x128xf32, #tpu.memory_space<vmem>> -> memref<32x128xf32, #tpu.memory_space<vmem>>
      %dma_wait3A_1246 = arith.constant 0 : i32
      %dma_wait3A_1247 = tpu.memref_slice %arg5[%dma_wait3A_1246, %multiple_of3A_1020] : memref<32x1000000xf32, #tpu.memory_space<hbm>> -> memref<32x128xf32, #tpu.memory_space<hbm>>
      %dma_wait3A_1248 = arith.constant 0 : i32
      %dma_wait3A_1249 = arith.constant 0 : i32
      %dma_wait3A_1250 = tpu.memref_slice %arg9[%dma_wait3A_1241, %dma_wait3A_1248, %dma_wait3A_1249] : memref<16x32x128xf32, #tpu.memory_space<vmem>> -> memref<1x32x128xf32, #tpu.memory_space<vmem>>
      %dma_wait3A_1251 = tpu.memref_squeeze %dma_wait3A_1250 : memref<1x32x128xf32, #tpu.memory_space<vmem>> -> memref<32x128xf32, #tpu.memory_space<vmem>>
      %dma_wait3A_1252 = arith.constant 0 : i32
      %dma_wait3A_1253 = tpu.memref_slice %arg5[%dma_wait3A_1252, %multiple_of3A_1020] : memref<32x1000000xf32, #tpu.memory_space<hbm>> -> memref<32x128xf32, #tpu.memory_space<hbm>>
      tpu.wait_dma2 semaphore(%arg11 : memref<!tpu.dma_semaphore, #tpu.memory_space<semaphore_mem>>) src(%dma_wait3A_1253 : memref<32x128xf32, #tpu.memory_space<hbm>>) dst(%dma_wait3A_1251 : memref<32x128xf32, #tpu.memory_space<vmem>>)
      %dma_wait3A_1254 = arith.constant 12 : i32
      %dma_wait3A_1255 = arith.constant 0 : i32
      %dma_wait3A_1256 = arith.constant 0 : i32
      %dma_wait3A_1257 = tpu.memref_slice %arg9[%dma_wait3A_1254, %dma_wait3A_1255, %dma_wait3A_1256] : memref<16x32x128xf32, #tpu.memory_space<vmem>> -> memref<1x32x128xf32, #tpu.memory_space<vmem>>
      %dma_wait3A_1258 = tpu.memref_squeeze %dma_wait3A_1257 : memref<1x32x128xf32, #tpu.memory_space<vmem>> -> memref<32x128xf32, #tpu.memory_space<vmem>>
      %dma_wait3A_1259 = arith.constant 0 : i32
      %dma_wait3A_1260 = tpu.memref_slice %arg5[%dma_wait3A_1259, %multiple_of3A_1036] : memref<32x1000000xf32, #tpu.memory_space<hbm>> -> memref<32x128xf32, #tpu.memory_space<hbm>>
      %dma_wait3A_1261 = arith.constant 0 : i32
      %dma_wait3A_1262 = arith.constant 0 : i32
      %dma_wait3A_1263 = tpu.memref_slice %arg9[%dma_wait3A_1254, %dma_wait3A_1261, %dma_wait3A_1262] : memref<16x32x128xf32, #tpu.memory_space<vmem>> -> memref<1x32x128xf32, #tpu.memory_space<vmem>>
      %dma_wait3A_1264 = tpu.memref_squeeze %dma_wait3A_1263 : memref<1x32x128xf32, #tpu.memory_space<vmem>> -> memref<32x128xf32, #tpu.memory_space<vmem>>
      %dma_wait3A_1265 = arith.constant 0 : i32
      %dma_wait3A_1266 = tpu.memref_slice %arg5[%dma_wait3A_1265, %multiple_of3A_1036] : memref<32x1000000xf32, #tpu.memory_space<hbm>> -> memref<32x128xf32, #tpu.memory_space<hbm>>
      tpu.wait_dma2 semaphore(%arg11 : memref<!tpu.dma_semaphore, #tpu.memory_space<semaphore_mem>>) src(%dma_wait3A_1266 : memref<32x128xf32, #tpu.memory_space<hbm>>) dst(%dma_wait3A_1264 : memref<32x128xf32, #tpu.memory_space<vmem>>)
      %dma_wait3A_1267 = arith.constant 13 : i32
      %dma_wait3A_1268 = arith.constant 0 : i32
      %dma_wait3A_1269 = arith.constant 0 : i32
      %dma_wait3A_1270 = tpu.memref_slice %arg9[%dma_wait3A_1267, %dma_wait3A_1268, %dma_wait3A_1269] : memref<16x32x128xf32, #tpu.memory_space<vmem>> -> memref<1x32x128xf32, #tpu.memory_space<vmem>>
      %dma_wait3A_1271 = tpu.memref_squeeze %dma_wait3A_1270 : memref<1x32x128xf32, #tpu.memory_space<vmem>> -> memref<32x128xf32, #tpu.memory_space<vmem>>
      %dma_wait3A_1272 = arith.constant 0 : i32
      %dma_wait3A_1273 = tpu.memref_slice %arg5[%dma_wait3A_1272, %multiple_of3A_1052] : memref<32x1000000xf32, #tpu.memory_space<hbm>> -> memref<32x128xf32, #tpu.memory_space<hbm>>
      %dma_wait3A_1274 = arith.constant 0 : i32
      %dma_wait3A_1275 = arith.constant 0 : i32
      %dma_wait3A_1276 = tpu.memref_slice %arg9[%dma_wait3A_1267, %dma_wait3A_1274, %dma_wait3A_1275] : memref<16x32x128xf32, #tpu.memory_space<vmem>> -> memref<1x32x128xf32, #tpu.memory_space<vmem>>
      %dma_wait3A_1277 = tpu.memref_squeeze %dma_wait3A_1276 : memref<1x32x128xf32, #tpu.memory_space<vmem>> -> memref<32x128xf32, #tpu.memory_space<vmem>>
      %dma_wait3A_1278 = arith.constant 0 : i32
      %dma_wait3A_1279 = tpu.memref_slice %arg5[%dma_wait3A_1278, %multiple_of3A_1052] : memref<32x1000000xf32, #tpu.memory_space<hbm>> -> memref<32x128xf32, #tpu.memory_space<hbm>>
      tpu.wait_dma2 semaphore(%arg11 : memref<!tpu.dma_semaphore, #tpu.memory_space<semaphore_mem>>) src(%dma_wait3A_1279 : memref<32x128xf32, #tpu.memory_space<hbm>>) dst(%dma_wait3A_1277 : memref<32x128xf32, #tpu.memory_space<vmem>>)
      %dma_wait3A_1280 = arith.constant 14 : i32
      %dma_wait3A_1281 = arith.constant 0 : i32
      %dma_wait3A_1282 = arith.constant 0 : i32
      %dma_wait3A_1283 = tpu.memref_slice %arg9[%dma_wait3A_1280, %dma_wait3A_1281, %dma_wait3A_1282] : memref<16x32x128xf32, #tpu.memory_space<vmem>> -> memref<1x32x128xf32, #tpu.memory_space<vmem>>
      %dma_wait3A_1284 = tpu.memref_squeeze %dma_wait3A_1283 : memref<1x32x128xf32, #tpu.memory_space<vmem>> -> memref<32x128xf32, #tpu.memory_space<vmem>>
      %dma_wait3A_1285 = arith.constant 0 : i32
      %dma_wait3A_1286 = tpu.memref_slice %arg5[%dma_wait3A_1285, %multiple_of3A_1068] : memref<32x1000000xf32, #tpu.memory_space<hbm>> -> memref<32x128xf32, #tpu.memory_space<hbm>>
      %dma_wait3A_1287 = arith.constant 0 : i32
      %dma_wait3A_1288 = arith.constant 0 : i32
      %dma_wait3A_1289 = tpu.memref_slice %arg9[%dma_wait3A_1280, %dma_wait3A_1287, %dma_wait3A_1288] : memref<16x32x128xf32, #tpu.memory_space<vmem>> -> memref<1x32x128xf32, #tpu.memory_space<vmem>>
      %dma_wait3A_1290 = tpu.memref_squeeze %dma_wait3A_1289 : memref<1x32x128xf32, #tpu.memory_space<vmem>> -> memref<32x128xf32, #tpu.memory_space<vmem>>
      %dma_wait3A_1291 = arith.constant 0 : i32
      %dma_wait3A_1292 = tpu.memref_slice %arg5[%dma_wait3A_1291, %multiple_of3A_1068] : memref<32x1000000xf32, #tpu.memory_space<hbm>> -> memref<32x128xf32, #tpu.memory_space<hbm>>
      tpu.wait_dma2 semaphore(%arg11 : memref<!tpu.dma_semaphore, #tpu.memory_space<semaphore_mem>>) src(%dma_wait3A_1292 : memref<32x128xf32, #tpu.memory_space<hbm>>) dst(%dma_wait3A_1290 : memref<32x128xf32, #tpu.memory_space<vmem>>)
      %dma_wait3A_1293 = arith.constant 15 : i32
      %dma_wait3A_1294 = arith.constant 0 : i32
      %dma_wait3A_1295 = arith.constant 0 : i32
      %dma_wait3A_1296 = tpu.memref_slice %arg9[%dma_wait3A_1293, %dma_wait3A_1294, %dma_wait3A_1295] : memref<16x32x128xf32, #tpu.memory_space<vmem>> -> memref<1x32x128xf32, #tpu.memory_space<vmem>>
      %dma_wait3A_1297 = tpu.memref_squeeze %dma_wait3A_1296 : memref<1x32x128xf32, #tpu.memory_space<vmem>> -> memref<32x128xf32, #tpu.memory_space<vmem>>
      %dma_wait3A_1298 = arith.constant 0 : i32
      %dma_wait3A_1299 = tpu.memref_slice %arg5[%dma_wait3A_1298, %multiple_of3A_1084] : memref<32x1000000xf32, #tpu.memory_space<hbm>> -> memref<32x128xf32, #tpu.memory_space<hbm>>
      %dma_wait3A_1300 = arith.constant 0 : i32
      %dma_wait3A_1301 = arith.constant 0 : i32
      %dma_wait3A_1302 = tpu.memref_slice %arg9[%dma_wait3A_1293, %dma_wait3A_1300, %dma_wait3A_1301] : memref<16x32x128xf32, #tpu.memory_space<vmem>> -> memref<1x32x128xf32, #tpu.memory_space<vmem>>
      %dma_wait3A_1303 = tpu.memref_squeeze %dma_wait3A_1302 : memref<1x32x128xf32, #tpu.memory_space<vmem>> -> memref<32x128xf32, #tpu.memory_space<vmem>>
      %dma_wait3A_1304 = arith.constant 0 : i32
      %dma_wait3A_1305 = tpu.memref_slice %arg5[%dma_wait3A_1304, %multiple_of3A_1084] : memref<32x1000000xf32, #tpu.memory_space<hbm>> -> memref<32x128xf32, #tpu.memory_space<hbm>>
      tpu.wait_dma2 semaphore(%arg11 : memref<!tpu.dma_semaphore, #tpu.memory_space<semaphore_mem>>) src(%dma_wait3A_1305 : memref<32x128xf32, #tpu.memory_space<hbm>>) dst(%dma_wait3A_1303 : memref<32x128xf32, #tpu.memory_space<vmem>>)
      %jit3A_1306 = arith.constant 128 : i32
      %eq3A_1307 = arith.constant 0 : i32
      %eq3A_1308 = arith.cmpi eq, %jit3A_1306, %eq3A_1307 : i32
      %jit3A_1309 = arith.constant 1 : i32
      %select_n3A_1310 = arith.select %eq3A_1308, %jit3A_1309, %jit3A_1306 : i32
      %rem3A_1311 = vector.broadcast %select_n3A_1310 : i32 to vector<16xi32>
      %rem3A_1312 = arith.remsi %get3A_807, %rem3A_1311 : vector<16xi32>
      %ne3A_1313 = arith.constant 0 : i32
      %ne3A_1314 = vector.broadcast %ne3A_1313 : i32 to vector<16xi32>
      %ne3A_1315 = arith.cmpi ne, %rem3A_1312, %ne3A_1314 : vector<16xi32>
      %lt3A_1316 = arith.constant 0 : i32
      %lt3A_1317 = vector.broadcast %lt3A_1316 : i32 to vector<16xi32>
      %lt3A_1318 = arith.cmpi slt, %rem3A_1312, %lt3A_1317 : vector<16xi32>
      %lt3A_1319 = arith.constant 0 : i32
      %lt3A_1320 = arith.cmpi slt, %select_n3A_1310, %lt3A_1319 : i32
      %ne3A_1321 = vector.broadcast %lt3A_1320 : i1 to vector<16xi1>
      %ne3A_1322 = vector.broadcast %ne3A_1321 : vector<16xi1> to vector<16xi1>
      %ne3A_1323 = arith.xori %lt3A_1318, %ne3A_1322 : vector<16xi1>
      %and3A_1324 = arith.andi %ne3A_1323, %ne3A_1315 : vector<16xi1>
      %add3A_1325 = vector.broadcast %select_n3A_1310 : i32 to vector<16xi32>
      %add3A_1326 = arith.addi %rem3A_1312, %add3A_1325 : vector<16xi32>
      %select_n3A_1327 = arith.select %and3A_1324, %add3A_1326, %rem3A_1312 : vector<16xi1>, vector<16xi32>
      %slice3A_1328 = vector.extract_strided_slice %select_n3A_1327 {offsets = [0], sizes = [1], strides = [1]} : vector<16xi32> to vector<1xi32>
      %squeeze3A_1329 = vector.extract %slice3A_1328[0] : i32 from vector<1xi32>
      %broadcast_in_dim3A_1330 = vector.broadcast %squeeze3A_1329 : i32 to vector<16xi32>
      %add3A_1331 = arith.constant 0 : i32
      %add3A_1332 = arith.addi %mul3A_13, %add3A_1331 : i32
      %broadcast_in_dim3A_1333 = vector.broadcast %add3A_1332 : i32 to vector<16xi32>
      %gather3A_1334 = arith.constant 0 : i32
      %gather3A_1335 = arith.constant 0 : i32
      %gather3A_1336 = arith.constant 0 : i32
      %gather3A_1337 = tpu.memref_slice %arg9[%gather3A_1334, %gather3A_1335, %gather3A_1336] : memref<16x32x128xf32, #tpu.memory_space<vmem>> -> memref<1x32x128xf32, #tpu.memory_space<vmem>>
      %gather3A_1338 = tpu.memref_squeeze %gather3A_1337 : memref<1x32x128xf32, #tpu.memory_space<vmem>> -> memref<32x128xf32, #tpu.memory_space<vmem>>
      %gather3A_1339 = tpu.vector_load_idx %gather3A_1338[%iota3A, %broadcast_in_dim3A_1330] : memref<32x128xf32, #tpu.memory_space<vmem>>[vector<16xi32>, vector<16xi32>], vector<16xf32>,
      %gather3A_1340 = arith.constant 0 : i32
      %gather3A_1341 = arith.constant 0 : i32
      %gather3A_1342 = arith.constant 0 : i32
      %gather3A_1343 = tpu.memref_slice %arg9[%gather3A_1340, %gather3A_1341, %gather3A_1342] : memref<16x32x128xf32, #tpu.memory_space<vmem>> -> memref<1x32x128xf32, #tpu.memory_space<vmem>>
      %gather3A_1344 = tpu.memref_squeeze %gather3A_1343 : memref<1x32x128xf32, #tpu.memory_space<vmem>> -> memref<32x128xf32, #tpu.memory_space<vmem>>
      %gather3A_1345 = tpu.vector_load_idx %gather3A_1344[%add3A_5, %broadcast_in_dim3A_1330] : memref<32x128xf32, #tpu.memory_space<vmem>>[vector<16xi32>, vector<16xi32>], vector<16xf32>,
      %gather3A_1346 = tpu.vector_load_idx %arg10[%iota3A, %broadcast_in_dim3A_1333] : memref<32x512xf32, #tpu.memory_space<vmem>>[vector<16xi32>, vector<16xi32>], vector<16xf32>,
      %gather3A_1347 = tpu.vector_load_idx %arg10[%add3A_5, %broadcast_in_dim3A_1333] : memref<32x512xf32, #tpu.memory_space<vmem>>[vector<16xi32>, vector<16xi32>], vector<16xf32>,
      %mul3A_1348 = arith.mulf %gather3A_1346, %gather3A_1339 : vector<16xf32>
      tpu.vector_store_idx %arg10[%iota3A, %broadcast_in_dim3A_1333], %mul3A_1348 : memref<32x512xf32, #tpu.memory_space<vmem>>[vector<16xi32>, vector<16xi32>], vector<16xf32>,
      %mul3A_1349 = arith.mulf %gather3A_1347, %gather3A_1345 : vector<16xf32>
      tpu.vector_store_idx %arg10[%add3A_5, %broadcast_in_dim3A_1333], %mul3A_1349 : memref<32x512xf32, #tpu.memory_space<vmem>>[vector<16xi32>, vector<16xi32>], vector<16xf32>,
      %slice3A_1350 = vector.extract_strided_slice %select_n3A_1327 {offsets = [1], sizes = [1], strides = [1]} : vector<16xi32> to vector<1xi32>
      %squeeze3A_1351 = vector.extract %slice3A_1350[0] : i32 from vector<1xi32>
      %broadcast_in_dim3A_1352 = vector.broadcast %squeeze3A_1351 : i32 to vector<16xi32>
      %add3A_1353 = arith.constant 1 : i32
      %add3A_1354 = arith.addi %mul3A_13, %add3A_1353 : i32
      %broadcast_in_dim3A_1355 = vector.broadcast %add3A_1354 : i32 to vector<16xi32>
      %gather3A_1356 = arith.constant 1 : i32
      %gather3A_1357 = arith.constant 0 : i32
      %gather3A_1358 = arith.constant 0 : i32
      %gather3A_1359 = tpu.memref_slice %arg9[%gather3A_1356, %gather3A_1357, %gather3A_1358] : memref<16x32x128xf32, #tpu.memory_space<vmem>> -> memref<1x32x128xf32, #tpu.memory_space<vmem>>
      %gather3A_1360 = tpu.memref_squeeze %gather3A_1359 : memref<1x32x128xf32, #tpu.memory_space<vmem>> -> memref<32x128xf32, #tpu.memory_space<vmem>>
      %gather3A_1361 = tpu.vector_load_idx %gather3A_1360[%iota3A, %broadcast_in_dim3A_1352] : memref<32x128xf32, #tpu.memory_space<vmem>>[vector<16xi32>, vector<16xi32>], vector<16xf32>,
      %gather3A_1362 = arith.constant 1 : i32
      %gather3A_1363 = arith.constant 0 : i32
      %gather3A_1364 = arith.constant 0 : i32
      %gather3A_1365 = tpu.memref_slice %arg9[%gather3A_1362, %gather3A_1363, %gather3A_1364] : memref<16x32x128xf32, #tpu.memory_space<vmem>> -> memref<1x32x128xf32, #tpu.memory_space<vmem>>
      %gather3A_1366 = tpu.memref_squeeze %gather3A_1365 : memref<1x32x128xf32, #tpu.memory_space<vmem>> -> memref<32x128xf32, #tpu.memory_space<vmem>>
      %gather3A_1367 = tpu.vector_load_idx %gather3A_1366[%add3A_5, %broadcast_in_dim3A_1352] : memref<32x128xf32, #tpu.memory_space<vmem>>[vector<16xi32>, vector<16xi32>], vector<16xf32>,
      %gather3A_1368 = tpu.vector_load_idx %arg10[%iota3A, %broadcast_in_dim3A_1355] : memref<32x512xf32, #tpu.memory_space<vmem>>[vector<16xi32>, vector<16xi32>], vector<16xf32>,
      %gather3A_1369 = tpu.vector_load_idx %arg10[%add3A_5, %broadcast_in_dim3A_1355] : memref<32x512xf32, #tpu.memory_space<vmem>>[vector<16xi32>, vector<16xi32>], vector<16xf32>,
      %mul3A_1370 = arith.mulf %gather3A_1368, %gather3A_1361 : vector<16xf32>
      tpu.vector_store_idx %arg10[%iota3A, %broadcast_in_dim3A_1355], %mul3A_1370 : memref<32x512xf32, #tpu.memory_space<vmem>>[vector<16xi32>, vector<16xi32>], vector<16xf32>,
      %mul3A_1371 = arith.mulf %gather3A_1369, %gather3A_1367 : vector<16xf32>
      tpu.vector_store_idx %arg10[%add3A_5, %broadcast_in_dim3A_1355], %mul3A_1371 : memref<32x512xf32, #tpu.memory_space<vmem>>[vector<16xi32>, vector<16xi32>], vector<16xf32>,
      %slice3A_1372 = vector.extract_strided_slice %select_n3A_1327 {offsets = [2], sizes = [1], strides = [1]} : vector<16xi32> to vector<1xi32>
      %squeeze3A_1373 = vector.extract %slice3A_1372[0] : i32 from vector<1xi32>
      %broadcast_in_dim3A_1374 = vector.broadcast %squeeze3A_1373 : i32 to vector<16xi32>
      %add3A_1375 = arith.constant 2 : i32
      %add3A_1376 = arith.addi %mul3A_13, %add3A_1375 : i32
      %broadcast_in_dim3A_1377 = vector.broadcast %add3A_1376 : i32 to vector<16xi32>
      %gather3A_1378 = arith.constant 2 : i32
      %gather3A_1379 = arith.constant 0 : i32
      %gather3A_1380 = arith.constant 0 : i32
      %gather3A_1381 = tpu.memref_slice %arg9[%gather3A_1378, %gather3A_1379, %gather3A_1380] : memref<16x32x128xf32, #tpu.memory_space<vmem>> -> memref<1x32x128xf32, #tpu.memory_space<vmem>>
      %gather3A_1382 = tpu.memref_squeeze %gather3A_1381 : memref<1x32x128xf32, #tpu.memory_space<vmem>> -> memref<32x128xf32, #tpu.memory_space<vmem>>
      %gather3A_1383 = tpu.vector_load_idx %gather3A_1382[%iota3A, %broadcast_in_dim3A_1374] : memref<32x128xf32, #tpu.memory_space<vmem>>[vector<16xi32>, vector<16xi32>], vector<16xf32>,
      %gather3A_1384 = arith.constant 2 : i32
      %gather3A_1385 = arith.constant 0 : i32
      %gather3A_1386 = arith.constant 0 : i32
      %gather3A_1387 = tpu.memref_slice %arg9[%gather3A_1384, %gather3A_1385, %gather3A_1386] : memref<16x32x128xf32, #tpu.memory_space<vmem>> -> memref<1x32x128xf32, #tpu.memory_space<vmem>>
      %gather3A_1388 = tpu.memref_squeeze %gather3A_1387 : memref<1x32x128xf32, #tpu.memory_space<vmem>> -> memref<32x128xf32, #tpu.memory_space<vmem>>
      %gather3A_1389 = tpu.vector_load_idx %gather3A_1388[%add3A_5, %broadcast_in_dim3A_1374] : memref<32x128xf32, #tpu.memory_space<vmem>>[vector<16xi32>, vector<16xi32>], vector<16xf32>,
      %gather3A_1390 = tpu.vector_load_idx %arg10[%iota3A, %broadcast_in_dim3A_1377] : memref<32x512xf32, #tpu.memory_space<vmem>>[vector<16xi32>, vector<16xi32>], vector<16xf32>,
      %gather3A_1391 = tpu.vector_load_idx %arg10[%add3A_5, %broadcast_in_dim3A_1377] : memref<32x512xf32, #tpu.memory_space<vmem>>[vector<16xi32>, vector<16xi32>], vector<16xf32>,
      %mul3A_1392 = arith.mulf %gather3A_1390, %gather3A_1383 : vector<16xf32>
      tpu.vector_store_idx %arg10[%iota3A, %broadcast_in_dim3A_1377], %mul3A_1392 : memref<32x512xf32, #tpu.memory_space<vmem>>[vector<16xi32>, vector<16xi32>], vector<16xf32>,
      %mul3A_1393 = arith.mulf %gather3A_1391, %gather3A_1389 : vector<16xf32>
      tpu.vector_store_idx %arg10[%add3A_5, %broadcast_in_dim3A_1377], %mul3A_1393 : memref<32x512xf32, #tpu.memory_space<vmem>>[vector<16xi32>, vector<16xi32>], vector<16xf32>,
      %slice3A_1394 = vector.extract_strided_slice %select_n3A_1327 {offsets = [3], sizes = [1], strides = [1]} : vector<16xi32> to vector<1xi32>
      %squeeze3A_1395 = vector.extract %slice3A_1394[0] : i32 from vector<1xi32>
      %broadcast_in_dim3A_1396 = vector.broadcast %squeeze3A_1395 : i32 to vector<16xi32>
      %add3A_1397 = arith.constant 3 : i32
      %add3A_1398 = arith.addi %mul3A_13, %add3A_1397 : i32
      %broadcast_in_dim3A_1399 = vector.broadcast %add3A_1398 : i32 to vector<16xi32>
      %gather3A_1400 = arith.constant 3 : i32
      %gather3A_1401 = arith.constant 0 : i32
      %gather3A_1402 = arith.constant 0 : i32
      %gather3A_1403 = tpu.memref_slice %arg9[%gather3A_1400, %gather3A_1401, %gather3A_1402] : memref<16x32x128xf32, #tpu.memory_space<vmem>> -> memref<1x32x128xf32, #tpu.memory_space<vmem>>
      %gather3A_1404 = tpu.memref_squeeze %gather3A_1403 : memref<1x32x128xf32, #tpu.memory_space<vmem>> -> memref<32x128xf32, #tpu.memory_space<vmem>>
      %gather3A_1405 = tpu.vector_load_idx %gather3A_1404[%iota3A, %broadcast_in_dim3A_1396] : memref<32x128xf32, #tpu.memory_space<vmem>>[vector<16xi32>, vector<16xi32>], vector<16xf32>,
      %gather3A_1406 = arith.constant 3 : i32
      %gather3A_1407 = arith.constant 0 : i32
      %gather3A_1408 = arith.constant 0 : i32
      %gather3A_1409 = tpu.memref_slice %arg9[%gather3A_1406, %gather3A_1407, %gather3A_1408] : memref<16x32x128xf32, #tpu.memory_space<vmem>> -> memref<1x32x128xf32, #tpu.memory_space<vmem>>
      %gather3A_1410 = tpu.memref_squeeze %gather3A_1409 : memref<1x32x128xf32, #tpu.memory_space<vmem>> -> memref<32x128xf32, #tpu.memory_space<vmem>>
      %gather3A_1411 = tpu.vector_load_idx %gather3A_1410[%add3A_5, %broadcast_in_dim3A_1396] : memref<32x128xf32, #tpu.memory_space<vmem>>[vector<16xi32>, vector<16xi32>], vector<16xf32>,
      %gather3A_1412 = tpu.vector_load_idx %arg10[%iota3A, %broadcast_in_dim3A_1399] : memref<32x512xf32, #tpu.memory_space<vmem>>[vector<16xi32>, vector<16xi32>], vector<16xf32>,
      %gather3A_1413 = tpu.vector_load_idx %arg10[%add3A_5, %broadcast_in_dim3A_1399] : memref<32x512xf32, #tpu.memory_space<vmem>>[vector<16xi32>, vector<16xi32>], vector<16xf32>,
      %mul3A_1414 = arith.mulf %gather3A_1412, %gather3A_1405 : vector<16xf32>
      tpu.vector_store_idx %arg10[%iota3A, %broadcast_in_dim3A_1399], %mul3A_1414 : memref<32x512xf32, #tpu.memory_space<vmem>>[vector<16xi32>, vector<16xi32>], vector<16xf32>,
      %mul3A_1415 = arith.mulf %gather3A_1413, %gather3A_1411 : vector<16xf32>
      tpu.vector_store_idx %arg10[%add3A_5, %broadcast_in_dim3A_1399], %mul3A_1415 : memref<32x512xf32, #tpu.memory_space<vmem>>[vector<16xi32>, vector<16xi32>], vector<16xf32>,
      %slice3A_1416 = vector.extract_strided_slice %select_n3A_1327 {offsets = [4], sizes = [1], strides = [1]} : vector<16xi32> to vector<1xi32>
      %squeeze3A_1417 = vector.extract %slice3A_1416[0] : i32 from vector<1xi32>
      %broadcast_in_dim3A_1418 = vector.broadcast %squeeze3A_1417 : i32 to vector<16xi32>
      %add3A_1419 = arith.constant 4 : i32
      %add3A_1420 = arith.addi %mul3A_13, %add3A_1419 : i32
      %broadcast_in_dim3A_1421 = vector.broadcast %add3A_1420 : i32 to vector<16xi32>
      %gather3A_1422 = arith.constant 4 : i32
      %gather3A_1423 = arith.constant 0 : i32
      %gather3A_1424 = arith.constant 0 : i32
      %gather3A_1425 = tpu.memref_slice %arg9[%gather3A_1422, %gather3A_1423, %gather3A_1424] : memref<16x32x128xf32, #tpu.memory_space<vmem>> -> memref<1x32x128xf32, #tpu.memory_space<vmem>>
      %gather3A_1426 = tpu.memref_squeeze %gather3A_1425 : memref<1x32x128xf32, #tpu.memory_space<vmem>> -> memref<32x128xf32, #tpu.memory_space<vmem>>
      %gather3A_1427 = tpu.vector_load_idx %gather3A_1426[%iota3A, %broadcast_in_dim3A_1418] : memref<32x128xf32, #tpu.memory_space<vmem>>[vector<16xi32>, vector<16xi32>], vector<16xf32>,
      %gather3A_1428 = arith.constant 4 : i32
      %gather3A_1429 = arith.constant 0 : i32
      %gather3A_1430 = arith.constant 0 : i32
      %gather3A_1431 = tpu.memref_slice %arg9[%gather3A_1428, %gather3A_1429, %gather3A_1430] : memref<16x32x128xf32, #tpu.memory_space<vmem>> -> memref<1x32x128xf32, #tpu.memory_space<vmem>>
      %gather3A_1432 = tpu.memref_squeeze %gather3A_1431 : memref<1x32x128xf32, #tpu.memory_space<vmem>> -> memref<32x128xf32, #tpu.memory_space<vmem>>
      %gather3A_1433 = tpu.vector_load_idx %gather3A_1432[%add3A_5, %broadcast_in_dim3A_1418] : memref<32x128xf32, #tpu.memory_space<vmem>>[vector<16xi32>, vector<16xi32>], vector<16xf32>,
      %gather3A_1434 = tpu.vector_load_idx %arg10[%iota3A, %broadcast_in_dim3A_1421] : memref<32x512xf32, #tpu.memory_space<vmem>>[vector<16xi32>, vector<16xi32>], vector<16xf32>,
      %gather3A_1435 = tpu.vector_load_idx %arg10[%add3A_5, %broadcast_in_dim3A_1421] : memref<32x512xf32, #tpu.memory_space<vmem>>[vector<16xi32>, vector<16xi32>], vector<16xf32>,
      %mul3A_1436 = arith.mulf %gather3A_1434, %gather3A_1427 : vector<16xf32>
      tpu.vector_store_idx %arg10[%iota3A, %broadcast_in_dim3A_1421], %mul3A_1436 : memref<32x512xf32, #tpu.memory_space<vmem>>[vector<16xi32>, vector<16xi32>], vector<16xf32>,
      %mul3A_1437 = arith.mulf %gather3A_1435, %gather3A_1433 : vector<16xf32>
      tpu.vector_store_idx %arg10[%add3A_5, %broadcast_in_dim3A_1421], %mul3A_1437 : memref<32x512xf32, #tpu.memory_space<vmem>>[vector<16xi32>, vector<16xi32>], vector<16xf32>,
      %slice3A_1438 = vector.extract_strided_slice %select_n3A_1327 {offsets = [5], sizes = [1], strides = [1]} : vector<16xi32> to vector<1xi32>
      %squeeze3A_1439 = vector.extract %slice3A_1438[0] : i32 from vector<1xi32>
      %broadcast_in_dim3A_1440 = vector.broadcast %squeeze3A_1439 : i32 to vector<16xi32>
      %add3A_1441 = arith.constant 5 : i32
      %add3A_1442 = arith.addi %mul3A_13, %add3A_1441 : i32
      %broadcast_in_dim3A_1443 = vector.broadcast %add3A_1442 : i32 to vector<16xi32>
      %gather3A_1444 = arith.constant 5 : i32
      %gather3A_1445 = arith.constant 0 : i32
      %gather3A_1446 = arith.constant 0 : i32
      %gather3A_1447 = tpu.memref_slice %arg9[%gather3A_1444, %gather3A_1445, %gather3A_1446] : memref<16x32x128xf32, #tpu.memory_space<vmem>> -> memref<1x32x128xf32, #tpu.memory_space<vmem>>
      %gather3A_1448 = tpu.memref_squeeze %gather3A_1447 : memref<1x32x128xf32, #tpu.memory_space<vmem>> -> memref<32x128xf32, #tpu.memory_space<vmem>>
      %gather3A_1449 = tpu.vector_load_idx %gather3A_1448[%iota3A, %broadcast_in_dim3A_1440] : memref<32x128xf32, #tpu.memory_space<vmem>>[vector<16xi32>, vector<16xi32>], vector<16xf32>,
      %gather3A_1450 = arith.constant 5 : i32
      %gather3A_1451 = arith.constant 0 : i32
      %gather3A_1452 = arith.constant 0 : i32
      %gather3A_1453 = tpu.memref_slice %arg9[%gather3A_1450, %gather3A_1451, %gather3A_1452] : memref<16x32x128xf32, #tpu.memory_space<vmem>> -> memref<1x32x128xf32, #tpu.memory_space<vmem>>
      %gather3A_1454 = tpu.memref_squeeze %gather3A_1453 : memref<1x32x128xf32, #tpu.memory_space<vmem>> -> memref<32x128xf32, #tpu.memory_space<vmem>>
      %gather3A_1455 = tpu.vector_load_idx %gather3A_1454[%add3A_5, %broadcast_in_dim3A_1440] : memref<32x128xf32, #tpu.memory_space<vmem>>[vector<16xi32>, vector<16xi32>], vector<16xf32>,
      %gather3A_1456 = tpu.vector_load_idx %arg10[%iota3A, %broadcast_in_dim3A_1443] : memref<32x512xf32, #tpu.memory_space<vmem>>[vector<16xi32>, vector<16xi32>], vector<16xf32>,
      %gather3A_1457 = tpu.vector_load_idx %arg10[%add3A_5, %broadcast_in_dim3A_1443] : memref<32x512xf32, #tpu.memory_space<vmem>>[vector<16xi32>, vector<16xi32>], vector<16xf32>,
      %mul3A_1458 = arith.mulf %gather3A_1456, %gather3A_1449 : vector<16xf32>
      tpu.vector_store_idx %arg10[%iota3A, %broadcast_in_dim3A_1443], %mul3A_1458 : memref<32x512xf32, #tpu.memory_space<vmem>>[vector<16xi32>, vector<16xi32>], vector<16xf32>,
      %mul3A_1459 = arith.mulf %gather3A_1457, %gather3A_1455 : vector<16xf32>
      tpu.vector_store_idx %arg10[%add3A_5, %broadcast_in_dim3A_1443], %mul3A_1459 : memref<32x512xf32, #tpu.memory_space<vmem>>[vector<16xi32>, vector<16xi32>], vector<16xf32>,
      %slice3A_1460 = vector.extract_strided_slice %select_n3A_1327 {offsets = [6], sizes = [1], strides = [1]} : vector<16xi32> to vector<1xi32>
      %squeeze3A_1461 = vector.extract %slice3A_1460[0] : i32 from vector<1xi32>
      %broadcast_in_dim3A_1462 = vector.broadcast %squeeze3A_1461 : i32 to vector<16xi32>
      %add3A_1463 = arith.constant 6 : i32
      %add3A_1464 = arith.addi %mul3A_13, %add3A_1463 : i32
      %broadcast_in_dim3A_1465 = vector.broadcast %add3A_1464 : i32 to vector<16xi32>
      %gather3A_1466 = arith.constant 6 : i32
      %gather3A_1467 = arith.constant 0 : i32
      %gather3A_1468 = arith.constant 0 : i32
      %gather3A_1469 = tpu.memref_slice %arg9[%gather3A_1466, %gather3A_1467, %gather3A_1468] : memref<16x32x128xf32, #tpu.memory_space<vmem>> -> memref<1x32x128xf32, #tpu.memory_space<vmem>>
      %gather3A_1470 = tpu.memref_squeeze %gather3A_1469 : memref<1x32x128xf32, #tpu.memory_space<vmem>> -> memref<32x128xf32, #tpu.memory_space<vmem>>
      %gather3A_1471 = tpu.vector_load_idx %gather3A_1470[%iota3A, %broadcast_in_dim3A_1462] : memref<32x128xf32, #tpu.memory_space<vmem>>[vector<16xi32>, vector<16xi32>], vector<16xf32>,
      %gather3A_1472 = arith.constant 6 : i32
      %gather3A_1473 = arith.constant 0 : i32
      %gather3A_1474 = arith.constant 0 : i32
      %gather3A_1475 = tpu.memref_slice %arg9[%gather3A_1472, %gather3A_1473, %gather3A_1474] : memref<16x32x128xf32, #tpu.memory_space<vmem>> -> memref<1x32x128xf32, #tpu.memory_space<vmem>>
      %gather3A_1476 = tpu.memref_squeeze %gather3A_1475 : memref<1x32x128xf32, #tpu.memory_space<vmem>> -> memref<32x128xf32, #tpu.memory_space<vmem>>
      %gather3A_1477 = tpu.vector_load_idx %gather3A_1476[%add3A_5, %broadcast_in_dim3A_1462] : memref<32x128xf32, #tpu.memory_space<vmem>>[vector<16xi32>, vector<16xi32>], vector<16xf32>,
      %gather3A_1478 = tpu.vector_load_idx %arg10[%iota3A, %broadcast_in_dim3A_1465] : memref<32x512xf32, #tpu.memory_space<vmem>>[vector<16xi32>, vector<16xi32>], vector<16xf32>,
      %gather3A_1479 = tpu.vector_load_idx %arg10[%add3A_5, %broadcast_in_dim3A_1465] : memref<32x512xf32, #tpu.memory_space<vmem>>[vector<16xi32>, vector<16xi32>], vector<16xf32>,
      %mul3A_1480 = arith.mulf %gather3A_1478, %gather3A_1471 : vector<16xf32>
      tpu.vector_store_idx %arg10[%iota3A, %broadcast_in_dim3A_1465], %mul3A_1480 : memref<32x512xf32, #tpu.memory_space<vmem>>[vector<16xi32>, vector<16xi32>], vector<16xf32>,
      %mul3A_1481 = arith.mulf %gather3A_1479, %gather3A_1477 : vector<16xf32>
      tpu.vector_store_idx %arg10[%add3A_5, %broadcast_in_dim3A_1465], %mul3A_1481 : memref<32x512xf32, #tpu.memory_space<vmem>>[vector<16xi32>, vector<16xi32>], vector<16xf32>,
      %slice3A_1482 = vector.extract_strided_slice %select_n3A_1327 {offsets = [7], sizes = [1], strides = [1]} : vector<16xi32> to vector<1xi32>
      %squeeze3A_1483 = vector.extract %slice3A_1482[0] : i32 from vector<1xi32>
      %broadcast_in_dim3A_1484 = vector.broadcast %squeeze3A_1483 : i32 to vector<16xi32>
      %add3A_1485 = arith.constant 7 : i32
      %add3A_1486 = arith.addi %mul3A_13, %add3A_1485 : i32
      %broadcast_in_dim3A_1487 = vector.broadcast %add3A_1486 : i32 to vector<16xi32>
      %gather3A_1488 = arith.constant 7 : i32
      %gather3A_1489 = arith.constant 0 : i32
      %gather3A_1490 = arith.constant 0 : i32
      %gather3A_1491 = tpu.memref_slice %arg9[%gather3A_1488, %gather3A_1489, %gather3A_1490] : memref<16x32x128xf32, #tpu.memory_space<vmem>> -> memref<1x32x128xf32, #tpu.memory_space<vmem>>
      %gather3A_1492 = tpu.memref_squeeze %gather3A_1491 : memref<1x32x128xf32, #tpu.memory_space<vmem>> -> memref<32x128xf32, #tpu.memory_space<vmem>>
      %gather3A_1493 = tpu.vector_load_idx %gather3A_1492[%iota3A, %broadcast_in_dim3A_1484] : memref<32x128xf32, #tpu.memory_space<vmem>>[vector<16xi32>, vector<16xi32>], vector<16xf32>,
      %gather3A_1494 = arith.constant 7 : i32
      %gather3A_1495 = arith.constant 0 : i32
      %gather3A_1496 = arith.constant 0 : i32
      %gather3A_1497 = tpu.memref_slice %arg9[%gather3A_1494, %gather3A_1495, %gather3A_1496] : memref<16x32x128xf32, #tpu.memory_space<vmem>> -> memref<1x32x128xf32, #tpu.memory_space<vmem>>
      %gather3A_1498 = tpu.memref_squeeze %gather3A_1497 : memref<1x32x128xf32, #tpu.memory_space<vmem>> -> memref<32x128xf32, #tpu.memory_space<vmem>>
      %gather3A_1499 = tpu.vector_load_idx %gather3A_1498[%add3A_5, %broadcast_in_dim3A_1484] : memref<32x128xf32, #tpu.memory_space<vmem>>[vector<16xi32>, vector<16xi32>], vector<16xf32>,
      %gather3A_1500 = tpu.vector_load_idx %arg10[%iota3A, %broadcast_in_dim3A_1487] : memref<32x512xf32, #tpu.memory_space<vmem>>[vector<16xi32>, vector<16xi32>], vector<16xf32>,
      %gather3A_1501 = tpu.vector_load_idx %arg10[%add3A_5, %broadcast_in_dim3A_1487] : memref<32x512xf32, #tpu.memory_space<vmem>>[vector<16xi32>, vector<16xi32>], vector<16xf32>,
      %mul3A_1502 = arith.mulf %gather3A_1500, %gather3A_1493 : vector<16xf32>
      tpu.vector_store_idx %arg10[%iota3A, %broadcast_in_dim3A_1487], %mul3A_1502 : memref<32x512xf32, #tpu.memory_space<vmem>>[vector<16xi32>, vector<16xi32>], vector<16xf32>,
      %mul3A_1503 = arith.mulf %gather3A_1501, %gather3A_1499 : vector<16xf32>
      tpu.vector_store_idx %arg10[%add3A_5, %broadcast_in_dim3A_1487], %mul3A_1503 : memref<32x512xf32, #tpu.memory_space<vmem>>[vector<16xi32>, vector<16xi32>], vector<16xf32>,
      %slice3A_1504 = vector.extract_strided_slice %select_n3A_1327 {offsets = [8], sizes = [1], strides = [1]} : vector<16xi32> to vector<1xi32>
      %squeeze3A_1505 = vector.extract %slice3A_1504[0] : i32 from vector<1xi32>
      %broadcast_in_dim3A_1506 = vector.broadcast %squeeze3A_1505 : i32 to vector<16xi32>
      %add3A_1507 = arith.constant 8 : i32
      %add3A_1508 = arith.addi %mul3A_13, %add3A_1507 : i32
      %broadcast_in_dim3A_1509 = vector.broadcast %add3A_1508 : i32 to vector<16xi32>
      %gather3A_1510 = arith.constant 8 : i32
      %gather3A_1511 = arith.constant 0 : i32
      %gather3A_1512 = arith.constant 0 : i32
      %gather3A_1513 = tpu.memref_slice %arg9[%gather3A_1510, %gather3A_1511, %gather3A_1512] : memref<16x32x128xf32, #tpu.memory_space<vmem>> -> memref<1x32x128xf32, #tpu.memory_space<vmem>>
      %gather3A_1514 = tpu.memref_squeeze %gather3A_1513 : memref<1x32x128xf32, #tpu.memory_space<vmem>> -> memref<32x128xf32, #tpu.memory_space<vmem>>
      %gather3A_1515 = tpu.vector_load_idx %gather3A_1514[%iota3A, %broadcast_in_dim3A_1506] : memref<32x128xf32, #tpu.memory_space<vmem>>[vector<16xi32>, vector<16xi32>], vector<16xf32>,
      %gather3A_1516 = arith.constant 8 : i32
      %gather3A_1517 = arith.constant 0 : i32
      %gather3A_1518 = arith.constant 0 : i32
      %gather3A_1519 = tpu.memref_slice %arg9[%gather3A_1516, %gather3A_1517, %gather3A_1518] : memref<16x32x128xf32, #tpu.memory_space<vmem>> -> memref<1x32x128xf32, #tpu.memory_space<vmem>>
      %gather3A_1520 = tpu.memref_squeeze %gather3A_1519 : memref<1x32x128xf32, #tpu.memory_space<vmem>> -> memref<32x128xf32, #tpu.memory_space<vmem>>
      %gather3A_1521 = tpu.vector_load_idx %gather3A_1520[%add3A_5, %broadcast_in_dim3A_1506] : memref<32x128xf32, #tpu.memory_space<vmem>>[vector<16xi32>, vector<16xi32>], vector<16xf32>,
      %gather3A_1522 = tpu.vector_load_idx %arg10[%iota3A, %broadcast_in_dim3A_1509] : memref<32x512xf32, #tpu.memory_space<vmem>>[vector<16xi32>, vector<16xi32>], vector<16xf32>,
      %gather3A_1523 = tpu.vector_load_idx %arg10[%add3A_5, %broadcast_in_dim3A_1509] : memref<32x512xf32, #tpu.memory_space<vmem>>[vector<16xi32>, vector<16xi32>], vector<16xf32>,
      %mul3A_1524 = arith.mulf %gather3A_1522, %gather3A_1515 : vector<16xf32>
      tpu.vector_store_idx %arg10[%iota3A, %broadcast_in_dim3A_1509], %mul3A_1524 : memref<32x512xf32, #tpu.memory_space<vmem>>[vector<16xi32>, vector<16xi32>], vector<16xf32>,
      %mul3A_1525 = arith.mulf %gather3A_1523, %gather3A_1521 : vector<16xf32>
      tpu.vector_store_idx %arg10[%add3A_5, %broadcast_in_dim3A_1509], %mul3A_1525 : memref<32x512xf32, #tpu.memory_space<vmem>>[vector<16xi32>, vector<16xi32>], vector<16xf32>,
      %slice3A_1526 = vector.extract_strided_slice %select_n3A_1327 {offsets = [9], sizes = [1], strides = [1]} : vector<16xi32> to vector<1xi32>
      %squeeze3A_1527 = vector.extract %slice3A_1526[0] : i32 from vector<1xi32>
      %broadcast_in_dim3A_1528 = vector.broadcast %squeeze3A_1527 : i32 to vector<16xi32>
      %add3A_1529 = arith.constant 9 : i32
      %add3A_1530 = arith.addi %mul3A_13, %add3A_1529 : i32
      %broadcast_in_dim3A_1531 = vector.broadcast %add3A_1530 : i32 to vector<16xi32>
      %gather3A_1532 = arith.constant 9 : i32
      %gather3A_1533 = arith.constant 0 : i32
      %gather3A_1534 = arith.constant 0 : i32
      %gather3A_1535 = tpu.memref_slice %arg9[%gather3A_1532, %gather3A_1533, %gather3A_1534] : memref<16x32x128xf32, #tpu.memory_space<vmem>> -> memref<1x32x128xf32, #tpu.memory_space<vmem>>
      %gather3A_1536 = tpu.memref_squeeze %gather3A_1535 : memref<1x32x128xf32, #tpu.memory_space<vmem>> -> memref<32x128xf32, #tpu.memory_space<vmem>>
      %gather3A_1537 = tpu.vector_load_idx %gather3A_1536[%iota3A, %broadcast_in_dim3A_1528] : memref<32x128xf32, #tpu.memory_space<vmem>>[vector<16xi32>, vector<16xi32>], vector<16xf32>,
      %gather3A_1538 = arith.constant 9 : i32
      %gather3A_1539 = arith.constant 0 : i32
      %gather3A_1540 = arith.constant 0 : i32
      %gather3A_1541 = tpu.memref_slice %arg9[%gather3A_1538, %gather3A_1539, %gather3A_1540] : memref<16x32x128xf32, #tpu.memory_space<vmem>> -> memref<1x32x128xf32, #tpu.memory_space<vmem>>
      %gather3A_1542 = tpu.memref_squeeze %gather3A_1541 : memref<1x32x128xf32, #tpu.memory_space<vmem>> -> memref<32x128xf32, #tpu.memory_space<vmem>>
      %gather3A_1543 = tpu.vector_load_idx %gather3A_1542[%add3A_5, %broadcast_in_dim3A_1528] : memref<32x128xf32, #tpu.memory_space<vmem>>[vector<16xi32>, vector<16xi32>], vector<16xf32>,
      %gather3A_1544 = tpu.vector_load_idx %arg10[%iota3A, %broadcast_in_dim3A_1531] : memref<32x512xf32, #tpu.memory_space<vmem>>[vector<16xi32>, vector<16xi32>], vector<16xf32>,
      %gather3A_1545 = tpu.vector_load_idx %arg10[%add3A_5, %broadcast_in_dim3A_1531] : memref<32x512xf32, #tpu.memory_space<vmem>>[vector<16xi32>, vector<16xi32>], vector<16xf32>,
      %mul3A_1546 = arith.mulf %gather3A_1544, %gather3A_1537 : vector<16xf32>
      tpu.vector_store_idx %arg10[%iota3A, %broadcast_in_dim3A_1531], %mul3A_1546 : memref<32x512xf32, #tpu.memory_space<vmem>>[vector<16xi32>, vector<16xi32>], vector<16xf32>,
      %mul3A_1547 = arith.mulf %gather3A_1545, %gather3A_1543 : vector<16xf32>
      tpu.vector_store_idx %arg10[%add3A_5, %broadcast_in_dim3A_1531], %mul3A_1547 : memref<32x512xf32, #tpu.memory_space<vmem>>[vector<16xi32>, vector<16xi32>], vector<16xf32>,
      %slice3A_1548 = vector.extract_strided_slice %select_n3A_1327 {offsets = [10], sizes = [1], strides = [1]} : vector<16xi32> to vector<1xi32>
      %squeeze3A_1549 = vector.extract %slice3A_1548[0] : i32 from vector<1xi32>
      %broadcast_in_dim3A_1550 = vector.broadcast %squeeze3A_1549 : i32 to vector<16xi32>
      %add3A_1551 = arith.constant 10 : i32
      %add3A_1552 = arith.addi %mul3A_13, %add3A_1551 : i32
      %broadcast_in_dim3A_1553 = vector.broadcast %add3A_1552 : i32 to vector<16xi32>
      %gather3A_1554 = arith.constant 10 : i32
      %gather3A_1555 = arith.constant 0 : i32
      %gather3A_1556 = arith.constant 0 : i32
      %gather3A_1557 = tpu.memref_slice %arg9[%gather3A_1554, %gather3A_1555, %gather3A_1556] : memref<16x32x128xf32, #tpu.memory_space<vmem>> -> memref<1x32x128xf32, #tpu.memory_space<vmem>>
      %gather3A_1558 = tpu.memref_squeeze %gather3A_1557 : memref<1x32x128xf32, #tpu.memory_space<vmem>> -> memref<32x128xf32, #tpu.memory_space<vmem>>
      %gather3A_1559 = tpu.vector_load_idx %gather3A_1558[%iota3A, %broadcast_in_dim3A_1550] : memref<32x128xf32, #tpu.memory_space<vmem>>[vector<16xi32>, vector<16xi32>], vector<16xf32>,
      %gather3A_1560 = arith.constant 10 : i32
      %gather3A_1561 = arith.constant 0 : i32
      %gather3A_1562 = arith.constant 0 : i32
      %gather3A_1563 = tpu.memref_slice %arg9[%gather3A_1560, %gather3A_1561, %gather3A_1562] : memref<16x32x128xf32, #tpu.memory_space<vmem>> -> memref<1x32x128xf32, #tpu.memory_space<vmem>>
      %gather3A_1564 = tpu.memref_squeeze %gather3A_1563 : memref<1x32x128xf32, #tpu.memory_space<vmem>> -> memref<32x128xf32, #tpu.memory_space<vmem>>
      %gather3A_1565 = tpu.vector_load_idx %gather3A_1564[%add3A_5, %broadcast_in_dim3A_1550] : memref<32x128xf32, #tpu.memory_space<vmem>>[vector<16xi32>, vector<16xi32>], vector<16xf32>,
      %gather3A_1566 = tpu.vector_load_idx %arg10[%iota3A, %broadcast_in_dim3A_1553] : memref<32x512xf32, #tpu.memory_space<vmem>>[vector<16xi32>, vector<16xi32>], vector<16xf32>,
      %gather3A_1567 = tpu.vector_load_idx %arg10[%add3A_5, %broadcast_in_dim3A_1553] : memref<32x512xf32, #tpu.memory_space<vmem>>[vector<16xi32>, vector<16xi32>], vector<16xf32>,
      %mul3A_1568 = arith.mulf %gather3A_1566, %gather3A_1559 : vector<16xf32>
      tpu.vector_store_idx %arg10[%iota3A, %broadcast_in_dim3A_1553], %mul3A_1568 : memref<32x512xf32, #tpu.memory_space<vmem>>[vector<16xi32>, vector<16xi32>], vector<16xf32>,
      %mul3A_1569 = arith.mulf %gather3A_1567, %gather3A_1565 : vector<16xf32>
      tpu.vector_store_idx %arg10[%add3A_5, %broadcast_in_dim3A_1553], %mul3A_1569 : memref<32x512xf32, #tpu.memory_space<vmem>>[vector<16xi32>, vector<16xi32>], vector<16xf32>,
      %slice3A_1570 = vector.extract_strided_slice %select_n3A_1327 {offsets = [11], sizes = [1], strides = [1]} : vector<16xi32> to vector<1xi32>
      %squeeze3A_1571 = vector.extract %slice3A_1570[0] : i32 from vector<1xi32>
      %broadcast_in_dim3A_1572 = vector.broadcast %squeeze3A_1571 : i32 to vector<16xi32>
      %add3A_1573 = arith.constant 11 : i32
      %add3A_1574 = arith.addi %mul3A_13, %add3A_1573 : i32
      %broadcast_in_dim3A_1575 = vector.broadcast %add3A_1574 : i32 to vector<16xi32>
      %gather3A_1576 = arith.constant 11 : i32
      %gather3A_1577 = arith.constant 0 : i32
      %gather3A_1578 = arith.constant 0 : i32
      %gather3A_1579 = tpu.memref_slice %arg9[%gather3A_1576, %gather3A_1577, %gather3A_1578] : memref<16x32x128xf32, #tpu.memory_space<vmem>> -> memref<1x32x128xf32, #tpu.memory_space<vmem>>
      %gather3A_1580 = tpu.memref_squeeze %gather3A_1579 : memref<1x32x128xf32, #tpu.memory_space<vmem>> -> memref<32x128xf32, #tpu.memory_space<vmem>>
      %gather3A_1581 = tpu.vector_load_idx %gather3A_1580[%iota3A, %broadcast_in_dim3A_1572] : memref<32x128xf32, #tpu.memory_space<vmem>>[vector<16xi32>, vector<16xi32>], vector<16xf32>,
      %gather3A_1582 = arith.constant 11 : i32
      %gather3A_1583 = arith.constant 0 : i32
      %gather3A_1584 = arith.constant 0 : i32
      %gather3A_1585 = tpu.memref_slice %arg9[%gather3A_1582, %gather3A_1583, %gather3A_1584] : memref<16x32x128xf32, #tpu.memory_space<vmem>> -> memref<1x32x128xf32, #tpu.memory_space<vmem>>
      %gather3A_1586 = tpu.memref_squeeze %gather3A_1585 : memref<1x32x128xf32, #tpu.memory_space<vmem>> -> memref<32x128xf32, #tpu.memory_space<vmem>>
      %gather3A_1587 = tpu.vector_load_idx %gather3A_1586[%add3A_5, %broadcast_in_dim3A_1572] : memref<32x128xf32, #tpu.memory_space<vmem>>[vector<16xi32>, vector<16xi32>], vector<16xf32>,
      %gather3A_1588 = tpu.vector_load_idx %arg10[%iota3A, %broadcast_in_dim3A_1575] : memref<32x512xf32, #tpu.memory_space<vmem>>[vector<16xi32>, vector<16xi32>], vector<16xf32>,
      %gather3A_1589 = tpu.vector_load_idx %arg10[%add3A_5, %broadcast_in_dim3A_1575] : memref<32x512xf32, #tpu.memory_space<vmem>>[vector<16xi32>, vector<16xi32>], vector<16xf32>,
      %mul3A_1590 = arith.mulf %gather3A_1588, %gather3A_1581 : vector<16xf32>
      tpu.vector_store_idx %arg10[%iota3A, %broadcast_in_dim3A_1575], %mul3A_1590 : memref<32x512xf32, #tpu.memory_space<vmem>>[vector<16xi32>, vector<16xi32>], vector<16xf32>,
      %mul3A_1591 = arith.mulf %gather3A_1589, %gather3A_1587 : vector<16xf32>
      tpu.vector_store_idx %arg10[%add3A_5, %broadcast_in_dim3A_1575], %mul3A_1591 : memref<32x512xf32, #tpu.memory_space<vmem>>[vector<16xi32>, vector<16xi32>], vector<16xf32>,
      %slice3A_1592 = vector.extract_strided_slice %select_n3A_1327 {offsets = [12], sizes = [1], strides = [1]} : vector<16xi32> to vector<1xi32>
      %squeeze3A_1593 = vector.extract %slice3A_1592[0] : i32 from vector<1xi32>
      %broadcast_in_dim3A_1594 = vector.broadcast %squeeze3A_1593 : i32 to vector<16xi32>
      %add3A_1595 = arith.constant 12 : i32
      %add3A_1596 = arith.addi %mul3A_13, %add3A_1595 : i32
      %broadcast_in_dim3A_1597 = vector.broadcast %add3A_1596 : i32 to vector<16xi32>
      %gather3A_1598 = arith.constant 12 : i32
      %gather3A_1599 = arith.constant 0 : i32
      %gather3A_1600 = arith.constant 0 : i32
      %gather3A_1601 = tpu.memref_slice %arg9[%gather3A_1598, %gather3A_1599, %gather3A_1600] : memref<16x32x128xf32, #tpu.memory_space<vmem>> -> memref<1x32x128xf32, #tpu.memory_space<vmem>>
      %gather3A_1602 = tpu.memref_squeeze %gather3A_1601 : memref<1x32x128xf32, #tpu.memory_space<vmem>> -> memref<32x128xf32, #tpu.memory_space<vmem>>
      %gather3A_1603 = tpu.vector_load_idx %gather3A_1602[%iota3A, %broadcast_in_dim3A_1594] : memref<32x128xf32, #tpu.memory_space<vmem>>[vector<16xi32>, vector<16xi32>], vector<16xf32>,
      %gather3A_1604 = arith.constant 12 : i32
      %gather3A_1605 = arith.constant 0 : i32
      %gather3A_1606 = arith.constant 0 : i32
      %gather3A_1607 = tpu.memref_slice %arg9[%gather3A_1604, %gather3A_1605, %gather3A_1606] : memref<16x32x128xf32, #tpu.memory_space<vmem>> -> memref<1x32x128xf32, #tpu.memory_space<vmem>>
      %gather3A_1608 = tpu.memref_squeeze %gather3A_1607 : memref<1x32x128xf32, #tpu.memory_space<vmem>> -> memref<32x128xf32, #tpu.memory_space<vmem>>
      %gather3A_1609 = tpu.vector_load_idx %gather3A_1608[%add3A_5, %broadcast_in_dim3A_1594] : memref<32x128xf32, #tpu.memory_space<vmem>>[vector<16xi32>, vector<16xi32>], vector<16xf32>,
      %gather3A_1610 = tpu.vector_load_idx %arg10[%iota3A, %broadcast_in_dim3A_1597] : memref<32x512xf32, #tpu.memory_space<vmem>>[vector<16xi32>, vector<16xi32>], vector<16xf32>,
      %gather3A_1611 = tpu.vector_load_idx %arg10[%add3A_5, %broadcast_in_dim3A_1597] : memref<32x512xf32, #tpu.memory_space<vmem>>[vector<16xi32>, vector<16xi32>], vector<16xf32>,
      %mul3A_1612 = arith.mulf %gather3A_1610, %gather3A_1603 : vector<16xf32>
      tpu.vector_store_idx %arg10[%iota3A, %broadcast_in_dim3A_1597], %mul3A_1612 : memref<32x512xf32, #tpu.memory_space<vmem>>[vector<16xi32>, vector<16xi32>], vector<16xf32>,
      %mul3A_1613 = arith.mulf %gather3A_1611, %gather3A_1609 : vector<16xf32>
      tpu.vector_store_idx %arg10[%add3A_5, %broadcast_in_dim3A_1597], %mul3A_1613 : memref<32x512xf32, #tpu.memory_space<vmem>>[vector<16xi32>, vector<16xi32>], vector<16xf32>,
      %slice3A_1614 = vector.extract_strided_slice %select_n3A_1327 {offsets = [13], sizes = [1], strides = [1]} : vector<16xi32> to vector<1xi32>
      %squeeze3A_1615 = vector.extract %slice3A_1614[0] : i32 from vector<1xi32>
      %broadcast_in_dim3A_1616 = vector.broadcast %squeeze3A_1615 : i32 to vector<16xi32>
      %add3A_1617 = arith.constant 13 : i32
      %add3A_1618 = arith.addi %mul3A_13, %add3A_1617 : i32
      %broadcast_in_dim3A_1619 = vector.broadcast %add3A_1618 : i32 to vector<16xi32>
      %gather3A_1620 = arith.constant 13 : i32
      %gather3A_1621 = arith.constant 0 : i32
      %gather3A_1622 = arith.constant 0 : i32
      %gather3A_1623 = tpu.memref_slice %arg9[%gather3A_1620, %gather3A_1621, %gather3A_1622] : memref<16x32x128xf32, #tpu.memory_space<vmem>> -> memref<1x32x128xf32, #tpu.memory_space<vmem>>
      %gather3A_1624 = tpu.memref_squeeze %gather3A_1623 : memref<1x32x128xf32, #tpu.memory_space<vmem>> -> memref<32x128xf32, #tpu.memory_space<vmem>>
      %gather3A_1625 = tpu.vector_load_idx %gather3A_1624[%iota3A, %broadcast_in_dim3A_1616] : memref<32x128xf32, #tpu.memory_space<vmem>>[vector<16xi32>, vector<16xi32>], vector<16xf32>,
      %gather3A_1626 = arith.constant 13 : i32
      %gather3A_1627 = arith.constant 0 : i32
      %gather3A_1628 = arith.constant 0 : i32
      %gather3A_1629 = tpu.memref_slice %arg9[%gather3A_1626, %gather3A_1627, %gather3A_1628] : memref<16x32x128xf32, #tpu.memory_space<vmem>> -> memref<1x32x128xf32, #tpu.memory_space<vmem>>
      %gather3A_1630 = tpu.memref_squeeze %gather3A_1629 : memref<1x32x128xf32, #tpu.memory_space<vmem>> -> memref<32x128xf32, #tpu.memory_space<vmem>>
      %gather3A_1631 = tpu.vector_load_idx %gather3A_1630[%add3A_5, %broadcast_in_dim3A_1616] : memref<32x128xf32, #tpu.memory_space<vmem>>[vector<16xi32>, vector<16xi32>], vector<16xf32>,
      %gather3A_1632 = tpu.vector_load_idx %arg10[%iota3A, %broadcast_in_dim3A_1619] : memref<32x512xf32, #tpu.memory_space<vmem>>[vector<16xi32>, vector<16xi32>], vector<16xf32>,
      %gather3A_1633 = tpu.vector_load_idx %arg10[%add3A_5, %broadcast_in_dim3A_1619] : memref<32x512xf32, #tpu.memory_space<vmem>>[vector<16xi32>, vector<16xi32>], vector<16xf32>,
      %mul3A_1634 = arith.mulf %gather3A_1632, %gather3A_1625 : vector<16xf32>
      tpu.vector_store_idx %arg10[%iota3A, %broadcast_in_dim3A_1619], %mul3A_1634 : memref<32x512xf32, #tpu.memory_space<vmem>>[vector<16xi32>, vector<16xi32>], vector<16xf32>,
      %mul3A_1635 = arith.mulf %gather3A_1633, %gather3A_1631 : vector<16xf32>
      tpu.vector_store_idx %arg10[%add3A_5, %broadcast_in_dim3A_1619], %mul3A_1635 : memref<32x512xf32, #tpu.memory_space<vmem>>[vector<16xi32>, vector<16xi32>], vector<16xf32>,
      %slice3A_1636 = vector.extract_strided_slice %select_n3A_1327 {offsets = [14], sizes = [1], strides = [1]} : vector<16xi32> to vector<1xi32>
      %squeeze3A_1637 = vector.extract %slice3A_1636[0] : i32 from vector<1xi32>
      %broadcast_in_dim3A_1638 = vector.broadcast %squeeze3A_1637 : i32 to vector<16xi32>
      %add3A_1639 = arith.constant 14 : i32
      %add3A_1640 = arith.addi %mul3A_13, %add3A_1639 : i32
      %broadcast_in_dim3A_1641 = vector.broadcast %add3A_1640 : i32 to vector<16xi32>
      %gather3A_1642 = arith.constant 14 : i32
      %gather3A_1643 = arith.constant 0 : i32
      %gather3A_1644 = arith.constant 0 : i32
      %gather3A_1645 = tpu.memref_slice %arg9[%gather3A_1642, %gather3A_1643, %gather3A_1644] : memref<16x32x128xf32, #tpu.memory_space<vmem>> -> memref<1x32x128xf32, #tpu.memory_space<vmem>>
      %gather3A_1646 = tpu.memref_squeeze %gather3A_1645 : memref<1x32x128xf32, #tpu.memory_space<vmem>> -> memref<32x128xf32, #tpu.memory_space<vmem>>
      %gather3A_1647 = tpu.vector_load_idx %gather3A_1646[%iota3A, %broadcast_in_dim3A_1638] : memref<32x128xf32, #tpu.memory_space<vmem>>[vector<16xi32>, vector<16xi32>], vector<16xf32>,
      %gather3A_1648 = arith.constant 14 : i32
      %gather3A_1649 = arith.constant 0 : i32
      %gather3A_1650 = arith.constant 0 : i32
      %gather3A_1651 = tpu.memref_slice %arg9[%gather3A_1648, %gather3A_1649, %gather3A_1650] : memref<16x32x128xf32, #tpu.memory_space<vmem>> -> memref<1x32x128xf32, #tpu.memory_space<vmem>>
      %gather3A_1652 = tpu.memref_squeeze %gather3A_1651 : memref<1x32x128xf32, #tpu.memory_space<vmem>> -> memref<32x128xf32, #tpu.memory_space<vmem>>
      %gather3A_1653 = tpu.vector_load_idx %gather3A_1652[%add3A_5, %broadcast_in_dim3A_1638] : memref<32x128xf32, #tpu.memory_space<vmem>>[vector<16xi32>, vector<16xi32>], vector<16xf32>,
      %gather3A_1654 = tpu.vector_load_idx %arg10[%iota3A, %broadcast_in_dim3A_1641] : memref<32x512xf32, #tpu.memory_space<vmem>>[vector<16xi32>, vector<16xi32>], vector<16xf32>,
      %gather3A_1655 = tpu.vector_load_idx %arg10[%add3A_5, %broadcast_in_dim3A_1641] : memref<32x512xf32, #tpu.memory_space<vmem>>[vector<16xi32>, vector<16xi32>], vector<16xf32>,
      %mul3A_1656 = arith.mulf %gather3A_1654, %gather3A_1647 : vector<16xf32>
      tpu.vector_store_idx %arg10[%iota3A, %broadcast_in_dim3A_1641], %mul3A_1656 : memref<32x512xf32, #tpu.memory_space<vmem>>[vector<16xi32>, vector<16xi32>], vector<16xf32>,
      %mul3A_1657 = arith.mulf %gather3A_1655, %gather3A_1653 : vector<16xf32>
      tpu.vector_store_idx %arg10[%add3A_5, %broadcast_in_dim3A_1641], %mul3A_1657 : memref<32x512xf32, #tpu.memory_space<vmem>>[vector<16xi32>, vector<16xi32>], vector<16xf32>,
      %slice3A_1658 = vector.extract_strided_slice %select_n3A_1327 {offsets = [15], sizes = [1], strides = [1]} : vector<16xi32> to vector<1xi32>
      %squeeze3A_1659 = vector.extract %slice3A_1658[0] : i32 from vector<1xi32>
      %broadcast_in_dim3A_1660 = vector.broadcast %squeeze3A_1659 : i32 to vector<16xi32>
      %add3A_1661 = arith.constant 15 : i32
      %add3A_1662 = arith.addi %mul3A_13, %add3A_1661 : i32
      %broadcast_in_dim3A_1663 = vector.broadcast %add3A_1662 : i32 to vector<16xi32>
      %gather3A_1664 = arith.constant 15 : i32
      %gather3A_1665 = arith.constant 0 : i32
      %gather3A_1666 = arith.constant 0 : i32
      %gather3A_1667 = tpu.memref_slice %arg9[%gather3A_1664, %gather3A_1665, %gather3A_1666] : memref<16x32x128xf32, #tpu.memory_space<vmem>> -> memref<1x32x128xf32, #tpu.memory_space<vmem>>
      %gather3A_1668 = tpu.memref_squeeze %gather3A_1667 : memref<1x32x128xf32, #tpu.memory_space<vmem>> -> memref<32x128xf32, #tpu.memory_space<vmem>>
      %gather3A_1669 = tpu.vector_load_idx %gather3A_1668[%iota3A, %broadcast_in_dim3A_1660] : memref<32x128xf32, #tpu.memory_space<vmem>>[vector<16xi32>, vector<16xi32>], vector<16xf32>,
      %gather3A_1670 = arith.constant 15 : i32
      %gather3A_1671 = arith.constant 0 : i32
      %gather3A_1672 = arith.constant 0 : i32
      %gather3A_1673 = tpu.memref_slice %arg9[%gather3A_1670, %gather3A_1671, %gather3A_1672] : memref<16x32x128xf32, #tpu.memory_space<vmem>> -> memref<1x32x128xf32, #tpu.memory_space<vmem>>
      %gather3A_1674 = tpu.memref_squeeze %gather3A_1673 : memref<1x32x128xf32, #tpu.memory_space<vmem>> -> memref<32x128xf32, #tpu.memory_space<vmem>>
      %gather3A_1675 = tpu.vector_load_idx %gather3A_1674[%add3A_5, %broadcast_in_dim3A_1660] : memref<32x128xf32, #tpu.memory_space<vmem>>[vector<16xi32>, vector<16xi32>], vector<16xf32>,
      %gather3A_1676 = tpu.vector_load_idx %arg10[%iota3A, %broadcast_in_dim3A_1663] : memref<32x512xf32, #tpu.memory_space<vmem>>[vector<16xi32>, vector<16xi32>], vector<16xf32>,
      %gather3A_1677 = tpu.vector_load_idx %arg10[%add3A_5, %broadcast_in_dim3A_1663] : memref<32x512xf32, #tpu.memory_space<vmem>>[vector<16xi32>, vector<16xi32>], vector<16xf32>,
      %mul3A_1678 = arith.mulf %gather3A_1676, %gather3A_1669 : vector<16xf32>
      tpu.vector_store_idx %arg10[%iota3A, %broadcast_in_dim3A_1663], %mul3A_1678 : memref<32x512xf32, #tpu.memory_space<vmem>>[vector<16xi32>, vector<16xi32>], vector<16xf32>,
      %mul3A_1679 = arith.mulf %gather3A_1677, %gather3A_1675 : vector<16xf32>
      tpu.vector_store_idx %arg10[%add3A_5, %broadcast_in_dim3A_1663], %mul3A_1679 : memref<32x512xf32, #tpu.memory_space<vmem>>[vector<16xi32>, vector<16xi32>], vector<16xf32>,
    }
    %scan3A_10 = arith.constant 32 : i32
    "tpu.region"() ({
      %run_scoped3A = tpu.sem_alloc : memref<!tpu.dma_semaphore, #tpu.memory_space<semaphore_mem>>
      %dma_start3A = arith.constant 0 : i32
      %dma_start3A_11 = tpu.memref_slice %arg6[%dma_start3A, %mul3A_2] : memref<32x16384xf32, #tpu.memory_space<hbm>> -> memref<32x512xf32, #tpu.memory_space<hbm>>
      %dma_start3A_12 = arith.constant 0 : i32
      %dma_start3A_13 = tpu.memref_slice %arg6[%dma_start3A_12, %mul3A_2] : memref<32x16384xf32, #tpu.memory_space<hbm>> -> memref<32x512xf32, #tpu.memory_space<hbm>>
      tpu.enqueue_dma source(%arg10 : memref<32x512xf32, #tpu.memory_space<vmem>>) target(%dma_start3A_13 : memref<32x512xf32, #tpu.memory_space<hbm>>) target_semaphore(%run_scoped3A : memref<!tpu.dma_semaphore, #tpu.memory_space<semaphore_mem>>)
      %dma_wait3A = arith.constant 0 : i32
      %dma_wait3A_14 = tpu.memref_slice %arg6[%dma_wait3A, %mul3A_2] : memref<32x16384xf32, #tpu.memory_space<hbm>> -> memref<32x512xf32, #tpu.memory_space<hbm>>
      %dma_wait3A_15 = arith.constant 0 : i32
      %dma_wait3A_16 = tpu.memref_slice %arg6[%dma_wait3A_15, %mul3A_2] : memref<32x16384xf32, #tpu.memory_space<hbm>> -> memref<32x512xf32, #tpu.memory_space<hbm>>
      tpu.wait_dma2 semaphore(%run_scoped3A : memref<!tpu.dma_semaphore, #tpu.memory_space<semaphore_mem>>) src(%arg10 : memref<32x512xf32, #tpu.memory_space<vmem>>) dst(%dma_wait3A_16 : memref<32x512xf32, #tpu.memory_space<hbm>>)
      tpu.yield
    }) : () -> ()
    return
  }
}

</mosaic_0001>

<sc_bundles>
// kernel: _gmf.3.cloned.1.call-start
scs
__scs_entry_jumppad:
0x0: {  	(pc) =	sbr.rel $0x88, $3  }
0x1: {  	(tag) =	ssettag $0x0;
	lr =	simm.s32 $0x1  }
0x2: {  	[smem:$0x3F9D] =	sst lr;
	_ =	strace $0xD0000000  }
0x3: {  	_ = 	snop  }
0x4: {  	_ = 	snop  }
0x5: {  	_ = 	snop  }
0x6: {  	_ = 	snop  }
0x7: {  	_ = 	snop  }
__scs_overlays_trampoline_lowered:
0x8: {  	[smem:$0x3FAC] =	sst s0  }
0x9: {  	[smem:$0x3FAD] =	sst s1  }
0xa: {  	[smem:$0x3FAE] =	sst s2  }
0xb: {  	[smem:$0x3FAF] =	sst s3  }
0xc: {  	[smem:$0x3FB0] =	sst s4  }
0xd: {  	[smem:$0x3FB1] =	sst s5  }
0xe: {  	[smem:$0x3FB2] =	sst s6  }
0xf: {  	[smem:$0x3FB3] =	sst s7  }
0x10: {  	[smem:$0x3FB4] =	sst s8  }
0x11: {  	[smem:$0x3FB5] =	sst s9;
	s0 =	simm.s32 @!p0 $0x0  }
0x12: {  	s1 =	sld [smem:$0x3F9B];
	s0 =	simm.s32 @p0 $0x1  }
0x13: {  	[smem:$0x3FB6] =	sst s0;
	s0 =	simm.s32 @!p1 $0x0  }
0x14: {  	s2 =	sld [smem:$0x3F9A];
	s0 =	simm.s32 @p1 $0x1  }
0x15: {  	[smem:$0x3FB7] =	sst s0;
	s0 =	simm.s32 @!p2 $0x0  }
0x16: {  	s3 =	sld [smem:$0x3FDB];
	s0 =	simm.s32 @p2 $0x1  }
0x17: {  	s4 =	simm.s32 $0x1BF5;
	[smem:$0x3FB9] =	sst s0  }
0x18: {  	s0 =	sld [smem:$0x3F9C];
	_ =	swait.ge [sflag:s4], $0x0  }
0x19: {  	s7 =	sld [smem:$0x3F9D]  }
0x1a: {  	s8 =	sadd.s32 $0xFFFFE003, lr  }
0x1b: {  	s9 =	sadd.s32 $0xFFFFFEF7, lr;
	s5 =	simm.s32 $0xFFFFFFFF;
	p2 =	slt.u32 s8, $0xFFFFF086  }
0x1c: {  	p1 =	slt.u32 s9, $0xF7A;
	s5 =	simm.s32 @!p2 $0x0  }
0x1d: {  	s5 =	simm.s32 @p1 $0x1;
	p0 =	seq.s32 s7, s2  }
0x1e: {  	s7 =	smul.u32 @!p0 $0xF7A, s2;
	p2 =	seq.s32 @!p0 s5, $0x0  }
0x1f: {  	s9 =	smul.u32 $0xF7A, s1;
	s8 =	simm.s32 @!p0 $0x1BF5;
	p2 =	por !p2, p0  }
0x20: {  	[sflag:s8] =	ssyncset.s32 @!p0 $0xFFFFF086;
	s6 =	sadd.s32 @!p0 s3, s7;
	s7 =	simm.s32 @!p0 $0x108  }
0x21: {  	s3 =	sadd.s32 s3, s9;
	s6 =	sadd.s32 @!p0 $0x88, s6;
	s7 =	simm.s32 @p2 $0x1082  }
0x22: {  	[simem:s7], [sflag:s8] =	dma.local @!p0 [hbm:s6], $0xF7A  }
0x23: {  	s9 =	sor.u32 $0xD0000000, s2;
	s6 =	simm.s32 $0x108;
	_ =	swait.ge @!p0 [sflag:s8], $0x0  }
0x24: {  	s3 =	sadd.s32 $0x88, s3;
	s6 =	simm.s32 @!p1 $0x1082;
	[sflag:s4] =	ssyncset.s32 $0xFFFFF086  }
0x25: {  	[simem:s6], [sflag:s4] =	dma.local [hbm:s3], $0xF7A  }
0x26: {  	[smem:$0x3F9D] =	sst s1;
	(tag) =	ssettag s2;
	_ =	strace s9  }
0x27: {  	s1 =	sld [smem:$0x3FAD]  }
0x28: {  	s2 =	sld [smem:$0x3FAE]  }
0x29: {  	s4 =	sld [smem:$0x3FB0]  }
0x2a: {  	p0 =	seq.s32 s5, $0x0;
	s5 =	sld [smem:$0x3FB1]  }
0x2b: {  	s6 =	sld [smem:$0x3FB2]  }
0x2c: {  	s7 =	sld [smem:$0x3FB3]  }
0x2d: {  	s3 =	simm.s32 $0x108;
	s8 =	sld [smem:$0x3FB4]  }
0x2e: {  	s3 =	simm.s32 @!p0 $0x1082;
	s9 =	sld [smem:$0x3FB5]  }
0x2f: {  	lr =	sadd.s32 s0, s3;
	s0 =	sld [smem:$0x3FAC]  }
0x30: {  	s3 =	sld [smem:$0x3FAF]  }
0x31: {  	[smem:$0x3FB8] =	sst s10  }
0x32: {  	s10 =	sld [smem:$0x3FB6];
	_ =	sdelay $0x3  }
0x33: {  	p0 =	seq.s32 s10, $0x1;
	s10 =	sld [smem:$0x3FB8];
	_ =	sdelay $0x3  }
0x34: {  	[smem:$0x3FB8] =	sst s10  }
0x35: {  	s10 =	sld [smem:$0x3FB7];
	_ =	sdelay $0x3  }
0x36: {  	p1 =	seq.s32 s10, $0x1;
	s10 =	sld [smem:$0x3FB8];
	_ =	sdelay $0x3  }
0x37: {  	[smem:$0x3FB8] =	sst s10  }
0x38: {  	s10 =	sld [smem:$0x3FB9]  }
0x39: {  	_ = 	snop;
	(pc) =	sbr.ind lr, $3  }
0x3a: {  	_ = 	snop  }
0x3b: {  	_ = 	snop  }
0x3c: {  	p2 =	seq.s32 s10, $0x1;
	s10 =	sld [smem:$0x3FB8]  }
0x3d: {  	_ =	shalt  }
0x3e: {  	_ =	shalt  }
0x3f: {  	_ =	shalt  }
0x40: {  	_ =	shalt  }
0x41: {  	_ =	shalt  }
0x42: {  	_ =	shalt  }
0x43: {  	_ =	shalt  }
0x44: {  	_ =	shalt  }
0x45: {  	_ =	shalt  }
0x46: {  	_ =	shalt  }
0x47: {  	_ =	shalt  }
0x48: {  	_ =	shalt  }
0x49: {  	_ =	shalt  }
0x4a: {  	_ =	shalt  }
0x4b: {  	_ =	shalt  }
0x4c: {  	_ =	shalt  }
0x4d: {  	_ =	shalt  }
0x4e: {  	_ =	shalt  }
0x4f: {  	_ =	shalt  }
0x50: {  	_ =	shalt  }
0x51: {  	_ =	shalt  }
0x52: {  	_ =	shalt  }
0x53: {  	_ =	shalt  }
0x54: {  	_ =	shalt  }
0x55: {  	_ =	shalt  }
0x56: {  	_ =	shalt  }
0x57: {  	_ =	shalt  }
0x58: {  	_ =	shalt  }
0x59: {  	_ =	shalt  }
0x5a: {  	_ =	shalt  }
0x5b: {  	_ =	shalt  }
0x5c: {  	_ =	shalt  }
0x5d: {  	_ =	shalt  }
0x5e: {  	_ =	shalt  }
0x5f: {  	_ =	shalt  }
0x60: {  	_ =	shalt  }
0x61: {  	_ =	shalt  }
0x62: {  	_ =	shalt  }
0x63: {  	_ =	shalt  }
0x64: {  	_ =	shalt  }
0x65: {  	_ =	shalt  }
0x66: {  	_ =	shalt  }
0x67: {  	_ =	shalt  }
0x68: {  	_ =	shalt  }
0x69: {  	_ =	shalt  }
0x6a: {  	_ =	shalt  }
0x6b: {  	_ =	shalt  }
0x6c: {  	_ =	shalt  }
0x6d: {  	_ =	shalt  }
0x6e: {  	_ =	shalt  }
0x6f: {  	_ =	shalt  }
0x70: {  	_ =	shalt  }
0x71: {  	_ =	shalt  }
0x72: {  	_ =	shalt  }
0x73: {  	_ =	shalt  }
0x74: {  	_ =	shalt  }
0x75: {  	_ =	shalt  }
0x76: {  	_ =	shalt  }
0x77: {  	_ =	shalt  }
0x78: {  	_ =	shalt  }
0x79: {  	_ =	shalt  }
0x7a: {  	_ =	shalt  }
0x7b: {  	_ =	shalt  }
0x7c: {  	_ =	shalt  }
0x7d: {  	_ =	shalt  }
0x7e: {  	_ =	shalt  }
0x7f: {  	_ =	shalt  }
0x80: {  	_ =	shalt  }
0x81: {  	_ =	shalt  }
0x82: {  	_ =	shalt  }
0x83: {  	_ =	shalt  }
0x84: {  	_ =	shalt  }
0x85: {  	_ =	shalt  }
0x86: {  	_ =	shalt  }
0x87: {  	_ =	shalt  }
.Lfunc_end0:
.L_simem_size_0:
called_computation_lowered:
.L_overlay_start_0:
0x88: {  	s2 =	sld [smem:$0x3FD9]  }
0x89: {  	s3 =	sld [smem:$0x3FFE];
	_ =	sdelay $0x1  }
0x8a: {  	s1 =	srdreg.scid  }
0x8b: {  	s0 =	sand.u32 $0x1, s1  }
0x8c: {  	s18 =	sshll.u32 s0, $0xA;
	s2 =	sadd.s32 s3, s2  }
0x8d: {  	s2 =	sadd.s32 s2, s18  }
0x8e: {  	[smem:$0x3FC4] =	sst s2  }
0x8f: {  	_ = 	snop  }
0x90: {  	s2 =	sld [smem:$0x3FC9]  }
0x91: {  	s19 =	sld [smem:$0x3FC8]  }
0x92: {  	s4 =	sld [smem:$0x3FC7]  }
0x93: {  	s5 =	sld [smem:$0x3FC6]  }
0x94: {  	s6 =	sld [smem:$0x3FD0];
	(tm) =	ssettm $0x1  }
0x95: {  	s7 =	sld [smem:$0x3FFB];
	_ =	sdelay $0x3  }
0x96: {  	_ =	strace s7  }
0x97: {  	s7 =	sld [smem:$0x3FFC];
	_ =	sdelay $0x3  }
0x98: {  	_ =	strace s7  }
0x99: {  	s7 =	sld [smem:$0x3FFD];
	_ =	sdelay $0x3  }
0x9a: {  	_ =	strace s7  }
0x9b: {  	_ =	strace $0x8FFFFFFF  }
0x9c: {  	s20 =	sld [smem:$0x3FDB];
	_ =	sdelay $0x1  }
0x9d: {  	s8 =	simm.s32 $_scs_section_size  }
0x9e: {  	s9 =	simm.s32 $_size__tile_overlayer_lowered;
	s10 =	simm.s32 $_tile_overlayer_lowered  }
0x9f: {  	s23 =	simm.s32 $0x1BFF;
	s22 =	sshll.u32 s10, $0x1;
	s7 =	sadd.s32 s8, s20  }
0xa0: {  	s11 =	simm.s32 $0x0;
	s21 =	sshll.u32 s9, $0x1;
	s9 =	sadd.s32 s22, s7  }
0xa1: {  	[timem:s11], [sflag:s23] =	dma.local [hbm:s9], s21  }
0xa2: {  	_ =	swait.ge [sflag:s23], s21  }
0xa3: {  	s8 =	ssub.s32 $0x0, s21;
	[sflag:s23] =	ssyncset.done $0x0  }
0xa4: {  	[sflag:s23] =	ssyncadd.s32 s8;
	_ =	sdelay $0x1  }
0xa5: {  	s24 =	simm.s32 $0x1B8B  }
0xa6: {  	_ =	swait.ge [sflag:s24], $0x1  }
0xa7: {  	[sflag:s24] =	ssyncset.done $0x0  }
0xa8: {  	s25 =	simm.s32 $0x1B8E;
	[sflag:s24] =	ssyncadd.s32 $0xFFFFFFFF  }
0xa9: {  	s26 =	simm.s32 $execute0_lowered;
	[smem:$0x3FD2] =	sst s25  }
0xaa: {  	s8 =	sshll.u32 s26, $0x1;
	_ =	strace $0x80000046;
	[dreg:$0x1] =	wrdreg $0xFFFFFFFF  }
0xab: {  	s28 =	simm.s32 $_size_execute0_lowered;
	s7 =	sadd.s32 s7, s8;
	[dreg:$0x0] =	wrdreg $0x0  }
0xac: {  	s8 =	sshll.u32 s28, $0x1;
	[dreg:$0x2] =	wrdreg s7  }
0xad: {  	[dreg:$0x3] =	wrdreg s8  }
0xae: {  	[dreg:$0x4] =	wrdreg $0xC0  }
0xaf: {  	_ =	task [dreg:s11], $0x5FFFF  }
0xb0: {  	[dreg:$0x1] =	wrdreg $0xFFFFFFFF  }
0xb1: {  	[dreg:$0x0] =	wrdreg $0x60  }
0xb2: {  	[dreg:$0x2] =	wrdreg s2  }
0xb3: {  	[dreg:$0x3] =	wrdreg s19  }
0xb4: {  	[dreg:$0x4] =	wrdreg s4  }
0xb5: {  	[dreg:$0x5] =	wrdreg s5  }
0xb6: {  	[dreg:$0x6] =	wrdreg s6  }
0xb7: {  	[dreg:$0x7] =	wrdreg $0x9  }
0xb8: {  	_ =	task.clear_ibuf [dreg:s11], $0x8FFFF;
	_ =	strace $0x90000046  }
0xb9: {  	s29 =	simm.s32 $0x9;
	_ =	strace $0x80000048  }
0xba: {  	_ =	swait.ge [sflag:s29], $0x1  }
0xbb: {  	[sflag:s29] =	ssyncadd.s32 $0xFFFFFFFF  }
0xbc: {  	_ =	strace $0x90000048  }
0xbd: {  	_ =	sfence  }
0xbe: {  	s30 =	sld [smem:$0x0];
	_ =	sdelay $0x2  }
0xbf: {  	s31 =	sshll.u32 s1, $0xD;
	s1 =	sshrl.u32 s1, $0x2  }
0xc0: {  	s3 =	sand.u32 $0x4000, s31;
	s1 =	sadd.s32 s1, s30  }
0xc1: {  	s0 =	sor.u32 s3, s0;
	s1 =	sshll.u32 s1, $0x11  }
0xc2: {  	s0 =	sor.u32 s1, s0  }
0xc3: {  	s0 =	sadd.s32 $0x8F2B, s0  }
0xc4: {  	[sflag:s0] =	ssyncadd.remote.s32 $0x1  }
0xc5: {  	_ =	sfence.sel $0xFFFF  }
0xc6: {  	[dreg:$0x0] =	wrdreg $0xFFFFFFFF;
	(pc) =	sbr.abs _section_cstart, $3  }
0xc7: {  	[dreg:$0x1] =	wrdreg $0xFFFFFFFF  }
0xc8: {  	_ =	task.clear_ibuf [dreg:s11], $0x2FFFF;
	_ =	strace $0x9FFFFFFF  }
0xc9: {  	(tm) =	ssettm $0x7FFFFFFF  }
tec
execute0_lowered:
.L_overlay_start_1:
0x0: {  	(tag) =	ssettag $0x1  }
0x1: {  	s0 =	rddreg [dreg:$0x0]  }
0x2: {  	s1 =	rddreg [dreg:$0x1]  }
0x3: {  	s2 =	rddreg [dreg:$0x2];
	v1 =	vlaneseq.u32;
	v2 =	vimm.s32 $0x1380;
	vm0 =	vcmask $0x300  }
0x4: {  	s28 =	rddreg [dreg:$0x3];
	v3 =	vimm.s32 $0x3380;
	vm1 =	vcmask $0x704;
	vm15 =	vcmask $0xB08  }
0x5: {  	s5 =	rddreg [dreg:$0x4];
	vm4 =	vcmask $0xF0C;
	v2 =	vsel vm0, $0x0, v2;
	v3 =	vsel vm0, $0x2000, v3  }
0x6: {  	s3 =	srdreg.scid;
	s6 =	stileid.u32;
	vm5 =	vcmask $0x1310;
	v2 =	vsel vm1, $0x80, v2;
	v3 =	vsel vm1, $0x2080, v3  }
0x7: {  	v0 =	vimm.s32 $0x0;
	s8 =	simm.s32 $0x7A1400;
	s9 =	simm.s32 $0x400;
	s10 =	simm.s32 $0x1400;
	v2 =	vsel vm15, $0x100, v2;
	v3 =	vsel vm15, $0x2100, v3  }
0x8: {  	vm6 =	vcmask $0x1714;
	s11 =	simm.s32 $0x2400;
	s12 =	simm.s32 $0x3400;
	s13 =	simm.s32 $0x4400;
	v2 =	vsel vm4, $0x180, v2;
	v3 =	vsel vm4, $0x2180, v3  }
0x9: {  	vm7 =	vcmask $0x1B18;
	s14 =	simm.s32 $0x5400;
	s15 =	simm.s32 $0x6400;
	s16 =	simm.s32 $0x7400;
	v2 =	vsel vm5, $0x200, v2;
	v3 =	vsel vm5, $0x2200, v3  }
0xa: {  	vm8 =	vcmask $0x1F1C;
	s17 =	simm.s32 $0x8400;
	s18 =	simm.s32 $0x9400;
	s19 =	simm.s32 $0xA400;
	v2 =	vsel vm6, $0x280, v2;
	v3 =	vsel vm6, $0x2280, v3  }
0xb: {  	vm9 =	vcmask $0x2320;
	s20 =	simm.s32 $0xB400;
	s21 =	simm.s32 $0xC400;
	s22 =	simm.s32 $0xD400;
	v2 =	vsel vm7, $0x300, v2;
	v3 =	vsel vm7, $0x2300, v3  }
0xc: {  	vm10 =	vcmask $0x2724;
	s23 =	simm.s32 $0xE400;
	s24 =	simm.s32 $0xF400;
	s25 =	simm.s32 $0x1;
	v2 =	vsel vm8, $0x380, v2;
	v3 =	vsel vm8, $0x2380, v3  }
0xd: {  	vm11 =	vcmask $0x2B28;
	s26 =	simm.s32 $0x10400;
	s29 =	simm.s32 $0x20000;
	[dreg:$0x6] =	wrdreg s2;
	v2 =	vsel vm9, $0x1000, v2;
	v3 =	vsel vm9, $0x3000, v3  }
0xe: {  	vm12 =	vcmask $0x2F2C;
	[dreg:$0x7] =	wrdreg s28;
	s2 =	simm.s32 $0x0;
	s3 =	sand.u32 $0x1, s3;
	v2 =	vsel vm10, $0x1080, v2;
	v3 =	vsel vm10, $0x3080, v3  }
0xf: {  	vm13 =	vcmask $0x3330;
	s6 =	sshll.u32 s6, $0xA;
	s4 =	ssub.s32 $0x2, s3;
	s3 =	sshll.u32 s3, $0x9;
	v2 =	vsel vm11, $0x1100, v2;
	v3 =	vsel vm11, $0x3100, v3  }
0x10: {  	vm14 =	vcmask $0x3734;
	s30 =	simm.s32 $0x0;
	[smem:$0x7FF] =	sst s2;
	s6 =	sor.u32 s3, s6;
	v2 =	vsel vm12, $0x1180, v2;
	v3 =	vsel vm12, $0x3180, v3  }
0x11: {  	v1 =	vmul.u32 $0x80, v1;
	s7 =	sshrl.u32 s4, $0x1;
	_ =	strace $0x80000047;
	s31 =	sshrl.u32 s6, $0x3;
	v2 =	vsel vm13, $0x1200, v2;
	v3 =	vsel vm13, $0x3200, v3  }
0x12: {  	vm15 =	vcmask $0x3B38;
	s7 =	ssub.s32 s4, s7;
	s5 =	sadd.s32 s5, s6;
	s3 =	sadd.s32 s0, s31;
	v4 =	vsel vm14, $0x1280, v2;
	v5 =	vsel vm14, $0x3280, v3  }
0x13: {  	s4 =	sadd.s32 s1, s31;
	s6 =	smax.u32 s7, $0x1;
	s7 =	simm.s32 $0x2;
	v2 =	vor.u32 $0x800, v1;
	v3 =	vsel vm15, $0x1300, v4;
	v4 =	vsel vm15, $0x3300, v5  }
.LBB2_1:
0x14: {  	[tilespmem:s2], [sflag:$0x2] =	stream.linear.gather [hbm4b:s3+s2], $0x200, $0x38;
	[tilespmem:$0x14400] =	vst v63  }
0x15: {  	_ =	swait.ge [sflag:s7], $0x200  }
0x16: {  	[sflag:s7] =	ssyncset.done $0x0  }
0x17: {  	s31 =	simm.s32 $0x200;
	[sflag:s7] =	ssyncadd.s32 $0xFFFFFE00  }
0x18: {  	[tilespmem:s31], [sflag:$0x2] =	stream.linear.gather [hbm4b:s4+s2], $0x200, $0x38;
	[tilespmem:$0x14400] =	vst v63  }
0x19: {  	_ =	swait.ge [sflag:s7], $0x200  }
0x1a: {  	[sflag:s7] =	ssyncset.done $0x0  }
0x1b: {  	s0 =	simm.s32 $0xF;
	s1 =	simm.s32 $0x0;
	[sflag:s7] =	ssyncadd.s32 $0xFFFFFE00  }
.LBB2_2:
0x1c: {  	v5 =	vld [tilespmem:s1+$0x0];
	_ =	sdelay $0x4  }
0x1d: {  	v6 =	vshra.s32 v5, $0x1F  }
0x1e: {  	v6 =	vshrl.u32 v6, $0x19  }
0x1f: {  	v6 =	vadd.s32 v6, v5  }
0x20: {  	v6 =	vshra.s32 v6, $0x7  }
0x21: {  	v7 =	vshll.u32 v6, $0x7  }
0x22: {  	vm0 =	vlt.s32 v5, $0x1;
	vm1 =	vne.s32 v5, v7  }
0x23: {  	vm0 =	vmand vm0, vm1  }
0x24: {  	v7 =	vsel vm0, $0xFFFFFFFF, v0  }
0x25: {  	v6 =	vadd.s32 v7, v6  }
0x26: {  	s28 =	rddreg [dreg:$0x6];
	v6 =	vshll.u32 v6, $0x7  }
0x27: {  	v6 =	vadd.s32 s28, v6  }
0x28: {  	(v2sf) =	vpush v6, $0x0;
	_ =	sdelay $0x1  }
0x29: {  	(v2sf) =	vpush v6, $0x1;
	_ =	sdelay $0x1  }
0x2a: {  	(v2sf) =	vpush v6, $0x2;
	_ =	sdelay $0x1  }
0x2b: {  	(v2sf) =	vpush v6, $0x3;
	_ =	sdelay $0x1  }
0x2c: {  	(v2sf) =	vpush v6, $0x4;
	_ =	sdelay $0x1  }
0x2d: {  	(v2sf) =	vpush v6, $0x5;
	_ =	sdelay $0x1  }
0x2e: {  	(v2sf) =	vpush v6, $0x6;
	_ =	sdelay $0x1  }
0x2f: {  	(v2sf) =	vpush v6, $0x7  }
0x30: {  	s28 =	spop (v2sf)  }
0x31: {  	(v2sf) =	vpush v6, $0x8;
	[tilespmem:s9], [sflag:$0x1] =	stream.strided.gather [hbm4b:s28+s9], $0x1000, s8, s9, $0x38;
	[tilespmem:$0x14400] =	vst v63  }
0x32: {  	s28 =	spop (v2sf)  }
0x33: {  	(v2sf) =	vpush v6, $0x9;
	[tilespmem:s10], [sflag:$0x1] =	stream.strided.gather [hbm4b:s28+s9], $0x1000, s8, s9, $0x38;
	[tilespmem:$0x14400] =	vst v63  }
0x34: {  	s28 =	spop (v2sf)  }
0x35: {  	(v2sf) =	vpush v6, $0xA;
	[tilespmem:s11], [sflag:$0x1] =	stream.strided.gather [hbm4b:s28+s9], $0x1000, s8, s9, $0x38;
	[tilespmem:$0x14400] =	vst v63  }
0x36: {  	s28 =	spop (v2sf)  }
0x37: {  	(v2sf) =	vpush v6, $0xB;
	[tilespmem:s12], [sflag:$0x1] =	stream.strided.gather [hbm4b:s28+s9], $0x1000, s8, s9, $0x38;
	[tilespmem:$0x14400] =	vst v63  }
0x38: {  	s28 =	spop (v2sf)  }
0x39: {  	(v2sf) =	vpush v6, $0xC;
	[tilespmem:s13], [sflag:$0x1] =	stream.strided.gather [hbm4b:s28+s9], $0x1000, s8, s9, $0x38;
	[tilespmem:$0x14400] =	vst v63  }
0x3a: {  	s28 =	spop (v2sf)  }
0x3b: {  	(v2sf) =	vpush v6, $0xD;
	[tilespmem:s14], [sflag:$0x1] =	stream.strided.gather [hbm4b:s28+s9], $0x1000, s8, s9, $0x38;
	[tilespmem:$0x14400] =	vst v63  }
0x3c: {  	s28 =	spop (v2sf)  }
0x3d: {  	(v2sf) =	vpush v6, $0xE;
	[tilespmem:s15], [sflag:$0x1] =	stream.strided.gather [hbm4b:s28+s9], $0x1000, s8, s9, $0x38;
	[tilespmem:$0x14400] =	vst v63  }
0x3e: {  	s28 =	spop (v2sf)  }
0x3f: {  	(v2sf) =	vpush v6, $0xF;
	[tilespmem:s16], [sflag:$0x1] =	stream.strided.gather [hbm4b:s28+s9], $0x1000, s8, s9, $0x38;
	[tilespmem:$0x14400] =	vst v63  }
0x40: {  	s28 =	spop (v2sf)  }
0x41: {  	[tilespmem:s17], [sflag:$0x1] =	stream.strided.gather [hbm4b:s28+s9], $0x1000, s8, s9, $0x38;
	[tilespmem:$0x14400] =	vst v63  }
0x42: {  	s28 =	spop (v2sf)  }
0x43: {  	[tilespmem:s18], [sflag:$0x1] =	stream.strided.gather [hbm4b:s28+s9], $0x1000, s8, s9, $0x38;
	[tilespmem:$0x14400] =	vst v63  }
0x44: {  	s28 =	spop (v2sf)  }
0x45: {  	[tilespmem:s19], [sflag:$0x1] =	stream.strided.gather [hbm4b:s28+s9], $0x1000, s8, s9, $0x38;
	[tilespmem:$0x14400] =	vst v63  }
0x46: {  	s28 =	spop (v2sf)  }
0x47: {  	[tilespmem:s20], [sflag:$0x1] =	stream.strided.gather [hbm4b:s28+s9], $0x1000, s8, s9, $0x38;
	[tilespmem:$0x14400] =	vst v63  }
0x48: {  	s28 =	spop (v2sf)  }
0x49: {  	[tilespmem:s21], [sflag:$0x1] =	stream.strided.gather [hbm4b:s28+s9], $0x1000, s8, s9, $0x38;
	[tilespmem:$0x14400] =	vst v63  }
0x4a: {  	s28 =	spop (v2sf)  }
0x4b: {  	[tilespmem:s22], [sflag:$0x1] =	stream.strided.gather [hbm4b:s28+s9], $0x1000, s8, s9, $0x38;
	[tilespmem:$0x14400] =	vst v63  }
0x4c: {  	s28 =	spop (v2sf)  }
0x4d: {  	[tilespmem:s23], [sflag:$0x1] =	stream.strided.gather [hbm4b:s28+s9], $0x1000, s8, s9, $0x38;
	[tilespmem:$0x14400] =	vst v63  }
0x4e: {  	s28 =	spop (v2sf)  }
0x4f: {  	[tilespmem:s24], [sflag:$0x1] =	stream.strided.gather [hbm4b:s28+s9], $0x1000, s8, s9, $0x38;
	[tilespmem:$0x14400] =	vst v63  }
0x50: {  	_ =	swait.ge [sflag:s25], $0x1000  }
0x51: {  	[sflag:s25] =	ssyncset.done $0x0  }
0x52: {  	[sflag:s25] =	ssyncadd.s32 $0xFFFFF000  }
0x53: {  	_ =	swait.ge [sflag:s25], $0x1000  }
0x54: {  	[sflag:s25] =	ssyncset.done $0x0  }
0x55: {  	[sflag:s25] =	ssyncadd.s32 $0xFFFFF000  }
0x56: {  	_ =	swait.ge [sflag:s25], $0x1000  }
0x57: {  	[sflag:s25] =	ssyncset.done $0x0  }
0x58: {  	[sflag:s25] =	ssyncadd.s32 $0xFFFFF000  }
0x59: {  	_ =	swait.ge [sflag:s25], $0x1000  }
0x5a: {  	[sflag:s25] =	ssyncset.done $0x0  }
0x5b: {  	[sflag:s25] =	ssyncadd.s32 $0xFFFFF000  }
0x5c: {  	_ =	swait.ge [sflag:s25], $0x1000  }
0x5d: {  	[sflag:s25] =	ssyncset.done $0x0  }
0x5e: {  	[sflag:s25] =	ssyncadd.s32 $0xFFFFF000  }
0x5f: {  	_ =	swait.ge [sflag:s25], $0x1000  }
0x60: {  	[sflag:s25] =	ssyncset.done $0x0  }
0x61: {  	[sflag:s25] =	ssyncadd.s32 $0xFFFFF000  }
0x62: {  	_ =	swait.ge [sflag:s25], $0x1000  }
0x63: {  	[sflag:s25] =	ssyncset.done $0x0  }
0x64: {  	[sflag:s25] =	ssyncadd.s32 $0xFFFFF000  }
0x65: {  	_ =	swait.ge [sflag:s25], $0x1000  }
0x66: {  	[sflag:s25] =	ssyncset.done $0x0  }
0x67: {  	[sflag:s25] =	ssyncadd.s32 $0xFFFFF000  }
0x68: {  	_ =	swait.ge [sflag:s25], $0x1000  }
0x69: {  	[sflag:s25] =	ssyncset.done $0x0  }
0x6a: {  	[sflag:s25] =	ssyncadd.s32 $0xFFFFF000  }
0x6b: {  	_ =	swait.ge [sflag:s25], $0x1000  }
0x6c: {  	[sflag:s25] =	ssyncset.done $0x0  }
0x6d: {  	[sflag:s25] =	ssyncadd.s32 $0xFFFFF000  }
0x6e: {  	_ =	swait.ge [sflag:s25], $0x1000  }
0x6f: {  	[sflag:s25] =	ssyncset.done $0x0  }
0x70: {  	[sflag:s25] =	ssyncadd.s32 $0xFFFFF000  }
0x71: {  	_ =	swait.ge [sflag:s25], $0x1000  }
0x72: {  	[sflag:s25] =	ssyncset.done $0x0  }
0x73: {  	[sflag:s25] =	ssyncadd.s32 $0xFFFFF000  }
0x74: {  	_ =	swait.ge [sflag:s25], $0x1000  }
0x75: {  	[sflag:s25] =	ssyncset.done $0x0  }
0x76: {  	[sflag:s25] =	ssyncadd.s32 $0xFFFFF000  }
0x77: {  	_ =	swait.ge [sflag:s25], $0x1000  }
0x78: {  	v34 =	vand.u32 $0x7F, v5;
	[sflag:s25] =	ssyncset.done $0x0  }
0x79: {  	v5 =	vbroadcast v34, $0x0;
	[sflag:s25] =	ssyncadd.s32 $0xFFFFF000  }
0x7a: {  	_ =	swait.ge [sflag:s25], $0x1000  }
0x7b: {  	v6 =	vor.u32 v1, v5;
	s28 =	sadd.s32 $0xFFFFFFF1, s0;
	[sflag:s25] =	ssyncset.done $0x0  }
0x7c: {  	v8 =	vor.u32 v2, v5;
	v7 =	vmov s28;
	[sflag:s25] =	ssyncadd.s32 $0xFFFFF000  }
0x7d: {  	v5 =	vshll.u32 v7, $0x3;
	_ =	swait.ge [sflag:s25], $0x1000  }
0x7e: {  	v7 =	vand.u32 $0x70, v7;
	v5 =	vand.u32 $0xC00, v5;
	[sflag:s25] =	ssyncset.done $0x0  }
0x7f: {  	v7 =	vor.u32 v7, v5;
	[sflag:s25] =	ssyncadd.s32 $0xFFFFF000  }
0x80: {  	v10 =	vbroadcast v34, $0x1;
	v5 =	vor.u32 v3, v7;
	v9 =	vld.idx.msk [tilespmem:v6+s9+$0x0], $0xffff  }
0x81: {  	v8 =	vld.idx.msk [tilespmem:v8+s9+$0x0], $0xffff;
	v6 =	vor.u32 v4, v7  }
0x82: {  	s28 =	sadd.s32 $0xFFFFFFF2, s0;
	v7 =	vor.u32 v1, v10  }
0x83: {  	v11 =	vmov s28;
	v10 =	vor.u32 v2, v10  }
0x84: {  	v12 =	vshll.u32 v11, $0x3  }
0x85: {  	v45 =	vand.u32 $0x71, v11;
	v46 =	vand.u32 $0xC00, v12;
	[tilespmem:v5+s26+$0x0] =	vst.idx.msk $0xffff, v9  }
0x86: {  	v47 =	vor.u32 v45, v46;
	[tilespmem:v6+s26+$0x0] =	vst.idx.msk $0xffff, v8  }
0x87: {  	v49 =	vbroadcast v34, $0x2;
	v48 =	vld.idx.msk [tilespmem:v7+s10+$0x0], $0xffff;
	v7 =	vor.u32 v3, v47  }
0x88: {  	v8 =	vor.u32 v4, v47;
	v10 =	vld.idx.msk [tilespmem:v10+s10+$0x0], $0xffff  }
0x89: {  	v50 =	vor.u32 v1, v49;
	s28 =	sadd.s32 $0xFFFFFFF3, s0  }
0x8a: {  	v13 =	vmov s28;
	v11 =	vor.u32 v2, v49  }
0x8b: {  	v14 =	vshll.u32 v13, $0x3  }
0x8c: {  	v51 =	vand.u32 $0x72, v13;
	v52 =	vand.u32 $0xC00, v14;
	[tilespmem:v7+s26+$0x0] =	vst.idx.msk $0xffff, v48  }
0x8d: {  	v53 =	vor.u32 v51, v52;
	[tilespmem:v8+s26+$0x0] =	vst.idx.msk $0xffff, v10  }
0x8e: {  	v54 =	vbroadcast v34, $0x3;
	v9 =	vor.u32 v3, v53;
	v12 =	vld.idx.msk [tilespmem:v50+s11+$0x0], $0xffff  }
0x8f: {  	v10 =	vor.u32 v4, v53;
	v11 =	vld.idx.msk [tilespmem:v11+s11+$0x0], $0xffff  }
0x90: {  	v55 =	vor.u32 v1, v54;
	s28 =	sadd.s32 $0xFFFFFFF4, s0  }
0x91: {  	v15 =	vmov s28;
	v13 =	vor.u32 v2, v54  }
0x92: {  	v16 =	vshll.u32 v15, $0x3  }
0x93: {  	v56 =	vand.u32 $0x73, v15;
	v57 =	vand.u32 $0xC00, v16;
	[tilespmem:v9+s26+$0x0] =	vst.idx.msk $0xffff, v12  }
0x94: {  	v12 =	vor.u32 v56, v57;
	[tilespmem:v10+s26+$0x0] =	vst.idx.msk $0xffff, v11  }
0x95: {  	v58 =	vbroadcast v34, $0x4;
	v11 =	vor.u32 v3, v12;
	v14 =	vld.idx.msk [tilespmem:v55+s12+$0x0], $0xffff  }
0x96: {  	v12 =	vor.u32 v4, v12;
	v13 =	vld.idx.msk [tilespmem:v13+s12+$0x0], $0xffff  }
0x97: {  	v59 =	vor.u32 v1, v58;
	s28 =	sadd.s32 $0xFFFFFFF5, s0  }
0x98: {  	v17 =	vmov s28;
	v15 =	vor.u32 v2, v58  }
0x99: {  	v18 =	vshll.u32 v17, $0x3  }
0x9a: {  	v60 =	vand.u32 $0x74, v17;
	v61 =	vand.u32 $0xC00, v18;
	[tilespmem:v11+s26+$0x0] =	vst.idx.msk $0xffff, v14  }
0x9b: {  	v14 =	vor.u32 v60, v61;
	[tilespmem:v12+s26+$0x0] =	vst.idx.msk $0xffff, v13  }
0x9c: {  	v62 =	vbroadcast v34, $0x5;
	v13 =	vor.u32 v3, v14;
	v16 =	vld.idx.msk [tilespmem:v59+s13+$0x0], $0xffff  }
0x9d: {  	v14 =	vor.u32 v4, v14;
	v15 =	vld.idx.msk [tilespmem:v15+s13+$0x0], $0xffff  }
0x9e: {  	v63 =	vor.u32 v1, v62;
	s28 =	sadd.s32 $0xFFFFFFF6, s0  }
0x9f: {  	v19 =	vmov s28;
	v17 =	vor.u32 v2, v62  }
0xa0: {  	v20 =	vshll.u32 v19, $0x3  }
0xa1: {  	v22 =	vand.u32 $0x75, v19;
	v23 =	vand.u32 $0xC00, v20;
	[tilespmem:v13+s26+$0x0] =	vst.idx.msk $0xffff, v16  }
0xa2: {  	v16 =	vor.u32 v22, v23;
	[tilespmem:v14+s26+$0x0] =	vst.idx.msk $0xffff, v15  }
0xa3: {  	v24 =	vbroadcast v34, $0x6;
	v15 =	vor.u32 v3, v16;
	v18 =	vld.idx.msk [tilespmem:v63+s14+$0x0], $0xffff  }
0xa4: {  	v16 =	vor.u32 v4, v16;
	v17 =	vld.idx.msk [tilespmem:v17+s14+$0x0], $0xffff  }
0xa5: {  	v25 =	vor.u32 v1, v24;
	s28 =	sadd.s32 $0xFFFFFFF7, s0  }
0xa6: {  	v21 =	vmov s28;
	v19 =	vor.u32 v2, v24  }
0xa7: {  	v22 =	vshll.u32 v21, $0x3  }
0xa8: {  	v26 =	vand.u32 $0x76, v21;
	v27 =	vand.u32 $0xC00, v22;
	[tilespmem:v15+s26+$0x0] =	vst.idx.msk $0xffff, v18  }
0xa9: {  	v18 =	vor.u32 v26, v27;
	[tilespmem:v16+s26+$0x0] =	vst.idx.msk $0xffff, v17  }
0xaa: {  	v28 =	vbroadcast v34, $0x7;
	v17 =	vor.u32 v3, v18;
	v20 =	vld.idx.msk [tilespmem:v25+s15+$0x0], $0xffff  }
0xab: {  	v18 =	vor.u32 v4, v18;
	v19 =	vld.idx.msk [tilespmem:v19+s15+$0x0], $0xffff  }
0xac: {  	v29 =	vor.u32 v1, v28;
	s28 =	sadd.s32 $0xFFFFFFF8, s0  }
0xad: {  	v23 =	vmov s28;
	v21 =	vor.u32 v2, v28  }
0xae: {  	v24 =	vshll.u32 v23, $0x3  }
0xaf: {  	v30 =	vand.u32 $0x77, v23;
	v31 =	vand.u32 $0xC00, v24;
	[tilespmem:v17+s26+$0x0] =	vst.idx.msk $0xffff, v20  }
0xb0: {  	v20 =	vor.u32 v30, v31;
	[tilespmem:v18+s26+$0x0] =	vst.idx.msk $0xffff, v19  }
0xb1: {  	v32 =	vbroadcast v34, $0x8;
	v19 =	vor.u32 v3, v20;
	v22 =	vld.idx.msk [tilespmem:v29+s16+$0x0], $0xffff  }
0xb2: {  	v20 =	vor.u32 v4, v20;
	v21 =	vld.idx.msk [tilespmem:v21+s16+$0x0], $0xffff  }
0xb3: {  	v33 =	vor.u32 v1, v32;
	s28 =	sadd.s32 $0xFFFFFFF9, s0  }
0xb4: {  	v23 =	vor.u32 v2, v32;
	v25 =	vmov s28  }
0xb5: {  	v26 =	vshll.u32 v25, $0x3  }
0xb6: {  	v35 =	vand.u32 $0x78, v25;
	v36 =	vand.u32 $0xC00, v26;
	[tilespmem:v19+s26+$0x0] =	vst.idx.msk $0xffff, v22  }
0xb7: {  	v22 =	vor.u32 v35, v36;
	[tilespmem:v20+s26+$0x0] =	vst.idx.msk $0xffff, v21  }
0xb8: {  	v37 =	vbroadcast v34, $0x9;
	v21 =	vor.u32 v3, v22;
	v24 =	vld.idx.msk [tilespmem:v33+s17+$0x0], $0xffff  }
0xb9: {  	v22 =	vor.u32 v4, v22;
	v23 =	vld.idx.msk [tilespmem:v23+s17+$0x0], $0xffff  }
0xba: {  	v38 =	vor.u32 v1, v37;
	s28 =	sadd.s32 $0xFFFFFFFA, s0  }
0xbb: {  	v27 =	vmov s28;
	v25 =	vor.u32 v2, v37  }
0xbc: {  	v28 =	vshll.u32 v27, $0x3  }
0xbd: {  	v39 =	vand.u32 $0x79, v27;
	v40 =	vand.u32 $0xC00, v28;
	[tilespmem:v21+s26+$0x0] =	vst.idx.msk $0xffff, v24  }
0xbe: {  	v24 =	vor.u32 v39, v40;
	[tilespmem:v22+s26+$0x0] =	vst.idx.msk $0xffff, v23  }
0xbf: {  	v41 =	vbroadcast v34, $0xA;
	v23 =	vor.u32 v3, v24;
	v26 =	vld.idx.msk [tilespmem:v38+s18+$0x0], $0xffff  }
0xc0: {  	v24 =	vor.u32 v4, v24;
	v25 =	vld.idx.msk [tilespmem:v25+s18+$0x0], $0xffff  }
0xc1: {  	v42 =	vor.u32 v1, v41;
	s28 =	sadd.s32 $0xFFFFFFFB, s0  }
0xc2: {  	v27 =	vor.u32 v2, v41;
	v29 =	vmov s28  }
0xc3: {  	v30 =	vshll.u32 v29, $0x3  }
0xc4: {  	v43 =	vand.u32 $0x7A, v29;
	v44 =	vand.u32 $0xC00, v30;
	[tilespmem:v23+s26+$0x0] =	vst.idx.msk $0xffff, v26  }
0xc5: {  	v26 =	vor.u32 v43, v44;
	[tilespmem:v24+s26+$0x0] =	vst.idx.msk $0xffff, v25  }
0xc6: {  	v45 =	vbroadcast v34, $0xB;
	v25 =	vor.u32 v3, v26;
	v28 =	vld.idx.msk [tilespmem:v42+s19+$0x0], $0xffff  }
0xc7: {  	v26 =	vor.u32 v4, v26;
	v27 =	vld.idx.msk [tilespmem:v27+s19+$0x0], $0xffff  }
0xc8: {  	v46 =	vor.u32 v1, v45;
	s28 =	sadd.s32 $0xFFFFFFFC, s0  }
0xc9: {  	v31 =	vmov s28;
	v29 =	vor.u32 v2, v45  }
0xca: {  	v32 =	vshll.u32 v31, $0x3  }
0xcb: {  	v47 =	vand.u32 $0x7B, v31;
	v48 =	vand.u32 $0xC00, v32;
	[tilespmem:v25+s26+$0x0] =	vst.idx.msk $0xffff, v28  }
0xcc: {  	v28 =	vor.u32 v47, v48;
	[tilespmem:v26+s26+$0x0] =	vst.idx.msk $0xffff, v27  }
0xcd: {  	v49 =	vbroadcast v34, $0xC;
	v27 =	vor.u32 v3, v28;
	v30 =	vld.idx.msk [tilespmem:v46+s20+$0x0], $0xffff  }
0xce: {  	v28 =	vor.u32 v4, v28;
	v29 =	vld.idx.msk [tilespmem:v29+s20+$0x0], $0xffff  }
0xcf: {  	v50 =	vor.u32 v1, v49;
	s28 =	sadd.s32 $0xFFFFFFFD, s0  }
0xd0: {  	v31 =	vor.u32 v2, v49;
	v33 =	vmov s28  }
0xd1: {  	v35 =	vshll.u32 v33, $0x3  }
0xd2: {  	v51 =	vand.u32 $0x7C, v33;
	v52 =	vand.u32 $0xC00, v35;
	[tilespmem:v27+s26+$0x0] =	vst.idx.msk $0xffff, v30  }
0xd3: {  	v30 =	vor.u32 v51, v52;
	[tilespmem:v28+s26+$0x0] =	vst.idx.msk $0xffff, v29  }
0xd4: {  	v53 =	vbroadcast v34, $0xD;
	v29 =	vor.u32 v3, v30;
	v32 =	vld.idx.msk [tilespmem:v50+s21+$0x0], $0xffff  }
0xd5: {  	v30 =	vor.u32 v4, v30;
	v31 =	vld.idx.msk [tilespmem:v31+s21+$0x0], $0xffff  }
0xd6: {  	v54 =	vor.u32 v1, v53;
	s28 =	sadd.s32 $0xFFFFFFFE, s0  }
0xd7: {  	v36 =	vmov s28;
	v33 =	vor.u32 v2, v53  }
0xd8: {  	v37 =	vshll.u32 v36, $0x3  }
0xd9: {  	v55 =	vand.u32 $0x7D, v36;
	v56 =	vand.u32 $0xC00, v37;
	[tilespmem:v29+s26+$0x0] =	vst.idx.msk $0xffff, v32  }
0xda: {  	v32 =	vor.u32 v55, v56;
	[tilespmem:v30+s26+$0x0] =	vst.idx.msk $0xffff, v31  }
0xdb: {  	v57 =	vbroadcast v34, $0xE;
	v31 =	vor.u32 v3, v32;
	v35 =	vld.idx.msk [tilespmem:v54+s22+$0x0], $0xffff  }
0xdc: {  	v32 =	vor.u32 v4, v32;
	v33 =	vld.idx.msk [tilespmem:v33+s22+$0x0], $0xffff  }
0xdd: {  	v58 =	vor.u32 v1, v57;
	s28 =	sadd.s32 $0xFFFFFFFF, s0  }
0xde: {  	v36 =	vor.u32 v2, v57;
	v38 =	vmov s28  }
0xdf: {  	v39 =	vshll.u32 v38, $0x3  }
0xe0: {  	v59 =	vand.u32 $0x7E, v38;
	v60 =	vand.u32 $0xC00, v39;
	[tilespmem:v31+s26+$0x0] =	vst.idx.msk $0xffff, v35  }
0xe1: {  	v35 =	vor.u32 v59, v60;
	[tilespmem:v32+s26+$0x0] =	vst.idx.msk $0xffff, v33  }
0xe2: {  	v61 =	vbroadcast v34, $0xF;
	v33 =	vor.u32 v3, v35;
	v37 =	vld.idx.msk [tilespmem:v58+s23+$0x0], $0xffff  }
0xe3: {  	v34 =	vor.u32 v4, v35;
	v36 =	vld.idx.msk [tilespmem:v36+s23+$0x0], $0xffff  }
0xe4: {  	v62 =	vor.u32 v1, v61  }
0xe5: {  	v63 =	vmov s0;
	v38 =	vor.u32 v2, v61  }
0xe6: {  	v40 =	vshll.u32 v63, $0x3  }
0xe7: {  	v43 =	vand.u32 $0xC00, v40;
	v42 =	vand.u32 $0x7F, v63;
	[tilespmem:v33+s26+$0x0] =	vst.idx.msk $0xffff, v37  }
0xe8: {  	v44 =	vor.u32 v42, v43;
	[tilespmem:v34+s26+$0x0] =	vst.idx.msk $0xffff, v36  }
0xe9: {  	v35 =	vor.u32 v3, v44;
	v45 =	vld.idx.msk [tilespmem:v62+s24+$0x0], $0xffff  }
0xea: {  	v36 =	vor.u32 v4, v44;
	v38 =	vld.idx.msk [tilespmem:v38+s24+$0x0], $0xffff;
	_ =	sdelay $0x3  }
0xeb: {  	[tilespmem:v35+s26+$0x0] =	vst.idx.msk $0xffff, v45  }
0xec: {  	[tilespmem:v36+s26+$0x0] =	vst.idx.msk $0xffff, v38  }
0xed: {  	v37 =	vld [tilespmem:s31+$0x0];
	_ =	sdelay $0x4  }
0xee: {  	v46 =	vshra.s32 v37, $0x1F  }
0xef: {  	v38 =	vshrl.u32 v46, $0x19  }
0xf0: {  	v38 =	vadd.s32 v38, v37  }
0xf1: {  	v47 =	vand.u32 $0xFFFFFF80, v38  }
0xf2: {  	vm14 =	vlt.s32 v37, $0x1;
	vm15 =	vne.s32 v37, v47  }
0xf3: {  	vm0 =	vmand vm14, vm15  }
0xf4: {  	v38 =	vshrl.u32 v38, $0x7;
	v48 =	vsel vm0, $0xFFFFFFFF, v0  }
0xf5: {  	v38 =	vadd.s32 v48, v38  }
0xf6: {  	s28 =	rddreg [dreg:$0x7];
	v38 =	vshll.u32 v38, $0x7  }
0xf7: {  	v38 =	vadd.s32 s28, v38  }
0xf8: {  	(v2sf) =	vpush v38, $0x0;
	_ =	sdelay $0x1  }
0xf9: {  	(v2sf) =	vpush v38, $0x1;
	_ =	sdelay $0x1  }
0xfa: {  	(v2sf) =	vpush v38, $0x2;
	_ =	sdelay $0x1  }
0xfb: {  	(v2sf) =	vpush v38, $0x3;
	_ =	sdelay $0x1  }
0xfc: {  	(v2sf) =	vpush v38, $0x4;
	_ =	sdelay $0x1  }
0xfd: {  	(v2sf) =	vpush v38, $0x5;
	_ =	sdelay $0x1  }
0xfe: {  	(v2sf) =	vpush v38, $0x6;
	_ =	sdelay $0x1  }
0xff: {  	(v2sf) =	vpush v38, $0x7  }
0x100: {  	s28 =	spop (v2sf)  }
0x101: {  	(v2sf) =	vpush v38, $0x8;
	[tilespmem:s9], [sflag:$0x1] =	stream.strided.gather [hbm4b:s28+s9], $0x1000, s8, s9, $0x38;
	[tilespmem:$0x14400] =	vst v63  }
0x102: {  	s28 =	spop (v2sf)  }
0x103: {  	(v2sf) =	vpush v38, $0x9;
	[tilespmem:s10], [sflag:$0x1] =	stream.strided.gather [hbm4b:s28+s9], $0x1000, s8, s9, $0x38;
	[tilespmem:$0x14400] =	vst v63  }
0x104: {  	s28 =	spop (v2sf)  }
0x105: {  	(v2sf) =	vpush v38, $0xA;
	[tilespmem:s11], [sflag:$0x1] =	stream.strided.gather [hbm4b:s28+s9], $0x1000, s8, s9, $0x38;
	[tilespmem:$0x14400] =	vst v63  }
0x106: {  	s28 =	spop (v2sf)  }
0x107: {  	(v2sf) =	vpush v38, $0xB;
	[tilespmem:s12], [sflag:$0x1] =	stream.strided.gather [hbm4b:s28+s9], $0x1000, s8, s9, $0x38;
	[tilespmem:$0x14400] =	vst v63  }
0x108: {  	s28 =	spop (v2sf)  }
0x109: {  	(v2sf) =	vpush v38, $0xC;
	[tilespmem:s13], [sflag:$0x1] =	stream.strided.gather [hbm4b:s28+s9], $0x1000, s8, s9, $0x38;
	[tilespmem:$0x14400] =	vst v63  }
0x10a: {  	s28 =	spop (v2sf)  }
0x10b: {  	(v2sf) =	vpush v38, $0xD;
	[tilespmem:s14], [sflag:$0x1] =	stream.strided.gather [hbm4b:s28+s9], $0x1000, s8, s9, $0x38;
	[tilespmem:$0x14400] =	vst v63  }
0x10c: {  	s28 =	spop (v2sf)  }
0x10d: {  	(v2sf) =	vpush v38, $0xE;
	[tilespmem:s15], [sflag:$0x1] =	stream.strided.gather [hbm4b:s28+s9], $0x1000, s8, s9, $0x38;
	[tilespmem:$0x14400] =	vst v63  }
0x10e: {  	s28 =	spop (v2sf)  }
0x10f: {  	(v2sf) =	vpush v38, $0xF;
	[tilespmem:s16], [sflag:$0x1] =	stream.strided.gather [hbm4b:s28+s9], $0x1000, s8, s9, $0x38;
	[tilespmem:$0x14400] =	vst v63  }
0x110: {  	s28 =	spop (v2sf)  }
0x111: {  	[tilespmem:s17], [sflag:$0x1] =	stream.strided.gather [hbm4b:s28+s9], $0x1000, s8, s9, $0x38;
	[tilespmem:$0x14400] =	vst v63  }
0x112: {  	s28 =	spop (v2sf)  }
0x113: {  	[tilespmem:s18], [sflag:$0x1] =	stream.strided.gather [hbm4b:s28+s9], $0x1000, s8, s9, $0x38;
	[tilespmem:$0x14400] =	vst v63  }
0x114: {  	s28 =	spop (v2sf)  }
0x115: {  	[tilespmem:s19], [sflag:$0x1] =	stream.strided.gather [hbm4b:s28+s9], $0x1000, s8, s9, $0x38;
	[tilespmem:$0x14400] =	vst v63  }
0x116: {  	s28 =	spop (v2sf)  }
0x117: {  	[tilespmem:s20], [sflag:$0x1] =	stream.strided.gather [hbm4b:s28+s9], $0x1000, s8, s9, $0x38;
	[tilespmem:$0x14400] =	vst v63  }
0x118: {  	s28 =	spop (v2sf)  }
0x119: {  	[tilespmem:s21], [sflag:$0x1] =	stream.strided.gather [hbm4b:s28+s9], $0x1000, s8, s9, $0x38;
	[tilespmem:$0x14400] =	vst v63  }
0x11a: {  	s28 =	spop (v2sf)  }
0x11b: {  	[tilespmem:s22], [sflag:$0x1] =	stream.strided.gather [hbm4b:s28+s9], $0x1000, s8, s9, $0x38;
	[tilespmem:$0x14400] =	vst v63  }
0x11c: {  	s28 =	spop (v2sf)  }
0x11d: {  	[tilespmem:s23], [sflag:$0x1] =	stream.strided.gather [hbm4b:s28+s9], $0x1000, s8, s9, $0x38;
	[tilespmem:$0x14400] =	vst v63  }
0x11e: {  	s28 =	spop (v2sf)  }
0x11f: {  	[tilespmem:s24], [sflag:$0x1] =	stream.strided.gather [hbm4b:s28+s9], $0x1000, s8, s9, $0x38;
	[tilespmem:$0x14400] =	vst v63  }
0x120: {  	_ =	swait.ge [sflag:s25], $0x1000  }
0x121: {  	[sflag:s25] =	ssyncset.done $0x0  }
0x122: {  	[sflag:s25] =	ssyncadd.s32 $0xFFFFF000  }
0x123: {  	_ =	swait.ge [sflag:s25], $0x1000  }
0x124: {  	[sflag:s25] =	ssyncset.done $0x0  }
0x125: {  	[sflag:s25] =	ssyncadd.s32 $0xFFFFF000  }
0x126: {  	_ =	swait.ge [sflag:s25], $0x1000  }
0x127: {  	[sflag:s25] =	ssyncset.done $0x0  }
0x128: {  	[sflag:s25] =	ssyncadd.s32 $0xFFFFF000  }
0x129: {  	_ =	swait.ge [sflag:s25], $0x1000  }
0x12a: {  	[sflag:s25] =	ssyncset.done $0x0  }
0x12b: {  	[sflag:s25] =	ssyncadd.s32 $0xFFFFF000  }
0x12c: {  	_ =	swait.ge [sflag:s25], $0x1000  }
0x12d: {  	[sflag:s25] =	ssyncset.done $0x0  }
0x12e: {  	[sflag:s25] =	ssyncadd.s32 $0xFFFFF000  }
0x12f: {  	_ =	swait.ge [sflag:s25], $0x1000  }
0x130: {  	[sflag:s25] =	ssyncset.done $0x0  }
0x131: {  	[sflag:s25] =	ssyncadd.s32 $0xFFFFF000  }
0x132: {  	_ =	swait.ge [sflag:s25], $0x1000  }
0x133: {  	[sflag:s25] =	ssyncset.done $0x0  }
0x134: {  	[sflag:s25] =	ssyncadd.s32 $0xFFFFF000  }
0x135: {  	_ =	swait.ge [sflag:s25], $0x1000  }
0x136: {  	[sflag:s25] =	ssyncset.done $0x0  }
0x137: {  	[sflag:s25] =	ssyncadd.s32 $0xFFFFF000  }
0x138: {  	_ =	swait.ge [sflag:s25], $0x1000  }
0x139: {  	[sflag:s25] =	ssyncset.done $0x0  }
0x13a: {  	[sflag:s25] =	ssyncadd.s32 $0xFFFFF000  }
0x13b: {  	_ =	swait.ge [sflag:s25], $0x1000  }
0x13c: {  	[sflag:s25] =	ssyncset.done $0x0  }
0x13d: {  	[sflag:s25] =	ssyncadd.s32 $0xFFFFF000  }
0x13e: {  	_ =	swait.ge [sflag:s25], $0x1000  }
0x13f: {  	[sflag:s25] =	ssyncset.done $0x0  }
0x140: {  	[sflag:s25] =	ssyncadd.s32 $0xFFFFF000  }
0x141: {  	_ =	swait.ge [sflag:s25], $0x1000  }
0x142: {  	[sflag:s25] =	ssyncset.done $0x0  }
0x143: {  	[sflag:s25] =	ssyncadd.s32 $0xFFFFF000  }
0x144: {  	_ =	swait.ge [sflag:s25], $0x1000  }
0x145: {  	[sflag:s25] =	ssyncset.done $0x0  }
0x146: {  	[sflag:s25] =	ssyncadd.s32 $0xFFFFF000  }
0x147: {  	_ =	swait.ge [sflag:s25], $0x1000  }
0x148: {  	v37 =	vand.u32 $0x7F, v37;
	[sflag:s25] =	ssyncset.done $0x0  }
0x149: {  	v49 =	vbroadcast v37, $0x0;
	[sflag:s25] =	ssyncadd.s32 $0xFFFFF000  }
0x14a: {  	_ =	swait.ge [sflag:s25], $0x1000  }
0x14b: {  	v50 =	vor.u32 v1, v49;
	[sflag:s25] =	ssyncset.done $0x0  }
0x14c: {  	v38 =	vor.u32 v2, v49;
	[sflag:s25] =	ssyncadd.s32 $0xFFFFF000  }
0x14d: {  	_ =	swait.ge [sflag:s25], $0x1000  }
0x14e: {  	[sflag:s25] =	ssyncset.done $0x0  }
0x14f: {  	[sflag:s25] =	ssyncadd.s32 $0xFFFFF000  }
0x150: {  	v39 =	vld.idx.msk [tilespmem:v50+s9+$0x0], $0xffff  }
0x151: {  	v38 =	vld.idx.msk [tilespmem:v38+s9+$0x0], $0xffff  }
0x152: {  	v51 =	vld.idx.msk [tilespmem:v5+s26+$0x0], $0xffff  }
0x153: {  	v41 =	vld.idx.msk [tilespmem:v6+s26+$0x0], $0xffff  }
0x154: {  	v42 =	vbroadcast v37, $0x1;
	_ =	sdelay $0x1  }
0x155: {  	v43 =	vor.u32 v1, v42  }
0x156: {  	v52 =	vor.u32 v2, v42;
	v39 =	vmul.f32 v51, v39  }
0x157: {  	v38 =	vmul.f32 v41, v38  }
0x158: {  	[tilespmem:v5+s26+$0x0] =	vst.idx.msk $0xffff, v39  }
0x159: {  	[tilespmem:v6+s26+$0x0] =	vst.idx.msk $0xffff, v38  }
0x15a: {  	v5 =	vld.idx.msk [tilespmem:v43+s10+$0x0], $0xffff  }
0x15b: {  	v6 =	vld.idx.msk [tilespmem:v52+s10+$0x0], $0xffff  }
0x15c: {  	v38 =	vld.idx.msk [tilespmem:v7+s26+$0x0], $0xffff  }
0x15d: {  	v39 =	vld.idx.msk [tilespmem:v8+s26+$0x0], $0xffff  }
0x15e: {  	v53 =	vbroadcast v37, $0x2;
	_ =	sdelay $0x1  }
0x15f: {  	v54 =	vor.u32 v1, v53  }
0x160: {  	v55 =	vor.u32 v2, v53;
	v5 =	vmul.f32 v38, v5  }
0x161: {  	v6 =	vmul.f32 v39, v6  }
0x162: {  	[tilespmem:v7+s26+$0x0] =	vst.idx.msk $0xffff, v5  }
0x163: {  	[tilespmem:v8+s26+$0x0] =	vst.idx.msk $0xffff, v6  }
0x164: {  	v5 =	vld.idx.msk [tilespmem:v54+s11+$0x0], $0xffff  }
0x165: {  	v6 =	vld.idx.msk [tilespmem:v55+s11+$0x0], $0xffff  }
0x166: {  	v7 =	vld.idx.msk [tilespmem:v9+s26+$0x0], $0xffff  }
0x167: {  	v8 =	vld.idx.msk [tilespmem:v10+s26+$0x0], $0xffff  }
0x168: {  	v56 =	vbroadcast v37, $0x3;
	_ =	sdelay $0x1  }
0x169: {  	v57 =	vor.u32 v1, v56  }
0x16a: {  	v5 =	vmul.f32 v7, v5;
	v7 =	vor.u32 v2, v56  }
0x16b: {  	v6 =	vmul.f32 v8, v6  }
0x16c: {  	[tilespmem:v9+s26+$0x0] =	vst.idx.msk $0xffff, v5  }
0x16d: {  	[tilespmem:v10+s26+$0x0] =	vst.idx.msk $0xffff, v6  }
0x16e: {  	v5 =	vld.idx.msk [tilespmem:v57+s12+$0x0], $0xffff  }
0x16f: {  	v6 =	vld.idx.msk [tilespmem:v7+s12+$0x0], $0xffff  }
0x170: {  	v7 =	vld.idx.msk [tilespmem:v11+s26+$0x0], $0xffff  }
0x171: {  	v58 =	vld.idx.msk [tilespmem:v12+s26+$0x0], $0xffff  }
0x172: {  	v59 =	vbroadcast v37, $0x4;
	_ =	sdelay $0x1  }
0x173: {  	v60 =	vor.u32 v1, v59  }
0x174: {  	v5 =	vmul.f32 v7, v5;
	v7 =	vor.u32 v2, v59  }
0x175: {  	v6 =	vmul.f32 v58, v6  }
0x176: {  	[tilespmem:v11+s26+$0x0] =	vst.idx.msk $0xffff, v5  }
0x177: {  	[tilespmem:v12+s26+$0x0] =	vst.idx.msk $0xffff, v6  }
0x178: {  	v5 =	vld.idx.msk [tilespmem:v60+s13+$0x0], $0xffff  }
0x179: {  	v6 =	vld.idx.msk [tilespmem:v7+s13+$0x0], $0xffff  }
0x17a: {  	v7 =	vld.idx.msk [tilespmem:v13+s26+$0x0], $0xffff  }
0x17b: {  	v61 =	vld.idx.msk [tilespmem:v14+s26+$0x0], $0xffff  }
0x17c: {  	v62 =	vbroadcast v37, $0x5;
	_ =	sdelay $0x1  }
0x17d: {  	v63 =	vor.u32 v1, v62  }
0x17e: {  	v5 =	vmul.f32 v7, v5;
	v7 =	vor.u32 v2, v62  }
0x17f: {  	v6 =	vmul.f32 v61, v6  }
0x180: {  	[tilespmem:v13+s26+$0x0] =	vst.idx.msk $0xffff, v5  }
0x181: {  	[tilespmem:v14+s26+$0x0] =	vst.idx.msk $0xffff, v6  }
0x182: {  	v5 =	vld.idx.msk [tilespmem:v63+s14+$0x0], $0xffff  }
0x183: {  	v6 =	vld.idx.msk [tilespmem:v7+s14+$0x0], $0xffff  }
0x184: {  	v7 =	vld.idx.msk [tilespmem:v15+s26+$0x0], $0xffff  }
0x185: {  	v12 =	vld.idx.msk [tilespmem:v16+s26+$0x0], $0xffff  }
0x186: {  	v13 =	vbroadcast v37, $0x6;
	_ =	sdelay $0x1  }
0x187: {  	v14 =	vor.u32 v1, v13  }
0x188: {  	v5 =	vmul.f32 v7, v5;
	v7 =	vor.u32 v2, v13  }
0x189: {  	v6 =	vmul.f32 v12, v6  }
0x18a: {  	[tilespmem:v15+s26+$0x0] =	vst.idx.msk $0xffff, v5  }
0x18b: {  	[tilespmem:v16+s26+$0x0] =	vst.idx.msk $0xffff, v6  }
0x18c: {  	v5 =	vld.idx.msk [tilespmem:v14+s15+$0x0], $0xffff  }
0x18d: {  	v6 =	vld.idx.msk [tilespmem:v7+s15+$0x0], $0xffff  }
0x18e: {  	v7 =	vld.idx.msk [tilespmem:v17+s26+$0x0], $0xffff  }
0x18f: {  	v15 =	vld.idx.msk [tilespmem:v18+s26+$0x0], $0xffff  }
0x190: {  	v16 =	vbroadcast v37, $0x7;
	_ =	sdelay $0x1  }
0x191: {  	v38 =	vor.u32 v1, v16  }
0x192: {  	v5 =	vmul.f32 v7, v5;
	v7 =	vor.u32 v2, v16  }
0x193: {  	v6 =	vmul.f32 v15, v6  }
0x194: {  	[tilespmem:v17+s26+$0x0] =	vst.idx.msk $0xffff, v5  }
0x195: {  	[tilespmem:v18+s26+$0x0] =	vst.idx.msk $0xffff, v6  }
0x196: {  	v5 =	vld.idx.msk [tilespmem:v38+s16+$0x0], $0xffff  }
0x197: {  	v6 =	vld.idx.msk [tilespmem:v7+s16+$0x0], $0xffff  }
0x198: {  	v7 =	vld.idx.msk [tilespmem:v19+s26+$0x0], $0xffff  }
0x199: {  	v39 =	vld.idx.msk [tilespmem:v20+s26+$0x0], $0xffff  }
0x19a: {  	v40 =	vbroadcast v37, $0x8;
	_ =	sdelay $0x1  }
0x19b: {  	v41 =	vor.u32 v1, v40  }
0x19c: {  	v5 =	vmul.f32 v7, v5;
	v7 =	vor.u32 v2, v40  }
0x19d: {  	v6 =	vmul.f32 v39, v6  }
0x19e: {  	[tilespmem:v19+s26+$0x0] =	vst.idx.msk $0xffff, v5  }
0x19f: {  	[tilespmem:v20+s26+$0x0] =	vst.idx.msk $0xffff, v6  }
0x1a0: {  	v5 =	vld.idx.msk [tilespmem:v41+s17+$0x0], $0xffff  }
0x1a1: {  	v6 =	vld.idx.msk [tilespmem:v7+s17+$0x0], $0xffff  }
0x1a2: {  	v7 =	vld.idx.msk [tilespmem:v21+s26+$0x0], $0xffff  }
0x1a3: {  	v42 =	vld.idx.msk [tilespmem:v22+s26+$0x0], $0xffff  }
0x1a4: {  	v43 =	vbroadcast v37, $0x9;
	_ =	sdelay $0x1  }
0x1a5: {  	v44 =	vor.u32 v1, v43  }
0x1a6: {  	v5 =	vmul.f32 v7, v5;
	v7 =	vor.u32 v2, v43  }
0x1a7: {  	v6 =	vmul.f32 v42, v6  }
0x1a8: {  	[tilespmem:v21+s26+$0x0] =	vst.idx.msk $0xffff, v5  }
0x1a9: {  	[tilespmem:v22+s26+$0x0] =	vst.idx.msk $0xffff, v6  }
0x1aa: {  	v5 =	vld.idx.msk [tilespmem:v44+s18+$0x0], $0xffff  }
0x1ab: {  	v6 =	vld.idx.msk [tilespmem:v7+s18+$0x0], $0xffff  }
0x1ac: {  	v7 =	vld.idx.msk [tilespmem:v23+s26+$0x0], $0xffff  }
0x1ad: {  	v45 =	vld.idx.msk [tilespmem:v24+s26+$0x0], $0xffff  }
0x1ae: {  	v46 =	vbroadcast v37, $0xA;
	_ =	sdelay $0x1  }
0x1af: {  	v47 =	vor.u32 v1, v46  }
0x1b0: {  	v5 =	vmul.f32 v7, v5;
	v7 =	vor.u32 v2, v46  }
0x1b1: {  	v6 =	vmul.f32 v45, v6  }
0x1b2: {  	[tilespmem:v23+s26+$0x0] =	vst.idx.msk $0xffff, v5  }
0x1b3: {  	[tilespmem:v24+s26+$0x0] =	vst.idx.msk $0xffff, v6  }
0x1b4: {  	v5 =	vld.idx.msk [tilespmem:v47+s19+$0x0], $0xffff  }
0x1b5: {  	v6 =	vld.idx.msk [tilespmem:v7+s19+$0x0], $0xffff  }
0x1b6: {  	v7 =	vld.idx.msk [tilespmem:v25+s26+$0x0], $0xffff  }
0x1b7: {  	v48 =	vld.idx.msk [tilespmem:v26+s26+$0x0], $0xffff  }
0x1b8: {  	v49 =	vbroadcast v37, $0xB;
	_ =	sdelay $0x1  }
0x1b9: {  	v50 =	vor.u32 v1, v49  }
0x1ba: {  	v5 =	vmul.f32 v7, v5;
	v7 =	vor.u32 v2, v49  }
0x1bb: {  	v6 =	vmul.f32 v48, v6  }
0x1bc: {  	[tilespmem:v25+s26+$0x0] =	vst.idx.msk $0xffff, v5  }
0x1bd: {  	[tilespmem:v26+s26+$0x0] =	vst.idx.msk $0xffff, v6  }
0x1be: {  	v5 =	vld.idx.msk [tilespmem:v50+s20+$0x0], $0xffff  }
0x1bf: {  	v6 =	vld.idx.msk [tilespmem:v7+s20+$0x0], $0xffff  }
0x1c0: {  	v7 =	vld.idx.msk [tilespmem:v27+s26+$0x0], $0xffff  }
0x1c1: {  	v51 =	vld.idx.msk [tilespmem:v28+s26+$0x0], $0xffff  }
0x1c2: {  	v52 =	vbroadcast v37, $0xC;
	_ =	sdelay $0x1  }
0x1c3: {  	v53 =	vor.u32 v1, v52  }
0x1c4: {  	v5 =	vmul.f32 v7, v5;
	v7 =	vor.u32 v2, v52  }
0x1c5: {  	v6 =	vmul.f32 v51, v6  }
0x1c6: {  	[tilespmem:v27+s26+$0x0] =	vst.idx.msk $0xffff, v5  }
0x1c7: {  	[tilespmem:v28+s26+$0x0] =	vst.idx.msk $0xffff, v6  }
0x1c8: {  	v5 =	vld.idx.msk [tilespmem:v53+s21+$0x0], $0xffff  }
0x1c9: {  	v6 =	vld.idx.msk [tilespmem:v7+s21+$0x0], $0xffff  }
0x1ca: {  	v7 =	vld.idx.msk [tilespmem:v29+s26+$0x0], $0xffff  }
0x1cb: {  	v54 =	vld.idx.msk [tilespmem:v30+s26+$0x0], $0xffff  }
0x1cc: {  	v55 =	vbroadcast v37, $0xD;
	_ =	sdelay $0x1  }
0x1cd: {  	v56 =	vor.u32 v1, v55  }
0x1ce: {  	v5 =	vmul.f32 v7, v5;
	v7 =	vor.u32 v2, v55  }
0x1cf: {  	v6 =	vmul.f32 v54, v6  }
0x1d0: {  	[tilespmem:v29+s26+$0x0] =	vst.idx.msk $0xffff, v5  }
0x1d1: {  	[tilespmem:v30+s26+$0x0] =	vst.idx.msk $0xffff, v6  }
0x1d2: {  	v5 =	vld.idx.msk [tilespmem:v56+s22+$0x0], $0xffff  }
0x1d3: {  	v6 =	vld.idx.msk [tilespmem:v7+s22+$0x0], $0xffff  }
0x1d4: {  	v7 =	vld.idx.msk [tilespmem:v31+s26+$0x0], $0xffff  }
0x1d5: {  	v57 =	vld.idx.msk [tilespmem:v32+s26+$0x0], $0xffff  }
0x1d6: {  	v58 =	vbroadcast v37, $0xE;
	_ =	sdelay $0x1  }
0x1d7: {  	v59 =	vor.u32 v1, v58  }
0x1d8: {  	v5 =	vmul.f32 v7, v5;
	v7 =	vor.u32 v2, v58  }
0x1d9: {  	v6 =	vmul.f32 v57, v6  }
0x1da: {  	[tilespmem:v31+s26+$0x0] =	vst.idx.msk $0xffff, v5  }
0x1db: {  	[tilespmem:v32+s26+$0x0] =	vst.idx.msk $0xffff, v6  }
0x1dc: {  	v5 =	vld.idx.msk [tilespmem:v59+s23+$0x0], $0xffff  }
0x1dd: {  	v6 =	vld.idx.msk [tilespmem:v7+s23+$0x0], $0xffff  }
0x1de: {  	v7 =	vld.idx.msk [tilespmem:v33+s26+$0x0], $0xffff  }
0x1df: {  	v60 =	vld.idx.msk [tilespmem:v34+s26+$0x0], $0xffff  }
0x1e0: {  	v61 =	vbroadcast v37, $0xF;
	_ =	sdelay $0x1  }
0x1e1: {  	v62 =	vor.u32 v1, v61  }
0x1e2: {  	v5 =	vmul.f32 v7, v5;
	v7 =	vor.u32 v2, v61  }
0x1e3: {  	v6 =	vmul.f32 v60, v6  }
0x1e4: {  	[tilespmem:v33+s26+$0x0] =	vst.idx.msk $0xffff, v5  }
0x1e5: {  	[tilespmem:v34+s26+$0x0] =	vst.idx.msk $0xffff, v6  }
0x1e6: {  	v5 =	vld.idx.msk [tilespmem:v62+s24+$0x0], $0xffff  }
0x1e7: {  	v6 =	vld.idx.msk [tilespmem:v7+s24+$0x0], $0xffff  }
0x1e8: {  	v7 =	vld.idx.msk [tilespmem:v35+s26+$0x0], $0xffff  }
0x1e9: {  	v63 =	vld.idx.msk [tilespmem:v36+s26+$0x0], $0xffff;
	_ =	sdelay $0x1  }
0x1ea: {  	p0 =	sne.s32 s0, $0x1FF  }
.Ltmp0:
0x1eb: {  	_ = 	snop;
	(pc) =	sbr.rel @p0 .LBB2_2-.Ltmp0, $4  }
0x1ec: {  	v5 =	vmul.f32 v7, v5  }
0x1ed: {  	v6 =	vmul.f32 v63, v6  }
0x1ee: {  	[tilespmem:v35+s26+$0x0] =	vst.idx.msk $0xffff, v5  }
0x1ef: {  	s1 =	sadd.s32 $0x10, s1;
	s0 =	sadd.s32 $0x10, s0;
	s31 =	sadd.s32 $0x10, s31;
	[tilespmem:v36+s26+$0x0] =	vst.idx.msk $0xffff, v6  }
0x1f0: {  	s30 =	sadd.s32 $0x1, s30  }
0x1f1: {  	p0 =	sne.s32 s30, s6  }
.Ltmp1:
0x1f2: {  	s0 =	simm.s32 $0x1000;
	(pc) =	sbr.rel @p0 .LBB2_1-.Ltmp1, $4  }
0x1f3: {  	[hbm4b:s5+s0] =	stream.strided.scatter [tilespmem:s26], [sflag:$0x2], $0x4000, s29, s0, $0x38;
	[tilespmem:$0x14400] =	vst v63  }
0x1f4: {  	_ =	swait.ge [sflag:s7], $0x4000  }
0x1f5: {  	[sflag:s7] =	ssyncset.done $0x0  }
0x1f6: {  	[sflag:s7] =	ssyncadd.s32 $0xFFFFC000  }
0x1f7: {  	_ =	sfence.sel $0x180000  }
0x1f8: {  	[bflag:$0x0] =	sbarrier.arrive $0xFFFF  }
0x1f9: {  	_ =	strace $0x90000047  }
0x1fa: {  	s0 =	stileid.u32;
	[bflag:$0x2] =	sbarrier.arrive $0xFFFF  }
0x1fb: {  	p0 =	sne.s32 s0, $0x0;
	s0 =	rddreg [dreg:$0x5]  }
0x1fc: {  	s0 =	sadd.s32 @!p0 $0x100000, s0  }
0x1fd: {  	[sflag:s0] =	ssyncadd.tile.s32 @!p0 $0x1;
	_ =	shalt  }
.Lfunc_end2:
_tile_overlayer_lowered:
.L_overlay_start_2:
0x1fe: {  	(tag) =	ssettag $0x2  }
0x1ff: {  	s0 =	rddreg [dreg:$0x0];
	s2 =	stileid.u32  }
0x200: {  	s1 =	rddreg [dreg:$0x1];
	p0 =	sne.s32 s2, $0x0  }
0x201: {  	s3 =	rddreg [dreg:$0x2];
	[bflag:$0x3] =	sbarrier.arrive $0xFFFF;
	s2 =	simm.s32 @!p0 $0x1C02  }
0x202: {  	[timem:s3], [sflag:s2] =	dma.local @!p0 [hbm:s0], s1  }
0x203: {  	s0 =	simm.s32 @!p0 $0x2  }
0x204: {  	_ =	swait.ge @!p0 [sflag:s0], s1  }
0x205: {  	s1 =	ssub.s32 @!p0 $0x0, s1;
	[sflag:s0] =	ssyncset.done @!p0 $0x0  }
0x206: {  	[sflag:s0] =	ssyncadd.s32 @!p0 s1  }
0x207: {  	[bflag:$0x3] =	sbarrier.arrive $0xFFFF  }
0x208: {  	_ =	shalt  }

</sc_bundles>
